<compile_context>
chip_gen: v7x
topology: tpu7x:2x2x1
jax: 0.10.2.dev20260603
libtpu: 0.0.44.dev20260713+nightly
codegen_flags: <defaults>
</compile_context>

<pallas_src>
import jax
import jax.numpy as jnp
from jax import lax
from jax.experimental import pallas as pl
from jax.experimental.pallas import tpu as pltpu
from jax.experimental.pallas import tpu_sc as plsc

TOTAL_IN = 2099200
DISC = 1024
NROWS = 2048
NCOLS = 2048
LANES = 16
NWORKERS = 32
ROWS_PER_W = NROWS // NWORKERS
G = 8
NG = ROWS_PER_W // G
NBLK = 16
WIN = 16368
WIN_TIERS = (4208, 8304, 12400, 16368)


def _tri(x):
    return (x * (x + 1)) >> 1


def _sc_body(src_hbm, disc_hbm, multi_hbm, in_buf, out_buf,
             in_sem0, in_sem1, out_sem0, out_sem1, disc_sem):
    in_sems = (in_sem0, in_sem1)
    out_sems = (out_sem0, out_sem1)
    c = lax.axis_index("c")
    s = lax.axis_index("s")
    wid = c * 16 + s
    iota = lax.iota(jnp.int32, LANES)
    neg_inf = jnp.full((LANES,), -jnp.inf, dtype=jnp.float32)

    def disc_dma():
        return pltpu.make_async_copy(
            src_hbm.at[pl.ds(0, DISC)], disc_hbm.at[0], disc_sem)

    @pl.when(wid == 0)
    def _():
        disc_dma().start()

    def gbase(g):
        rg = (wid + NWORKERS * g) * G
        startg = DISC + _tri(rg)
        a = jnp.minimum((startg >> 3) << 3, TOTAL_IN - WIN)
        a = pl.multiple_of(a, 8)
        return rg, a

    def in_dma(g, b, win):
        _, a = gbase(g)
        return pltpu.make_async_copy(
            src_hbm.at[pl.ds(a, win)],
            in_buf.at[pl.ds(b * WIN, win)], in_sems[b])

    def out_dma(g, b):
        rg, _ = gbase(g)
        return pltpu.make_async_copy(
            out_buf.at[b], multi_hbm.at[pl.ds(rg, G)], out_sems[b])

    def wait_out(g, b):
        out_dma(g, b).wait()

    def start_in(g, b):
        tier = g >> 1
        for i, w in enumerate(WIN_TIERS):
            @pl.when(tier == i)
            def _(g=g, b=b, w=w):
                in_dma(g, b, w).start()

    def wait_in(g, b):
        tier = g >> 1
        for i, w in enumerate(WIN_TIERS):
            @pl.when(tier == i)
            def _(g=g, b=b, w=w):
                in_dma(g, b, w).wait()

    start_in(0, 0)

    @pl.loop(0, NG // 2)
    def _(gg):
        for b in range(2):
            g = gg * 2 + b

            @pl.when(g + 1 < NG)
            def _():
                start_in(g + 1, 1 - b)

            wait_in(g, b)

            @pl.when(g >= 2)
            def _():
                wait_out(g - 2, b)

            rg, a = gbase(g)
            ibase = b * WIN

            def assemble(t, rg=rg, a=a, ibase=ibase, b=b):
                r = rg + t
                off = ibase + DISC + _tri(r) - a
                nvalid = r + 1
                bblk = jnp.minimum((nvalid >> 4) >> 3, NBLK - 1)
                ob = out_buf.at[b, t]

                @plsc.parallel_loop(0, bblk, unroll=4)
                def _(blk, off=off, ob=ob):
                    for jj in range(8):
                        cw = (blk * 8 + jj) * LANES
                        ob[pl.ds(pl.multiple_of(cw, LANES), LANES)] = (
                            in_buf[pl.ds(off + cw, LANES)])

                for jj in range(8):
                    cw = (bblk * 8 + jj) * LANES
                    data = in_buf[pl.ds(off + cw, LANES)]
                    ob[pl.ds(pl.multiple_of(cw, LANES), LANES)] = jnp.where(
                        iota + cw < nvalid, data, neg_inf)

                @pl.when(gg == 0)
                def _():
                    @plsc.parallel_loop(bblk + 1, NBLK, unroll=2)
                    def _(blk, ob=ob):
                        for jj in range(8):
                            cw = (blk * 8 + jj) * LANES
                            ob[pl.ds(pl.multiple_of(cw, LANES),
                                     LANES)] = neg_inf

            pl.loop(0, G)(assemble)
            out_dma(g, b).start()

    wait_out(NG - 2, 0)
    wait_out(NG - 1, 1)

    @pl.when(wid == 0)
    def _():
        disc_dma().wait()


def kernel(logits):
    mesh = plsc.VectorSubcoreMesh(core_axis_name="c", subcore_axis_name="s")
    out_type = (
        jax.ShapeDtypeStruct((1, DISC), jnp.float32),
        jax.ShapeDtypeStruct((NROWS, NCOLS), jnp.float32),
    )
    f = pl.kernel(
        _sc_body,
        out_type=out_type,
        mesh=mesh,
        scratch_types=[
            pltpu.VMEM((2 * WIN,), jnp.float32),
            pltpu.VMEM((2, G, NCOLS), jnp.float32),
            pltpu.SemaphoreType.DMA,
            pltpu.SemaphoreType.DMA,
            pltpu.SemaphoreType.DMA,
            pltpu.SemaphoreType.DMA,
            pltpu.SemaphoreType.DMA,
        ],
    )
    disc, multi = f(logits)
    return {"disc": disc, "multi": multi}

# --- scband reference (transcript-rebuilt; emitter-appended) ---
"""Pipeline reference for scband-action-interpreter-85341000172294 (READ-ONLY COPY).

The authoritative reference and input builder live on the scoring server;
editing this copy changes nothing except your own understanding.
"""

import jax, jax.numpy as jnp
import numpy as np

# Static action tree (from __init__): {"disc": Discrete(1024) -> [1024], "multi": MultiDiscrete(nvec=1..2048)}
TREE = {"disc": [1024], "multi": list(range(1, 2049))}
SIZES = [int(sum(v)) for v in TREE.values()]  # [1024, 2098176]
TOTAL = int(sum(SIZES))  # 2099200 == out_features


def remap(nvec_list, logits):
    # Faithful translation of ActionInterpreter.remap
    nvec = np.array(nvec_list)
    y, x = (len(nvec), int(nvec.max()))
    grid = jnp.full((y, x), -jnp.inf, dtype=jnp.float32)
    rows = np.repeat(np.arange(y), nvec)
    cols = np.arange(int(nvec.sum())) - np.repeat(np.cumsum(nvec) - nvec, nvec)
    return grid.at[rows, cols].set(logits)


def setup_inputs(seed: int = 0) -> dict:
    key = jax.random.key(seed)
    logits = jax.random.normal(key, (TOTAL,), dtype=jnp.float32)
    return {"logits": logits}


def reference(logits):
    # interpret(): split flat logits per static tree leaf, remap each leaf
    # into a -inf padded [y, max(nvec)] grid via scatter-overwrite.
    assert logits.shape[0] == TOTAL and len(logits.shape) == 1
    split_points = [int(v) for v in np.cumsum(SIZES)[:-1]]
    pieces = jnp.split(logits, split_points)
    out = {}
    for (name, nvec), piece in zip(TREE.items(), pieces):
        out[name] = remap(nvec, piece)
    return out

if __name__ == "__main__":
    import jax
    _d = setup_inputs()
    print(jax.jit(kernel)(*tuple(_d.values())))

</pallas_src>

<mosaic_0001>
#map = affine_map<(d0, d1) -> (0)>
#map1 = affine_map<(d0, d1) -> (0, 0)>
module attributes {stable_mosaic.version = 14 : i64} {
  func.func @_sc_body(%arg0: i32, %arg1: i32, %arg2: memref<2099200xf32, #tpu.memory_space<hbm>>, %arg3: memref<1x1024xf32, #tpu.memory_space<hbm>>, %arg4: memref<2048x2048xf32, #tpu.memory_space<hbm>>, %arg5: memref<32736xf32, #tpu.memory_space<vmem>>, %arg6: memref<2x8x2048xf32, #tpu.memory_space<vmem>>, %arg7: memref<!tpu.dma_semaphore, #tpu.memory_space<semaphore_mem>>, %arg8: memref<!tpu.dma_semaphore, #tpu.memory_space<semaphore_mem>>, %arg9: memref<!tpu.dma_semaphore, #tpu.memory_space<semaphore_mem>>, %arg10: memref<!tpu.dma_semaphore, #tpu.memory_space<semaphore_mem>>, %arg11: memref<!tpu.dma_semaphore, #tpu.memory_space<semaphore_mem>>) attributes {dimension_semantics = [#tpu.dimension_semantics<core_parallel>, #tpu.dimension_semantics<subcore_parallel>], iteration_bounds = array<i64: 2, 16>, scalar_prefetch = 0 : i64, scratch_operands = 7 : i64, tpu.core_type = #tpu.core_type<sc_vector_subcore>, window_params = [{transform_indices = #map}, {transform_indices = #map1}, {transform_indices = #map1}]} {
    %mul3A = arith.constant 16 : i32
    %mul3A_0 = arith.muli %arg0, %mul3A : i32
    %add3A = arith.addi %mul3A_0, %arg1 : i32
    %iota3A = tpu.iota {dimensions = array<i32: 0>} : vector<16xi32>
    %broadcast_in_dim3A = arith.constant 0xFF800000 : f32
    %broadcast_in_dim3A_1 = vector.broadcast %broadcast_in_dim3A : f32 to vector<16xf32>
    %eq3A = arith.constant 0 : i32
    %eq3A_2 = arith.cmpi eq, %add3A, %eq3A : i32
    %convert_element_type3A = arith.extui %eq3A_2 : i1 to i32
    %cond3A = arith.constant 0 : i32
    %cond3A_3 = arith.cmpi ne, %convert_element_type3A, %cond3A : i32
    scf.if %cond3A_3 {
      %dma_start3A_93 = arith.constant 0 : i32
      %dma_start3A_94 = arith.constant 0 : i32
      %dma_start3A_95 = tpu.memref_slice %arg3[%dma_start3A_93, %dma_start3A_94] : memref<1x1024xf32, #tpu.memory_space<hbm>> -> memref<1x1024xf32, #tpu.memory_space<hbm>>
      %dma_start3A_96 = tpu.memref_squeeze %dma_start3A_95 : memref<1x1024xf32, #tpu.memory_space<hbm>> -> memref<1024xf32, #tpu.memory_space<hbm>>
      %dma_start3A_97 = arith.constant 0 : i32
      %dma_start3A_98 = tpu.memref_slice %arg2[%dma_start3A_97] : memref<2099200xf32, #tpu.memory_space<hbm>> -> memref<1024xf32, #tpu.memory_space<hbm>>
      tpu.enqueue_dma source(%dma_start3A_98 : memref<1024xf32, #tpu.memory_space<hbm>>) target(%dma_start3A_96 : memref<1024xf32, #tpu.memory_space<hbm>>) target_semaphore(%arg11 : memref<!tpu.dma_semaphore, #tpu.memory_space<semaphore_mem>>)
    } else {
    }
    %add3A_4 = arith.constant 0 : i32
    %add3A_5 = arith.addi %add3A, %add3A_4 : i32
    %mul3A_6 = arith.constant 8 : i32
    %mul3A_7 = arith.muli %add3A_5, %mul3A_6 : i32
    %add3A_8 = arith.constant 1 : i32
    %add3A_9 = arith.addi %mul3A_7, %add3A_8 : i32
    %mul3A_10 = arith.muli %mul3A_7, %add3A_9 : i32
    %shift_right_arithmetic3A = arith.constant 1 : i32
    %shift_right_arithmetic3A_11 = arith.shrsi %mul3A_10, %shift_right_arithmetic3A : i32
    %add3A_12 = arith.constant 1024 : i32
    %add3A_13 = arith.addi %add3A_12, %shift_right_arithmetic3A_11 : i32
    %shift_right_arithmetic3A_14 = arith.constant 3 : i32
    %shift_right_arithmetic3A_15 = arith.shrsi %add3A_13, %shift_right_arithmetic3A_14 : i32
    %shift_left3A = arith.constant 3 : i32
    %shift_left3A_16 = arith.shli %shift_right_arithmetic3A_15, %shift_left3A : i32
    %min3A = arith.constant 2082832 : i32
    %min3A_17 = arith.minsi %shift_left3A_16, %min3A : i32
    %multiple_of3A = tpu.assume_multiple %min3A_17, 8 : i32
    %dma_start3A = arith.constant 0 : i32
    %dma_start3A_18 = tpu.memref_slice %arg5[%dma_start3A] : memref<32736xf32, #tpu.memory_space<vmem>> -> memref<4208xf32, #tpu.memory_space<vmem>>
    %dma_start3A_19 = tpu.memref_slice %arg2[%multiple_of3A] : memref<2099200xf32, #tpu.memory_space<hbm>> -> memref<4208xf32, #tpu.memory_space<hbm>>
    %dma_start3A_20 = arith.constant 0 : i32
    %dma_start3A_21 = tpu.memref_slice %arg5[%dma_start3A_20] : memref<32736xf32, #tpu.memory_space<vmem>> -> memref<4208xf32, #tpu.memory_space<vmem>>
    %dma_start3A_22 = tpu.memref_slice %arg2[%multiple_of3A] : memref<2099200xf32, #tpu.memory_space<hbm>> -> memref<4208xf32, #tpu.memory_space<hbm>>
    tpu.enqueue_dma source(%dma_start3A_22 : memref<4208xf32, #tpu.memory_space<hbm>>) target(%dma_start3A_21 : memref<4208xf32, #tpu.memory_space<vmem>>) target_semaphore(%arg7 : memref<!tpu.dma_semaphore, #tpu.memory_space<semaphore_mem>>)
    %scan3A = arith.constant 0 : i32
    %scan3A_23 = arith.constant 4 : i32
    %scan3A_24 = arith.addi %scan3A, %scan3A_23 : i32
    %scan3A_25 = arith.constant 1 : i32
    scf.for %scan3A_93 = %scan3A to %scan3A_24 step %scan3A_25  : i32 {
      %mul3A_94 = arith.constant 1 : i32
      %mul3A_95 = arith.muli %scan3A_93, %mul3A_94 : i32
      %add3A_96 = arith.constant 0 : i32
      %add3A_97 = arith.addi %add3A_96, %mul3A_95 : i32
      %mul3A_98 = arith.constant 2 : i32
      %mul3A_99 = arith.muli %add3A_97, %mul3A_98 : i32
      %add3A_100 = arith.constant 0 : i32
      %add3A_101 = arith.addi %mul3A_99, %add3A_100 : i32
      %add3A_102 = arith.constant 1 : i32
      %add3A_103 = arith.addi %add3A_101, %add3A_102 : i32
      %lt3A = arith.constant 8 : i32
      %lt3A_104 = arith.cmpi slt, %add3A_103, %lt3A : i32
      %convert_element_type3A_105 = arith.extui %lt3A_104 : i1 to i32
      %cond3A_106 = arith.constant 0 : i32
      %cond3A_107 = arith.cmpi ne, %convert_element_type3A_105, %cond3A_106 : i32
      scf.if %cond3A_107 {
        %add3A_284 = arith.constant 1 : i32
        %add3A_285 = arith.addi %add3A_101, %add3A_284 : i32
        %shift_right_arithmetic3A_286 = arith.constant 1 : i32
        %shift_right_arithmetic3A_287 = arith.shrsi %add3A_285, %shift_right_arithmetic3A_286 : i32
        %eq3A_288 = arith.constant 0 : i32
        %eq3A_289 = arith.cmpi eq, %shift_right_arithmetic3A_287, %eq3A_288 : i32
        %convert_element_type3A_290 = arith.extui %eq3A_289 : i1 to i32
        %cond3A_291 = arith.constant 0 : i32
        %cond3A_292 = arith.cmpi ne, %convert_element_type3A_290, %cond3A_291 : i32
        scf.if %cond3A_292 {
          %mul3A_308 = arith.constant 32 : i32
          %mul3A_309 = arith.muli %mul3A_308, %add3A_285 : i32
          %add3A_310 = arith.addi %add3A, %mul3A_309 : i32
          %mul3A_311 = arith.constant 8 : i32
          %mul3A_312 = arith.muli %add3A_310, %mul3A_311 : i32
          %add3A_313 = arith.constant 1 : i32
          %add3A_314 = arith.addi %mul3A_312, %add3A_313 : i32
          %mul3A_315 = arith.muli %mul3A_312, %add3A_314 : i32
          %shift_right_arithmetic3A_316 = arith.constant 1 : i32
          %shift_right_arithmetic3A_317 = arith.shrsi %mul3A_315, %shift_right_arithmetic3A_316 : i32
          %add3A_318 = arith.constant 1024 : i32
          %add3A_319 = arith.addi %add3A_318, %shift_right_arithmetic3A_317 : i32
          %shift_right_arithmetic3A_320 = arith.constant 3 : i32
          %shift_right_arithmetic3A_321 = arith.shrsi %add3A_319, %shift_right_arithmetic3A_320 : i32
          %shift_left3A_322 = arith.constant 3 : i32
          %shift_left3A_323 = arith.shli %shift_right_arithmetic3A_321, %shift_left3A_322 : i32
          %min3A_324 = arith.constant 2082832 : i32
          %min3A_325 = arith.minsi %shift_left3A_323, %min3A_324 : i32
          %multiple_of3A_326 = tpu.assume_multiple %min3A_325, 8 : i32
          %dma_start3A_327 = arith.constant 16368 : i32
          %dma_start3A_328 = tpu.memref_slice %arg5[%dma_start3A_327] : memref<32736xf32, #tpu.memory_space<vmem>> -> memref<4208xf32, #tpu.memory_space<vmem>>
          %dma_start3A_329 = tpu.memref_slice %arg2[%multiple_of3A_326] : memref<2099200xf32, #tpu.memory_space<hbm>> -> memref<4208xf32, #tpu.memory_space<hbm>>
          %dma_start3A_330 = arith.constant 16368 : i32
          %dma_start3A_331 = tpu.memref_slice %arg5[%dma_start3A_330] : memref<32736xf32, #tpu.memory_space<vmem>> -> memref<4208xf32, #tpu.memory_space<vmem>>
          %dma_start3A_332 = tpu.memref_slice %arg2[%multiple_of3A_326] : memref<2099200xf32, #tpu.memory_space<hbm>> -> memref<4208xf32, #tpu.memory_space<hbm>>
          tpu.enqueue_dma source(%dma_start3A_332 : memref<4208xf32, #tpu.memory_space<hbm>>) target(%dma_start3A_331 : memref<4208xf32, #tpu.memory_space<vmem>>) target_semaphore(%arg8 : memref<!tpu.dma_semaphore, #tpu.memory_space<semaphore_mem>>)
        } else {
        }
        %eq3A_293 = arith.constant 1 : i32
        %eq3A_294 = arith.cmpi eq, %shift_right_arithmetic3A_287, %eq3A_293 : i32
        %convert_element_type3A_295 = arith.extui %eq3A_294 : i1 to i32
        %cond3A_296 = arith.constant 0 : i32
        %cond3A_297 = arith.cmpi ne, %convert_element_type3A_295, %cond3A_296 : i32
        scf.if %cond3A_297 {
          %mul3A_308 = arith.constant 32 : i32
          %mul3A_309 = arith.muli %mul3A_308, %add3A_285 : i32
          %add3A_310 = arith.addi %add3A, %mul3A_309 : i32
          %mul3A_311 = arith.constant 8 : i32
          %mul3A_312 = arith.muli %add3A_310, %mul3A_311 : i32
          %add3A_313 = arith.constant 1 : i32
          %add3A_314 = arith.addi %mul3A_312, %add3A_313 : i32
          %mul3A_315 = arith.muli %mul3A_312, %add3A_314 : i32
          %shift_right_arithmetic3A_316 = arith.constant 1 : i32
          %shift_right_arithmetic3A_317 = arith.shrsi %mul3A_315, %shift_right_arithmetic3A_316 : i32
          %add3A_318 = arith.constant 1024 : i32
          %add3A_319 = arith.addi %add3A_318, %shift_right_arithmetic3A_317 : i32
          %shift_right_arithmetic3A_320 = arith.constant 3 : i32
          %shift_right_arithmetic3A_321 = arith.shrsi %add3A_319, %shift_right_arithmetic3A_320 : i32
          %shift_left3A_322 = arith.constant 3 : i32
          %shift_left3A_323 = arith.shli %shift_right_arithmetic3A_321, %shift_left3A_322 : i32
          %min3A_324 = arith.constant 2082832 : i32
          %min3A_325 = arith.minsi %shift_left3A_323, %min3A_324 : i32
          %multiple_of3A_326 = tpu.assume_multiple %min3A_325, 8 : i32
          %dma_start3A_327 = arith.constant 16368 : i32
          %dma_start3A_328 = tpu.memref_slice %arg5[%dma_start3A_327] : memref<32736xf32, #tpu.memory_space<vmem>> -> memref<8304xf32, #tpu.memory_space<vmem>>
          %dma_start3A_329 = tpu.memref_slice %arg2[%multiple_of3A_326] : memref<2099200xf32, #tpu.memory_space<hbm>> -> memref<8304xf32, #tpu.memory_space<hbm>>
          %dma_start3A_330 = arith.constant 16368 : i32
          %dma_start3A_331 = tpu.memref_slice %arg5[%dma_start3A_330] : memref<32736xf32, #tpu.memory_space<vmem>> -> memref<8304xf32, #tpu.memory_space<vmem>>
          %dma_start3A_332 = tpu.memref_slice %arg2[%multiple_of3A_326] : memref<2099200xf32, #tpu.memory_space<hbm>> -> memref<8304xf32, #tpu.memory_space<hbm>>
          tpu.enqueue_dma source(%dma_start3A_332 : memref<8304xf32, #tpu.memory_space<hbm>>) target(%dma_start3A_331 : memref<8304xf32, #tpu.memory_space<vmem>>) target_semaphore(%arg8 : memref<!tpu.dma_semaphore, #tpu.memory_space<semaphore_mem>>)
        } else {
        }
        %eq3A_298 = arith.constant 2 : i32
        %eq3A_299 = arith.cmpi eq, %shift_right_arithmetic3A_287, %eq3A_298 : i32
        %convert_element_type3A_300 = arith.extui %eq3A_299 : i1 to i32
        %cond3A_301 = arith.constant 0 : i32
        %cond3A_302 = arith.cmpi ne, %convert_element_type3A_300, %cond3A_301 : i32
        scf.if %cond3A_302 {
          %mul3A_308 = arith.constant 32 : i32
          %mul3A_309 = arith.muli %mul3A_308, %add3A_285 : i32
          %add3A_310 = arith.addi %add3A, %mul3A_309 : i32
          %mul3A_311 = arith.constant 8 : i32
          %mul3A_312 = arith.muli %add3A_310, %mul3A_311 : i32
          %add3A_313 = arith.constant 1 : i32
          %add3A_314 = arith.addi %mul3A_312, %add3A_313 : i32
          %mul3A_315 = arith.muli %mul3A_312, %add3A_314 : i32
          %shift_right_arithmetic3A_316 = arith.constant 1 : i32
          %shift_right_arithmetic3A_317 = arith.shrsi %mul3A_315, %shift_right_arithmetic3A_316 : i32
          %add3A_318 = arith.constant 1024 : i32
          %add3A_319 = arith.addi %add3A_318, %shift_right_arithmetic3A_317 : i32
          %shift_right_arithmetic3A_320 = arith.constant 3 : i32
          %shift_right_arithmetic3A_321 = arith.shrsi %add3A_319, %shift_right_arithmetic3A_320 : i32
          %shift_left3A_322 = arith.constant 3 : i32
          %shift_left3A_323 = arith.shli %shift_right_arithmetic3A_321, %shift_left3A_322 : i32
          %min3A_324 = arith.constant 2082832 : i32
          %min3A_325 = arith.minsi %shift_left3A_323, %min3A_324 : i32
          %multiple_of3A_326 = tpu.assume_multiple %min3A_325, 8 : i32
          %dma_start3A_327 = arith.constant 16368 : i32
          %dma_start3A_328 = tpu.memref_slice %arg5[%dma_start3A_327] : memref<32736xf32, #tpu.memory_space<vmem>> -> memref<12400xf32, #tpu.memory_space<vmem>>
          %dma_start3A_329 = tpu.memref_slice %arg2[%multiple_of3A_326] : memref<2099200xf32, #tpu.memory_space<hbm>> -> memref<12400xf32, #tpu.memory_space<hbm>>
          %dma_start3A_330 = arith.constant 16368 : i32
          %dma_start3A_331 = tpu.memref_slice %arg5[%dma_start3A_330] : memref<32736xf32, #tpu.memory_space<vmem>> -> memref<12400xf32, #tpu.memory_space<vmem>>
          %dma_start3A_332 = tpu.memref_slice %arg2[%multiple_of3A_326] : memref<2099200xf32, #tpu.memory_space<hbm>> -> memref<12400xf32, #tpu.memory_space<hbm>>
          tpu.enqueue_dma source(%dma_start3A_332 : memref<12400xf32, #tpu.memory_space<hbm>>) target(%dma_start3A_331 : memref<12400xf32, #tpu.memory_space<vmem>>) target_semaphore(%arg8 : memref<!tpu.dma_semaphore, #tpu.memory_space<semaphore_mem>>)
        } else {
        }
        %eq3A_303 = arith.constant 3 : i32
        %eq3A_304 = arith.cmpi eq, %shift_right_arithmetic3A_287, %eq3A_303 : i32
        %convert_element_type3A_305 = arith.extui %eq3A_304 : i1 to i32
        %cond3A_306 = arith.constant 0 : i32
        %cond3A_307 = arith.cmpi ne, %convert_element_type3A_305, %cond3A_306 : i32
        scf.if %cond3A_307 {
          %mul3A_308 = arith.constant 32 : i32
          %mul3A_309 = arith.muli %mul3A_308, %add3A_285 : i32
          %add3A_310 = arith.addi %add3A, %mul3A_309 : i32
          %mul3A_311 = arith.constant 8 : i32
          %mul3A_312 = arith.muli %add3A_310, %mul3A_311 : i32
          %add3A_313 = arith.constant 1 : i32
          %add3A_314 = arith.addi %mul3A_312, %add3A_313 : i32
          %mul3A_315 = arith.muli %mul3A_312, %add3A_314 : i32
          %shift_right_arithmetic3A_316 = arith.constant 1 : i32
          %shift_right_arithmetic3A_317 = arith.shrsi %mul3A_315, %shift_right_arithmetic3A_316 : i32
          %add3A_318 = arith.constant 1024 : i32
          %add3A_319 = arith.addi %add3A_318, %shift_right_arithmetic3A_317 : i32
          %shift_right_arithmetic3A_320 = arith.constant 3 : i32
          %shift_right_arithmetic3A_321 = arith.shrsi %add3A_319, %shift_right_arithmetic3A_320 : i32
          %shift_left3A_322 = arith.constant 3 : i32
          %shift_left3A_323 = arith.shli %shift_right_arithmetic3A_321, %shift_left3A_322 : i32
          %min3A_324 = arith.constant 2082832 : i32
          %min3A_325 = arith.minsi %shift_left3A_323, %min3A_324 : i32
          %multiple_of3A_326 = tpu.assume_multiple %min3A_325, 8 : i32
          %dma_start3A_327 = arith.constant 16368 : i32
          %dma_start3A_328 = tpu.memref_slice %arg5[%dma_start3A_327] : memref<32736xf32, #tpu.memory_space<vmem>> -> memref<16368xf32, #tpu.memory_space<vmem>>
          %dma_start3A_329 = tpu.memref_slice %arg2[%multiple_of3A_326] : memref<2099200xf32, #tpu.memory_space<hbm>> -> memref<16368xf32, #tpu.memory_space<hbm>>
          %dma_start3A_330 = arith.constant 16368 : i32
          %dma_start3A_331 = tpu.memref_slice %arg5[%dma_start3A_330] : memref<32736xf32, #tpu.memory_space<vmem>> -> memref<16368xf32, #tpu.memory_space<vmem>>
          %dma_start3A_332 = tpu.memref_slice %arg2[%multiple_of3A_326] : memref<2099200xf32, #tpu.memory_space<hbm>> -> memref<16368xf32, #tpu.memory_space<hbm>>
          tpu.enqueue_dma source(%dma_start3A_332 : memref<16368xf32, #tpu.memory_space<hbm>>) target(%dma_start3A_331 : memref<16368xf32, #tpu.memory_space<vmem>>) target_semaphore(%arg8 : memref<!tpu.dma_semaphore, #tpu.memory_space<semaphore_mem>>)
        } else {
        }
      } else {
      }
      %shift_right_arithmetic3A_108 = arith.constant 1 : i32
      %shift_right_arithmetic3A_109 = arith.shrsi %add3A_101, %shift_right_arithmetic3A_108 : i32
      %eq3A_110 = arith.constant 0 : i32
      %eq3A_111 = arith.cmpi eq, %shift_right_arithmetic3A_109, %eq3A_110 : i32
      %convert_element_type3A_112 = arith.extui %eq3A_111 : i1 to i32
      %cond3A_113 = arith.constant 0 : i32
      %cond3A_114 = arith.cmpi ne, %convert_element_type3A_112, %cond3A_113 : i32
      scf.if %cond3A_114 {
        %mul3A_284 = arith.constant 32 : i32
        %mul3A_285 = arith.muli %mul3A_284, %add3A_101 : i32
        %add3A_286 = arith.addi %add3A, %mul3A_285 : i32
        %mul3A_287 = arith.constant 8 : i32
        %mul3A_288 = arith.muli %add3A_286, %mul3A_287 : i32
        %add3A_289 = arith.constant 1 : i32
        %add3A_290 = arith.addi %mul3A_288, %add3A_289 : i32
        %mul3A_291 = arith.muli %mul3A_288, %add3A_290 : i32
        %shift_right_arithmetic3A_292 = arith.constant 1 : i32
        %shift_right_arithmetic3A_293 = arith.shrsi %mul3A_291, %shift_right_arithmetic3A_292 : i32
        %add3A_294 = arith.constant 1024 : i32
        %add3A_295 = arith.addi %add3A_294, %shift_right_arithmetic3A_293 : i32
        %shift_right_arithmetic3A_296 = arith.constant 3 : i32
        %shift_right_arithmetic3A_297 = arith.shrsi %add3A_295, %shift_right_arithmetic3A_296 : i32
        %shift_left3A_298 = arith.constant 3 : i32
        %shift_left3A_299 = arith.shli %shift_right_arithmetic3A_297, %shift_left3A_298 : i32
        %min3A_300 = arith.constant 2082832 : i32
        %min3A_301 = arith.minsi %shift_left3A_299, %min3A_300 : i32
        %multiple_of3A_302 = tpu.assume_multiple %min3A_301, 8 : i32
        %dma_wait3A_303 = arith.constant 0 : i32
        %dma_wait3A_304 = tpu.memref_slice %arg5[%dma_wait3A_303] : memref<32736xf32, #tpu.memory_space<vmem>> -> memref<4208xf32, #tpu.memory_space<vmem>>
        %dma_wait3A_305 = tpu.memref_slice %arg2[%multiple_of3A_302] : memref<2099200xf32, #tpu.memory_space<hbm>> -> memref<4208xf32, #tpu.memory_space<hbm>>
        %dma_wait3A_306 = arith.constant 0 : i32
        %dma_wait3A_307 = tpu.memref_slice %arg5[%dma_wait3A_306] : memref<32736xf32, #tpu.memory_space<vmem>> -> memref<4208xf32, #tpu.memory_space<vmem>>
        %dma_wait3A_308 = tpu.memref_slice %arg2[%multiple_of3A_302] : memref<2099200xf32, #tpu.memory_space<hbm>> -> memref<4208xf32, #tpu.memory_space<hbm>>
        tpu.wait_dma2 semaphore(%arg7 : memref<!tpu.dma_semaphore, #tpu.memory_space<semaphore_mem>>) src(%dma_wait3A_308 : memref<4208xf32, #tpu.memory_space<hbm>>) dst(%dma_wait3A_307 : memref<4208xf32, #tpu.memory_space<vmem>>)
      } else {
      }
      %eq3A_115 = arith.constant 1 : i32
      %eq3A_116 = arith.cmpi eq, %shift_right_arithmetic3A_109, %eq3A_115 : i32
      %convert_element_type3A_117 = arith.extui %eq3A_116 : i1 to i32
      %cond3A_118 = arith.constant 0 : i32
      %cond3A_119 = arith.cmpi ne, %convert_element_type3A_117, %cond3A_118 : i32
      scf.if %cond3A_119 {
        %mul3A_284 = arith.constant 32 : i32
        %mul3A_285 = arith.muli %mul3A_284, %add3A_101 : i32
        %add3A_286 = arith.addi %add3A, %mul3A_285 : i32
        %mul3A_287 = arith.constant 8 : i32
        %mul3A_288 = arith.muli %add3A_286, %mul3A_287 : i32
        %add3A_289 = arith.constant 1 : i32
        %add3A_290 = arith.addi %mul3A_288, %add3A_289 : i32
        %mul3A_291 = arith.muli %mul3A_288, %add3A_290 : i32
        %shift_right_arithmetic3A_292 = arith.constant 1 : i32
        %shift_right_arithmetic3A_293 = arith.shrsi %mul3A_291, %shift_right_arithmetic3A_292 : i32
        %add3A_294 = arith.constant 1024 : i32
        %add3A_295 = arith.addi %add3A_294, %shift_right_arithmetic3A_293 : i32
        %shift_right_arithmetic3A_296 = arith.constant 3 : i32
        %shift_right_arithmetic3A_297 = arith.shrsi %add3A_295, %shift_right_arithmetic3A_296 : i32
        %shift_left3A_298 = arith.constant 3 : i32
        %shift_left3A_299 = arith.shli %shift_right_arithmetic3A_297, %shift_left3A_298 : i32
        %min3A_300 = arith.constant 2082832 : i32
        %min3A_301 = arith.minsi %shift_left3A_299, %min3A_300 : i32
        %multiple_of3A_302 = tpu.assume_multiple %min3A_301, 8 : i32
        %dma_wait3A_303 = arith.constant 0 : i32
        %dma_wait3A_304 = tpu.memref_slice %arg5[%dma_wait3A_303] : memref<32736xf32, #tpu.memory_space<vmem>> -> memref<8304xf32, #tpu.memory_space<vmem>>
        %dma_wait3A_305 = tpu.memref_slice %arg2[%multiple_of3A_302] : memref<2099200xf32, #tpu.memory_space<hbm>> -> memref<8304xf32, #tpu.memory_space<hbm>>
        %dma_wait3A_306 = arith.constant 0 : i32
        %dma_wait3A_307 = tpu.memref_slice %arg5[%dma_wait3A_306] : memref<32736xf32, #tpu.memory_space<vmem>> -> memref<8304xf32, #tpu.memory_space<vmem>>
        %dma_wait3A_308 = tpu.memref_slice %arg2[%multiple_of3A_302] : memref<2099200xf32, #tpu.memory_space<hbm>> -> memref<8304xf32, #tpu.memory_space<hbm>>
        tpu.wait_dma2 semaphore(%arg7 : memref<!tpu.dma_semaphore, #tpu.memory_space<semaphore_mem>>) src(%dma_wait3A_308 : memref<8304xf32, #tpu.memory_space<hbm>>) dst(%dma_wait3A_307 : memref<8304xf32, #tpu.memory_space<vmem>>)
      } else {
      }
      %eq3A_120 = arith.constant 2 : i32
      %eq3A_121 = arith.cmpi eq, %shift_right_arithmetic3A_109, %eq3A_120 : i32
      %convert_element_type3A_122 = arith.extui %eq3A_121 : i1 to i32
      %cond3A_123 = arith.constant 0 : i32
      %cond3A_124 = arith.cmpi ne, %convert_element_type3A_122, %cond3A_123 : i32
      scf.if %cond3A_124 {
        %mul3A_284 = arith.constant 32 : i32
        %mul3A_285 = arith.muli %mul3A_284, %add3A_101 : i32
        %add3A_286 = arith.addi %add3A, %mul3A_285 : i32
        %mul3A_287 = arith.constant 8 : i32
        %mul3A_288 = arith.muli %add3A_286, %mul3A_287 : i32
        %add3A_289 = arith.constant 1 : i32
        %add3A_290 = arith.addi %mul3A_288, %add3A_289 : i32
        %mul3A_291 = arith.muli %mul3A_288, %add3A_290 : i32
        %shift_right_arithmetic3A_292 = arith.constant 1 : i32
        %shift_right_arithmetic3A_293 = arith.shrsi %mul3A_291, %shift_right_arithmetic3A_292 : i32
        %add3A_294 = arith.constant 1024 : i32
        %add3A_295 = arith.addi %add3A_294, %shift_right_arithmetic3A_293 : i32
        %shift_right_arithmetic3A_296 = arith.constant 3 : i32
        %shift_right_arithmetic3A_297 = arith.shrsi %add3A_295, %shift_right_arithmetic3A_296 : i32
        %shift_left3A_298 = arith.constant 3 : i32
        %shift_left3A_299 = arith.shli %shift_right_arithmetic3A_297, %shift_left3A_298 : i32
        %min3A_300 = arith.constant 2082832 : i32
        %min3A_301 = arith.minsi %shift_left3A_299, %min3A_300 : i32
        %multiple_of3A_302 = tpu.assume_multiple %min3A_301, 8 : i32
        %dma_wait3A_303 = arith.constant 0 : i32
        %dma_wait3A_304 = tpu.memref_slice %arg5[%dma_wait3A_303] : memref<32736xf32, #tpu.memory_space<vmem>> -> memref<12400xf32, #tpu.memory_space<vmem>>
        %dma_wait3A_305 = tpu.memref_slice %arg2[%multiple_of3A_302] : memref<2099200xf32, #tpu.memory_space<hbm>> -> memref<12400xf32, #tpu.memory_space<hbm>>
        %dma_wait3A_306 = arith.constant 0 : i32
        %dma_wait3A_307 = tpu.memref_slice %arg5[%dma_wait3A_306] : memref<32736xf32, #tpu.memory_space<vmem>> -> memref<12400xf32, #tpu.memory_space<vmem>>
        %dma_wait3A_308 = tpu.memref_slice %arg2[%multiple_of3A_302] : memref<2099200xf32, #tpu.memory_space<hbm>> -> memref<12400xf32, #tpu.memory_space<hbm>>
        tpu.wait_dma2 semaphore(%arg7 : memref<!tpu.dma_semaphore, #tpu.memory_space<semaphore_mem>>) src(%dma_wait3A_308 : memref<12400xf32, #tpu.memory_space<hbm>>) dst(%dma_wait3A_307 : memref<12400xf32, #tpu.memory_space<vmem>>)
      } else {
      }
      %eq3A_125 = arith.constant 3 : i32
      %eq3A_126 = arith.cmpi eq, %shift_right_arithmetic3A_109, %eq3A_125 : i32
      %convert_element_type3A_127 = arith.extui %eq3A_126 : i1 to i32
      %cond3A_128 = arith.constant 0 : i32
      %cond3A_129 = arith.cmpi ne, %convert_element_type3A_127, %cond3A_128 : i32
      scf.if %cond3A_129 {
        %mul3A_284 = arith.constant 32 : i32
        %mul3A_285 = arith.muli %mul3A_284, %add3A_101 : i32
        %add3A_286 = arith.addi %add3A, %mul3A_285 : i32
        %mul3A_287 = arith.constant 8 : i32
        %mul3A_288 = arith.muli %add3A_286, %mul3A_287 : i32
        %add3A_289 = arith.constant 1 : i32
        %add3A_290 = arith.addi %mul3A_288, %add3A_289 : i32
        %mul3A_291 = arith.muli %mul3A_288, %add3A_290 : i32
        %shift_right_arithmetic3A_292 = arith.constant 1 : i32
        %shift_right_arithmetic3A_293 = arith.shrsi %mul3A_291, %shift_right_arithmetic3A_292 : i32
        %add3A_294 = arith.constant 1024 : i32
        %add3A_295 = arith.addi %add3A_294, %shift_right_arithmetic3A_293 : i32
        %shift_right_arithmetic3A_296 = arith.constant 3 : i32
        %shift_right_arithmetic3A_297 = arith.shrsi %add3A_295, %shift_right_arithmetic3A_296 : i32
        %shift_left3A_298 = arith.constant 3 : i32
        %shift_left3A_299 = arith.shli %shift_right_arithmetic3A_297, %shift_left3A_298 : i32
        %min3A_300 = arith.constant 2082832 : i32
        %min3A_301 = arith.minsi %shift_left3A_299, %min3A_300 : i32
        %multiple_of3A_302 = tpu.assume_multiple %min3A_301, 8 : i32
        %dma_wait3A_303 = arith.constant 0 : i32
        %dma_wait3A_304 = tpu.memref_slice %arg5[%dma_wait3A_303] : memref<32736xf32, #tpu.memory_space<vmem>> -> memref<16368xf32, #tpu.memory_space<vmem>>
        %dma_wait3A_305 = tpu.memref_slice %arg2[%multiple_of3A_302] : memref<2099200xf32, #tpu.memory_space<hbm>> -> memref<16368xf32, #tpu.memory_space<hbm>>
        %dma_wait3A_306 = arith.constant 0 : i32
        %dma_wait3A_307 = tpu.memref_slice %arg5[%dma_wait3A_306] : memref<32736xf32, #tpu.memory_space<vmem>> -> memref<16368xf32, #tpu.memory_space<vmem>>
        %dma_wait3A_308 = tpu.memref_slice %arg2[%multiple_of3A_302] : memref<2099200xf32, #tpu.memory_space<hbm>> -> memref<16368xf32, #tpu.memory_space<hbm>>
        tpu.wait_dma2 semaphore(%arg7 : memref<!tpu.dma_semaphore, #tpu.memory_space<semaphore_mem>>) src(%dma_wait3A_308 : memref<16368xf32, #tpu.memory_space<hbm>>) dst(%dma_wait3A_307 : memref<16368xf32, #tpu.memory_space<vmem>>)
      } else {
      }
      %ge3A = arith.constant 2 : i32
      %ge3A_130 = arith.cmpi sge, %add3A_101, %ge3A : i32
      %convert_element_type3A_131 = arith.extui %ge3A_130 : i1 to i32
      %cond3A_132 = arith.constant 0 : i32
      %cond3A_133 = arith.cmpi ne, %convert_element_type3A_131, %cond3A_132 : i32
      scf.if %cond3A_133 {
        %sub3A = arith.constant 2 : i32
        %sub3A_284 = arith.subi %add3A_101, %sub3A : i32
        %mul3A_285 = arith.constant 32 : i32
        %mul3A_286 = arith.muli %mul3A_285, %sub3A_284 : i32
        %add3A_287 = arith.addi %add3A, %mul3A_286 : i32
        %mul3A_288 = arith.constant 8 : i32
        %mul3A_289 = arith.muli %add3A_287, %mul3A_288 : i32
        %add3A_290 = arith.constant 1 : i32
        %add3A_291 = arith.addi %mul3A_289, %add3A_290 : i32
        %mul3A_292 = arith.muli %mul3A_289, %add3A_291 : i32
        %shift_right_arithmetic3A_293 = arith.constant 1 : i32
        %shift_right_arithmetic3A_294 = arith.shrsi %mul3A_292, %shift_right_arithmetic3A_293 : i32
        %add3A_295 = arith.constant 1024 : i32
        %add3A_296 = arith.addi %add3A_295, %shift_right_arithmetic3A_294 : i32
        %shift_right_arithmetic3A_297 = arith.constant 3 : i32
        %shift_right_arithmetic3A_298 = arith.shrsi %add3A_296, %shift_right_arithmetic3A_297 : i32
        %shift_left3A_299 = arith.constant 3 : i32
        %shift_left3A_300 = arith.shli %shift_right_arithmetic3A_298, %shift_left3A_299 : i32
        %min3A_301 = arith.constant 2082832 : i32
        %min3A_302 = arith.minsi %shift_left3A_300, %min3A_301 : i32
        %multiple_of3A_303 = tpu.assume_multiple %min3A_302, 8 : i32
        %dma_wait3A_304 = arith.constant 0 : i32
        %dma_wait3A_305 = arith.constant 0 : i32
        %dma_wait3A_306 = arith.constant 0 : i32
        %dma_wait3A_307 = tpu.memref_slice %arg6[%dma_wait3A_304, %dma_wait3A_305, %dma_wait3A_306] : memref<2x8x2048xf32, #tpu.memory_space<vmem>> -> memref<1x8x2048xf32, #tpu.memory_space<vmem>>
        %dma_wait3A_308 = tpu.memref_squeeze %dma_wait3A_307 : memref<1x8x2048xf32, #tpu.memory_space<vmem>> -> memref<8x2048xf32, #tpu.memory_space<vmem>>
        %dma_wait3A_309 = arith.constant 0 : i32
        %dma_wait3A_310 = tpu.memref_slice %arg4[%mul3A_289, %dma_wait3A_309] : memref<2048x2048xf32, #tpu.memory_space<hbm>> -> memref<8x2048xf32, #tpu.memory_space<hbm>>
        %dma_wait3A_311 = arith.constant 0 : i32
        %dma_wait3A_312 = tpu.memref_slice %arg4[%mul3A_289, %dma_wait3A_311] : memref<2048x2048xf32, #tpu.memory_space<hbm>> -> memref<8x2048xf32, #tpu.memory_space<hbm>>
        %dma_wait3A_313 = arith.constant 0 : i32
        %dma_wait3A_314 = arith.constant 0 : i32
        %dma_wait3A_315 = tpu.memref_slice %arg6[%dma_wait3A_304, %dma_wait3A_313, %dma_wait3A_314] : memref<2x8x2048xf32, #tpu.memory_space<vmem>> -> memref<1x8x2048xf32, #tpu.memory_space<vmem>>
        %dma_wait3A_316 = tpu.memref_squeeze %dma_wait3A_315 : memref<1x8x2048xf32, #tpu.memory_space<vmem>> -> memref<8x2048xf32, #tpu.memory_space<vmem>>
        tpu.wait_dma2 semaphore(%arg9 : memref<!tpu.dma_semaphore, #tpu.memory_space<semaphore_mem>>) src(%dma_wait3A_316 : memref<8x2048xf32, #tpu.memory_space<vmem>>) dst(%dma_wait3A_312 : memref<8x2048xf32, #tpu.memory_space<hbm>>)
      } else {
      }
      %mul3A_134 = arith.constant 32 : i32
      %mul3A_135 = arith.muli %mul3A_134, %add3A_101 : i32
      %add3A_136 = arith.addi %add3A, %mul3A_135 : i32
      %mul3A_137 = arith.constant 8 : i32
      %mul3A_138 = arith.muli %add3A_136, %mul3A_137 : i32
      %add3A_139 = arith.constant 1 : i32
      %add3A_140 = arith.addi %mul3A_138, %add3A_139 : i32
      %mul3A_141 = arith.muli %mul3A_138, %add3A_140 : i32
      %shift_right_arithmetic3A_142 = arith.constant 1 : i32
      %shift_right_arithmetic3A_143 = arith.shrsi %mul3A_141, %shift_right_arithmetic3A_142 : i32
      %add3A_144 = arith.constant 1024 : i32
      %add3A_145 = arith.addi %add3A_144, %shift_right_arithmetic3A_143 : i32
      %shift_right_arithmetic3A_146 = arith.constant 3 : i32
      %shift_right_arithmetic3A_147 = arith.shrsi %add3A_145, %shift_right_arithmetic3A_146 : i32
      %shift_left3A_148 = arith.constant 3 : i32
      %shift_left3A_149 = arith.shli %shift_right_arithmetic3A_147, %shift_left3A_148 : i32
      %min3A_150 = arith.constant 2082832 : i32
      %min3A_151 = arith.minsi %shift_left3A_149, %min3A_150 : i32
      %multiple_of3A_152 = tpu.assume_multiple %min3A_151, 8 : i32
      %scan3A_153 = arith.constant 0 : i32
      %scan3A_154 = arith.constant 8 : i32
      %scan3A_155 = arith.addi %scan3A_153, %scan3A_154 : i32
      %scan3A_156 = arith.constant 1 : i32
      scf.for %scan3A_284 = %scan3A_153 to %scan3A_155 step %scan3A_156  : i32 {
        %mul3A_285 = arith.constant 1 : i32
        %mul3A_286 = arith.muli %scan3A_284, %mul3A_285 : i32
        %add3A_287 = arith.constant 0 : i32
        %add3A_288 = arith.addi %add3A_287, %mul3A_286 : i32
        %add3A_289 = arith.addi %mul3A_138, %add3A_288 : i32
        %add3A_290 = arith.constant 1 : i32
        %add3A_291 = arith.addi %add3A_289, %add3A_290 : i32
        %mul3A_292 = arith.muli %add3A_289, %add3A_291 : i32
        %shift_right_arithmetic3A_293 = arith.constant 1 : i32
        %shift_right_arithmetic3A_294 = arith.shrsi %mul3A_292, %shift_right_arithmetic3A_293 : i32
        %add3A_295 = arith.constant 1024 : i32
        %add3A_296 = arith.addi %add3A_295, %shift_right_arithmetic3A_294 : i32
        %sub3A = arith.subi %add3A_296, %multiple_of3A_152 : i32
        %add3A_297 = arith.constant 1 : i32
        %add3A_298 = arith.addi %add3A_289, %add3A_297 : i32
        %shift_right_arithmetic3A_299 = arith.constant 4 : i32
        %shift_right_arithmetic3A_300 = arith.shrsi %add3A_298, %shift_right_arithmetic3A_299 : i32
        %shift_right_arithmetic3A_301 = arith.constant 3 : i32
        %shift_right_arithmetic3A_302 = arith.shrsi %shift_right_arithmetic3A_300, %shift_right_arithmetic3A_301 : i32
        %min3A_303 = arith.constant 15 : i32
        %min3A_304 = arith.minsi %shift_right_arithmetic3A_302, %min3A_303 : i32
        %parallel_loop3A = arith.constant 0 : i32
        %parallel_loop3A_305 = arith.constant 1 : i32
        %parallel_loop3A_306 = arith.constant 0 : i32
        scf.for %parallel_loop3A_502 = %parallel_loop3A to %min3A_304 step %parallel_loop3A_305  : i32 {
          %parallel_loop3A_503 = arith.constant 8 : i32
          %parallel_loop3A_504 = arith.muli %parallel_loop3A_502, %parallel_loop3A_503 : i32
          %parallel_loop3A_505 = arith.constant 0 : i32
          %parallel_loop3A_506 = arith.addi %parallel_loop3A_504, %parallel_loop3A_505 : i32
          %parallel_loop3A_507 = arith.constant 16 : i32
          %parallel_loop3A_508 = arith.muli %parallel_loop3A_506, %parallel_loop3A_507 : i32
          %parallel_loop3A_509 = arith.addi %sub3A, %parallel_loop3A_508 : i32
          %parallel_loop3A_510 = arith.index_cast %parallel_loop3A_509 : i32 to index
          %parallel_loop3A_511 = tpu.vector_load %arg5[%parallel_loop3A_510] {strides = array<i32>} : memref<32736xf32, #tpu.memory_space<vmem>>, vector<16xf32>,
          %parallel_loop3A_512 = vector.shape_cast %parallel_loop3A_511 : vector<16xf32> to vector<16xf32>
          %parallel_loop3A_513 = tpu.assume_multiple %parallel_loop3A_508, 16 : i32
          %parallel_loop3A_514 = arith.constant 0 : i32
          %parallel_loop3A_515 = tpu.memref_slice %arg6[%parallel_loop3A_306, %add3A_288, %parallel_loop3A_514] : memref<2x8x2048xf32, #tpu.memory_space<vmem>> -> memref<1x1x2048xf32, #tpu.memory_space<vmem>>
          %parallel_loop3A_516 = tpu.memref_squeeze %parallel_loop3A_515 : memref<1x1x2048xf32, #tpu.memory_space<vmem>> -> memref<2048xf32, #tpu.memory_space<vmem>>
          %parallel_loop3A_517 = arith.index_cast %parallel_loop3A_513 : i32 to index
          %parallel_loop3A_518 = tpu.vector_load %parallel_loop3A_516[%parallel_loop3A_517] {strides = array<i32>} : memref<2048xf32, #tpu.memory_space<vmem>>, vector<16xf32>,
          %parallel_loop3A_519 = vector.shape_cast %parallel_loop3A_518 : vector<16xf32> to vector<16xf32>
          %parallel_loop3A_520 = vector.shape_cast %parallel_loop3A_512 : vector<16xf32> to vector<16xf32>
          tpu.vector_store %parallel_loop3A_516[%parallel_loop3A_517], %parallel_loop3A_520 {strides = array<i32>} : memref<2048xf32, #tpu.memory_space<vmem>>, vector<16xf32>,
          %parallel_loop3A_521 = arith.constant 8 : i32
          %parallel_loop3A_522 = arith.muli %parallel_loop3A_502, %parallel_loop3A_521 : i32
          %parallel_loop3A_523 = arith.constant 1 : i32
          %parallel_loop3A_524 = arith.addi %parallel_loop3A_522, %parallel_loop3A_523 : i32
          %parallel_loop3A_525 = arith.constant 16 : i32
          %parallel_loop3A_526 = arith.muli %parallel_loop3A_524, %parallel_loop3A_525 : i32
          %parallel_loop3A_527 = arith.addi %sub3A, %parallel_loop3A_526 : i32
          %parallel_loop3A_528 = arith.index_cast %parallel_loop3A_527 : i32 to index
          %parallel_loop3A_529 = tpu.vector_load %arg5[%parallel_loop3A_528] {strides = array<i32>} : memref<32736xf32, #tpu.memory_space<vmem>>, vector<16xf32>,
          %parallel_loop3A_530 = vector.shape_cast %parallel_loop3A_529 : vector<16xf32> to vector<16xf32>
          %parallel_loop3A_531 = tpu.assume_multiple %parallel_loop3A_526, 16 : i32
          %parallel_loop3A_532 = arith.constant 0 : i32
          %parallel_loop3A_533 = tpu.memref_slice %arg6[%parallel_loop3A_306, %add3A_288, %parallel_loop3A_532] : memref<2x8x2048xf32, #tpu.memory_space<vmem>> -> memref<1x1x2048xf32, #tpu.memory_space<vmem>>
          %parallel_loop3A_534 = tpu.memref_squeeze %parallel_loop3A_533 : memref<1x1x2048xf32, #tpu.memory_space<vmem>> -> memref<2048xf32, #tpu.memory_space<vmem>>
          %parallel_loop3A_535 = arith.index_cast %parallel_loop3A_531 : i32 to index
          %parallel_loop3A_536 = tpu.vector_load %parallel_loop3A_534[%parallel_loop3A_535] {strides = array<i32>} : memref<2048xf32, #tpu.memory_space<vmem>>, vector<16xf32>,
          %parallel_loop3A_537 = vector.shape_cast %parallel_loop3A_536 : vector<16xf32> to vector<16xf32>
          %parallel_loop3A_538 = vector.shape_cast %parallel_loop3A_530 : vector<16xf32> to vector<16xf32>
          tpu.vector_store %parallel_loop3A_534[%parallel_loop3A_535], %parallel_loop3A_538 {strides = array<i32>} : memref<2048xf32, #tpu.memory_space<vmem>>, vector<16xf32>,
          %parallel_loop3A_539 = arith.constant 8 : i32
          %parallel_loop3A_540 = arith.muli %parallel_loop3A_502, %parallel_loop3A_539 : i32
          %parallel_loop3A_541 = arith.constant 2 : i32
          %parallel_loop3A_542 = arith.addi %parallel_loop3A_540, %parallel_loop3A_541 : i32
          %parallel_loop3A_543 = arith.constant 16 : i32
          %parallel_loop3A_544 = arith.muli %parallel_loop3A_542, %parallel_loop3A_543 : i32
          %parallel_loop3A_545 = arith.addi %sub3A, %parallel_loop3A_544 : i32
          %parallel_loop3A_546 = arith.index_cast %parallel_loop3A_545 : i32 to index
          %parallel_loop3A_547 = tpu.vector_load %arg5[%parallel_loop3A_546] {strides = array<i32>} : memref<32736xf32, #tpu.memory_space<vmem>>, vector<16xf32>,
          %parallel_loop3A_548 = vector.shape_cast %parallel_loop3A_547 : vector<16xf32> to vector<16xf32>
          %parallel_loop3A_549 = tpu.assume_multiple %parallel_loop3A_544, 16 : i32
          %parallel_loop3A_550 = arith.constant 0 : i32
          %parallel_loop3A_551 = tpu.memref_slice %arg6[%parallel_loop3A_306, %add3A_288, %parallel_loop3A_550] : memref<2x8x2048xf32, #tpu.memory_space<vmem>> -> memref<1x1x2048xf32, #tpu.memory_space<vmem>>
          %parallel_loop3A_552 = tpu.memref_squeeze %parallel_loop3A_551 : memref<1x1x2048xf32, #tpu.memory_space<vmem>> -> memref<2048xf32, #tpu.memory_space<vmem>>
          %parallel_loop3A_553 = arith.index_cast %parallel_loop3A_549 : i32 to index
          %parallel_loop3A_554 = tpu.vector_load %parallel_loop3A_552[%parallel_loop3A_553] {strides = array<i32>} : memref<2048xf32, #tpu.memory_space<vmem>>, vector<16xf32>,
          %parallel_loop3A_555 = vector.shape_cast %parallel_loop3A_554 : vector<16xf32> to vector<16xf32>
          %parallel_loop3A_556 = vector.shape_cast %parallel_loop3A_548 : vector<16xf32> to vector<16xf32>
          tpu.vector_store %parallel_loop3A_552[%parallel_loop3A_553], %parallel_loop3A_556 {strides = array<i32>} : memref<2048xf32, #tpu.memory_space<vmem>>, vector<16xf32>,
          %parallel_loop3A_557 = arith.constant 8 : i32
          %parallel_loop3A_558 = arith.muli %parallel_loop3A_502, %parallel_loop3A_557 : i32
          %parallel_loop3A_559 = arith.constant 3 : i32
          %parallel_loop3A_560 = arith.addi %parallel_loop3A_558, %parallel_loop3A_559 : i32
          %parallel_loop3A_561 = arith.constant 16 : i32
          %parallel_loop3A_562 = arith.muli %parallel_loop3A_560, %parallel_loop3A_561 : i32
          %parallel_loop3A_563 = arith.addi %sub3A, %parallel_loop3A_562 : i32
          %parallel_loop3A_564 = arith.index_cast %parallel_loop3A_563 : i32 to index
          %parallel_loop3A_565 = tpu.vector_load %arg5[%parallel_loop3A_564] {strides = array<i32>} : memref<32736xf32, #tpu.memory_space<vmem>>, vector<16xf32>,
          %parallel_loop3A_566 = vector.shape_cast %parallel_loop3A_565 : vector<16xf32> to vector<16xf32>
          %parallel_loop3A_567 = tpu.assume_multiple %parallel_loop3A_562, 16 : i32
          %parallel_loop3A_568 = arith.constant 0 : i32
          %parallel_loop3A_569 = tpu.memref_slice %arg6[%parallel_loop3A_306, %add3A_288, %parallel_loop3A_568] : memref<2x8x2048xf32, #tpu.memory_space<vmem>> -> memref<1x1x2048xf32, #tpu.memory_space<vmem>>
          %parallel_loop3A_570 = tpu.memref_squeeze %parallel_loop3A_569 : memref<1x1x2048xf32, #tpu.memory_space<vmem>> -> memref<2048xf32, #tpu.memory_space<vmem>>
          %parallel_loop3A_571 = arith.index_cast %parallel_loop3A_567 : i32 to index
          %parallel_loop3A_572 = tpu.vector_load %parallel_loop3A_570[%parallel_loop3A_571] {strides = array<i32>} : memref<2048xf32, #tpu.memory_space<vmem>>, vector<16xf32>,
          %parallel_loop3A_573 = vector.shape_cast %parallel_loop3A_572 : vector<16xf32> to vector<16xf32>
          %parallel_loop3A_574 = vector.shape_cast %parallel_loop3A_566 : vector<16xf32> to vector<16xf32>
          tpu.vector_store %parallel_loop3A_570[%parallel_loop3A_571], %parallel_loop3A_574 {strides = array<i32>} : memref<2048xf32, #tpu.memory_space<vmem>>, vector<16xf32>,
          %parallel_loop3A_575 = arith.constant 8 : i32
          %parallel_loop3A_576 = arith.muli %parallel_loop3A_502, %parallel_loop3A_575 : i32
          %parallel_loop3A_577 = arith.constant 4 : i32
          %parallel_loop3A_578 = arith.addi %parallel_loop3A_576, %parallel_loop3A_577 : i32
          %parallel_loop3A_579 = arith.constant 16 : i32
          %parallel_loop3A_580 = arith.muli %parallel_loop3A_578, %parallel_loop3A_579 : i32
          %parallel_loop3A_581 = arith.addi %sub3A, %parallel_loop3A_580 : i32
          %parallel_loop3A_582 = arith.index_cast %parallel_loop3A_581 : i32 to index
          %parallel_loop3A_583 = tpu.vector_load %arg5[%parallel_loop3A_582] {strides = array<i32>} : memref<32736xf32, #tpu.memory_space<vmem>>, vector<16xf32>,
          %parallel_loop3A_584 = vector.shape_cast %parallel_loop3A_583 : vector<16xf32> to vector<16xf32>
          %parallel_loop3A_585 = tpu.assume_multiple %parallel_loop3A_580, 16 : i32
          %parallel_loop3A_586 = arith.constant 0 : i32
          %parallel_loop3A_587 = tpu.memref_slice %arg6[%parallel_loop3A_306, %add3A_288, %parallel_loop3A_586] : memref<2x8x2048xf32, #tpu.memory_space<vmem>> -> memref<1x1x2048xf32, #tpu.memory_space<vmem>>
          %parallel_loop3A_588 = tpu.memref_squeeze %parallel_loop3A_587 : memref<1x1x2048xf32, #tpu.memory_space<vmem>> -> memref<2048xf32, #tpu.memory_space<vmem>>
          %parallel_loop3A_589 = arith.index_cast %parallel_loop3A_585 : i32 to index
          %parallel_loop3A_590 = tpu.vector_load %parallel_loop3A_588[%parallel_loop3A_589] {strides = array<i32>} : memref<2048xf32, #tpu.memory_space<vmem>>, vector<16xf32>,
          %parallel_loop3A_591 = vector.shape_cast %parallel_loop3A_590 : vector<16xf32> to vector<16xf32>
          %parallel_loop3A_592 = vector.shape_cast %parallel_loop3A_584 : vector<16xf32> to vector<16xf32>
          tpu.vector_store %parallel_loop3A_588[%parallel_loop3A_589], %parallel_loop3A_592 {strides = array<i32>} : memref<2048xf32, #tpu.memory_space<vmem>>, vector<16xf32>,
          %parallel_loop3A_593 = arith.constant 8 : i32
          %parallel_loop3A_594 = arith.muli %parallel_loop3A_502, %parallel_loop3A_593 : i32
          %parallel_loop3A_595 = arith.constant 5 : i32
          %parallel_loop3A_596 = arith.addi %parallel_loop3A_594, %parallel_loop3A_595 : i32
          %parallel_loop3A_597 = arith.constant 16 : i32
          %parallel_loop3A_598 = arith.muli %parallel_loop3A_596, %parallel_loop3A_597 : i32
          %parallel_loop3A_599 = arith.addi %sub3A, %parallel_loop3A_598 : i32
          %parallel_loop3A_600 = arith.index_cast %parallel_loop3A_599 : i32 to index
          %parallel_loop3A_601 = tpu.vector_load %arg5[%parallel_loop3A_600] {strides = array<i32>} : memref<32736xf32, #tpu.memory_space<vmem>>, vector<16xf32>,
          %parallel_loop3A_602 = vector.shape_cast %parallel_loop3A_601 : vector<16xf32> to vector<16xf32>
          %parallel_loop3A_603 = tpu.assume_multiple %parallel_loop3A_598, 16 : i32
          %parallel_loop3A_604 = arith.constant 0 : i32
          %parallel_loop3A_605 = tpu.memref_slice %arg6[%parallel_loop3A_306, %add3A_288, %parallel_loop3A_604] : memref<2x8x2048xf32, #tpu.memory_space<vmem>> -> memref<1x1x2048xf32, #tpu.memory_space<vmem>>
          %parallel_loop3A_606 = tpu.memref_squeeze %parallel_loop3A_605 : memref<1x1x2048xf32, #tpu.memory_space<vmem>> -> memref<2048xf32, #tpu.memory_space<vmem>>
          %parallel_loop3A_607 = arith.index_cast %parallel_loop3A_603 : i32 to index
          %parallel_loop3A_608 = tpu.vector_load %parallel_loop3A_606[%parallel_loop3A_607] {strides = array<i32>} : memref<2048xf32, #tpu.memory_space<vmem>>, vector<16xf32>,
          %parallel_loop3A_609 = vector.shape_cast %parallel_loop3A_608 : vector<16xf32> to vector<16xf32>
          %parallel_loop3A_610 = vector.shape_cast %parallel_loop3A_602 : vector<16xf32> to vector<16xf32>
          tpu.vector_store %parallel_loop3A_606[%parallel_loop3A_607], %parallel_loop3A_610 {strides = array<i32>} : memref<2048xf32, #tpu.memory_space<vmem>>, vector<16xf32>,
          %parallel_loop3A_611 = arith.constant 8 : i32
          %parallel_loop3A_612 = arith.muli %parallel_loop3A_502, %parallel_loop3A_611 : i32
          %parallel_loop3A_613 = arith.constant 6 : i32
          %parallel_loop3A_614 = arith.addi %parallel_loop3A_612, %parallel_loop3A_613 : i32
          %parallel_loop3A_615 = arith.constant 16 : i32
          %parallel_loop3A_616 = arith.muli %parallel_loop3A_614, %parallel_loop3A_615 : i32
          %parallel_loop3A_617 = arith.addi %sub3A, %parallel_loop3A_616 : i32
          %parallel_loop3A_618 = arith.index_cast %parallel_loop3A_617 : i32 to index
          %parallel_loop3A_619 = tpu.vector_load %arg5[%parallel_loop3A_618] {strides = array<i32>} : memref<32736xf32, #tpu.memory_space<vmem>>, vector<16xf32>,
          %parallel_loop3A_620 = vector.shape_cast %parallel_loop3A_619 : vector<16xf32> to vector<16xf32>
          %parallel_loop3A_621 = tpu.assume_multiple %parallel_loop3A_616, 16 : i32
          %parallel_loop3A_622 = arith.constant 0 : i32
          %parallel_loop3A_623 = tpu.memref_slice %arg6[%parallel_loop3A_306, %add3A_288, %parallel_loop3A_622] : memref<2x8x2048xf32, #tpu.memory_space<vmem>> -> memref<1x1x2048xf32, #tpu.memory_space<vmem>>
          %parallel_loop3A_624 = tpu.memref_squeeze %parallel_loop3A_623 : memref<1x1x2048xf32, #tpu.memory_space<vmem>> -> memref<2048xf32, #tpu.memory_space<vmem>>
          %parallel_loop3A_625 = arith.index_cast %parallel_loop3A_621 : i32 to index
          %parallel_loop3A_626 = tpu.vector_load %parallel_loop3A_624[%parallel_loop3A_625] {strides = array<i32>} : memref<2048xf32, #tpu.memory_space<vmem>>, vector<16xf32>,
          %parallel_loop3A_627 = vector.shape_cast %parallel_loop3A_626 : vector<16xf32> to vector<16xf32>
          %parallel_loop3A_628 = vector.shape_cast %parallel_loop3A_620 : vector<16xf32> to vector<16xf32>
          tpu.vector_store %parallel_loop3A_624[%parallel_loop3A_625], %parallel_loop3A_628 {strides = array<i32>} : memref<2048xf32, #tpu.memory_space<vmem>>, vector<16xf32>,
          %parallel_loop3A_629 = arith.constant 8 : i32
          %parallel_loop3A_630 = arith.muli %parallel_loop3A_502, %parallel_loop3A_629 : i32
          %parallel_loop3A_631 = arith.constant 7 : i32
          %parallel_loop3A_632 = arith.addi %parallel_loop3A_630, %parallel_loop3A_631 : i32
          %parallel_loop3A_633 = arith.constant 16 : i32
          %parallel_loop3A_634 = arith.muli %parallel_loop3A_632, %parallel_loop3A_633 : i32
          %parallel_loop3A_635 = arith.addi %sub3A, %parallel_loop3A_634 : i32
          %parallel_loop3A_636 = arith.index_cast %parallel_loop3A_635 : i32 to index
          %parallel_loop3A_637 = tpu.vector_load %arg5[%parallel_loop3A_636] {strides = array<i32>} : memref<32736xf32, #tpu.memory_space<vmem>>, vector<16xf32>,
          %parallel_loop3A_638 = vector.shape_cast %parallel_loop3A_637 : vector<16xf32> to vector<16xf32>
          %parallel_loop3A_639 = tpu.assume_multiple %parallel_loop3A_634, 16 : i32
          %parallel_loop3A_640 = arith.constant 0 : i32
          %parallel_loop3A_641 = tpu.memref_slice %arg6[%parallel_loop3A_306, %add3A_288, %parallel_loop3A_640] : memref<2x8x2048xf32, #tpu.memory_space<vmem>> -> memref<1x1x2048xf32, #tpu.memory_space<vmem>>
          %parallel_loop3A_642 = tpu.memref_squeeze %parallel_loop3A_641 : memref<1x1x2048xf32, #tpu.memory_space<vmem>> -> memref<2048xf32, #tpu.memory_space<vmem>>
          %parallel_loop3A_643 = arith.index_cast %parallel_loop3A_639 : i32 to index
          %parallel_loop3A_644 = tpu.vector_load %parallel_loop3A_642[%parallel_loop3A_643] {strides = array<i32>} : memref<2048xf32, #tpu.memory_space<vmem>>, vector<16xf32>,
          %parallel_loop3A_645 = vector.shape_cast %parallel_loop3A_644 : vector<16xf32> to vector<16xf32>
          %parallel_loop3A_646 = vector.shape_cast %parallel_loop3A_638 : vector<16xf32> to vector<16xf32>
          tpu.vector_store %parallel_loop3A_642[%parallel_loop3A_643], %parallel_loop3A_646 {strides = array<i32>} : memref<2048xf32, #tpu.memory_space<vmem>>, vector<16xf32>,
        } {sc.loop_unroll_factor = 4 : i64, sc.parallel_access}
        %mul3A_307 = arith.constant 8 : i32
        %mul3A_308 = arith.muli %min3A_304, %mul3A_307 : i32
        %add3A_309 = arith.constant 0 : i32
        %add3A_310 = arith.addi %mul3A_308, %add3A_309 : i32
        %mul3A_311 = arith.constant 16 : i32
        %mul3A_312 = arith.muli %add3A_310, %mul3A_311 : i32
        %add3A_313 = arith.addi %sub3A, %mul3A_312 : i32
        %get3A = arith.index_cast %add3A_313 : i32 to index
        %get3A_314 = tpu.vector_load %arg5[%get3A] {strides = array<i32>} : memref<32736xf32, #tpu.memory_space<vmem>>, vector<16xf32>,
        %get3A_315 = vector.shape_cast %get3A_314 : vector<16xf32> to vector<16xf32>
        %add3A_316 = vector.broadcast %mul3A_312 : i32 to vector<16xi32>
        %add3A_317 = arith.addi %iota3A, %add3A_316 : vector<16xi32>
        %lt3A_318 = vector.broadcast %add3A_298 : i32 to vector<16xi32>
        %lt3A_319 = arith.cmpi slt, %add3A_317, %lt3A_318 : vector<16xi32>
        %select_n3A = arith.select %lt3A_319, %get3A_315, %broadcast_in_dim3A_1 : vector<16xi1>, vector<16xf32>
        %multiple_of3A_320 = tpu.assume_multiple %mul3A_312, 16 : i32
        %swap3A = arith.constant 0 : i32
        %swap3A_321 = arith.constant 0 : i32
        %swap3A_322 = tpu.memref_slice %arg6[%swap3A, %add3A_288, %swap3A_321] : memref<2x8x2048xf32, #tpu.memory_space<vmem>> -> memref<1x1x2048xf32, #tpu.memory_space<vmem>>
        %swap3A_323 = tpu.memref_squeeze %swap3A_322 : memref<1x1x2048xf32, #tpu.memory_space<vmem>> -> memref<2048xf32, #tpu.memory_space<vmem>>
        %swap3A_324 = arith.index_cast %multiple_of3A_320 : i32 to index
        %swap3A_325 = tpu.vector_load %swap3A_323[%swap3A_324] {strides = array<i32>} : memref<2048xf32, #tpu.memory_space<vmem>>, vector<16xf32>,
        %swap3A_326 = vector.shape_cast %swap3A_325 : vector<16xf32> to vector<16xf32>
        %swap3A_327 = vector.shape_cast %select_n3A : vector<16xf32> to vector<16xf32>
        tpu.vector_store %swap3A_323[%swap3A_324], %swap3A_327 {strides = array<i32>} : memref<2048xf32, #tpu.memory_space<vmem>>, vector<16xf32>,
        %mul3A_328 = arith.constant 8 : i32
        %mul3A_329 = arith.muli %min3A_304, %mul3A_328 : i32
        %add3A_330 = arith.constant 1 : i32
        %add3A_331 = arith.addi %mul3A_329, %add3A_330 : i32
        %mul3A_332 = arith.constant 16 : i32
        %mul3A_333 = arith.muli %add3A_331, %mul3A_332 : i32
        %add3A_334 = arith.addi %sub3A, %mul3A_333 : i32
        %get3A_335 = arith.index_cast %add3A_334 : i32 to index
        %get3A_336 = tpu.vector_load %arg5[%get3A_335] {strides = array<i32>} : memref<32736xf32, #tpu.memory_space<vmem>>, vector<16xf32>,
        %get3A_337 = vector.shape_cast %get3A_336 : vector<16xf32> to vector<16xf32>
        %add3A_338 = vector.broadcast %mul3A_333 : i32 to vector<16xi32>
        %add3A_339 = arith.addi %iota3A, %add3A_338 : vector<16xi32>
        %lt3A_340 = vector.broadcast %add3A_298 : i32 to vector<16xi32>
        %lt3A_341 = arith.cmpi slt, %add3A_339, %lt3A_340 : vector<16xi32>
        %select_n3A_342 = arith.select %lt3A_341, %get3A_337, %broadcast_in_dim3A_1 : vector<16xi1>, vector<16xf32>
        %multiple_of3A_343 = tpu.assume_multiple %mul3A_333, 16 : i32
        %swap3A_344 = arith.constant 0 : i32
        %swap3A_345 = arith.constant 0 : i32
        %swap3A_346 = tpu.memref_slice %arg6[%swap3A_344, %add3A_288, %swap3A_345] : memref<2x8x2048xf32, #tpu.memory_space<vmem>> -> memref<1x1x2048xf32, #tpu.memory_space<vmem>>
        %swap3A_347 = tpu.memref_squeeze %swap3A_346 : memref<1x1x2048xf32, #tpu.memory_space<vmem>> -> memref<2048xf32, #tpu.memory_space<vmem>>
        %swap3A_348 = arith.index_cast %multiple_of3A_343 : i32 to index
        %swap3A_349 = tpu.vector_load %swap3A_347[%swap3A_348] {strides = array<i32>} : memref<2048xf32, #tpu.memory_space<vmem>>, vector<16xf32>,
        %swap3A_350 = vector.shape_cast %swap3A_349 : vector<16xf32> to vector<16xf32>
        %swap3A_351 = vector.shape_cast %select_n3A_342 : vector<16xf32> to vector<16xf32>
        tpu.vector_store %swap3A_347[%swap3A_348], %swap3A_351 {strides = array<i32>} : memref<2048xf32, #tpu.memory_space<vmem>>, vector<16xf32>,
        %mul3A_352 = arith.constant 8 : i32
        %mul3A_353 = arith.muli %min3A_304, %mul3A_352 : i32
        %add3A_354 = arith.constant 2 : i32
        %add3A_355 = arith.addi %mul3A_353, %add3A_354 : i32
        %mul3A_356 = arith.constant 16 : i32
        %mul3A_357 = arith.muli %add3A_355, %mul3A_356 : i32
        %add3A_358 = arith.addi %sub3A, %mul3A_357 : i32
        %get3A_359 = arith.index_cast %add3A_358 : i32 to index
        %get3A_360 = tpu.vector_load %arg5[%get3A_359] {strides = array<i32>} : memref<32736xf32, #tpu.memory_space<vmem>>, vector<16xf32>,
        %get3A_361 = vector.shape_cast %get3A_360 : vector<16xf32> to vector<16xf32>
        %add3A_362 = vector.broadcast %mul3A_357 : i32 to vector<16xi32>
        %add3A_363 = arith.addi %iota3A, %add3A_362 : vector<16xi32>
        %lt3A_364 = vector.broadcast %add3A_298 : i32 to vector<16xi32>
        %lt3A_365 = arith.cmpi slt, %add3A_363, %lt3A_364 : vector<16xi32>
        %select_n3A_366 = arith.select %lt3A_365, %get3A_361, %broadcast_in_dim3A_1 : vector<16xi1>, vector<16xf32>
        %multiple_of3A_367 = tpu.assume_multiple %mul3A_357, 16 : i32
        %swap3A_368 = arith.constant 0 : i32
        %swap3A_369 = arith.constant 0 : i32
        %swap3A_370 = tpu.memref_slice %arg6[%swap3A_368, %add3A_288, %swap3A_369] : memref<2x8x2048xf32, #tpu.memory_space<vmem>> -> memref<1x1x2048xf32, #tpu.memory_space<vmem>>
        %swap3A_371 = tpu.memref_squeeze %swap3A_370 : memref<1x1x2048xf32, #tpu.memory_space<vmem>> -> memref<2048xf32, #tpu.memory_space<vmem>>
        %swap3A_372 = arith.index_cast %multiple_of3A_367 : i32 to index
        %swap3A_373 = tpu.vector_load %swap3A_371[%swap3A_372] {strides = array<i32>} : memref<2048xf32, #tpu.memory_space<vmem>>, vector<16xf32>,
        %swap3A_374 = vector.shape_cast %swap3A_373 : vector<16xf32> to vector<16xf32>
        %swap3A_375 = vector.shape_cast %select_n3A_366 : vector<16xf32> to vector<16xf32>
        tpu.vector_store %swap3A_371[%swap3A_372], %swap3A_375 {strides = array<i32>} : memref<2048xf32, #tpu.memory_space<vmem>>, vector<16xf32>,
        %mul3A_376 = arith.constant 8 : i32
        %mul3A_377 = arith.muli %min3A_304, %mul3A_376 : i32
        %add3A_378 = arith.constant 3 : i32
        %add3A_379 = arith.addi %mul3A_377, %add3A_378 : i32
        %mul3A_380 = arith.constant 16 : i32
        %mul3A_381 = arith.muli %add3A_379, %mul3A_380 : i32
        %add3A_382 = arith.addi %sub3A, %mul3A_381 : i32
        %get3A_383 = arith.index_cast %add3A_382 : i32 to index
        %get3A_384 = tpu.vector_load %arg5[%get3A_383] {strides = array<i32>} : memref<32736xf32, #tpu.memory_space<vmem>>, vector<16xf32>,
        %get3A_385 = vector.shape_cast %get3A_384 : vector<16xf32> to vector<16xf32>
        %add3A_386 = vector.broadcast %mul3A_381 : i32 to vector<16xi32>
        %add3A_387 = arith.addi %iota3A, %add3A_386 : vector<16xi32>
        %lt3A_388 = vector.broadcast %add3A_298 : i32 to vector<16xi32>
        %lt3A_389 = arith.cmpi slt, %add3A_387, %lt3A_388 : vector<16xi32>
        %select_n3A_390 = arith.select %lt3A_389, %get3A_385, %broadcast_in_dim3A_1 : vector<16xi1>, vector<16xf32>
        %multiple_of3A_391 = tpu.assume_multiple %mul3A_381, 16 : i32
        %swap3A_392 = arith.constant 0 : i32
        %swap3A_393 = arith.constant 0 : i32
        %swap3A_394 = tpu.memref_slice %arg6[%swap3A_392, %add3A_288, %swap3A_393] : memref<2x8x2048xf32, #tpu.memory_space<vmem>> -> memref<1x1x2048xf32, #tpu.memory_space<vmem>>
        %swap3A_395 = tpu.memref_squeeze %swap3A_394 : memref<1x1x2048xf32, #tpu.memory_space<vmem>> -> memref<2048xf32, #tpu.memory_space<vmem>>
        %swap3A_396 = arith.index_cast %multiple_of3A_391 : i32 to index
        %swap3A_397 = tpu.vector_load %swap3A_395[%swap3A_396] {strides = array<i32>} : memref<2048xf32, #tpu.memory_space<vmem>>, vector<16xf32>,
        %swap3A_398 = vector.shape_cast %swap3A_397 : vector<16xf32> to vector<16xf32>
        %swap3A_399 = vector.shape_cast %select_n3A_390 : vector<16xf32> to vector<16xf32>
        tpu.vector_store %swap3A_395[%swap3A_396], %swap3A_399 {strides = array<i32>} : memref<2048xf32, #tpu.memory_space<vmem>>, vector<16xf32>,
        %mul3A_400 = arith.constant 8 : i32
        %mul3A_401 = arith.muli %min3A_304, %mul3A_400 : i32
        %add3A_402 = arith.constant 4 : i32
        %add3A_403 = arith.addi %mul3A_401, %add3A_402 : i32
        %mul3A_404 = arith.constant 16 : i32
        %mul3A_405 = arith.muli %add3A_403, %mul3A_404 : i32
        %add3A_406 = arith.addi %sub3A, %mul3A_405 : i32
        %get3A_407 = arith.index_cast %add3A_406 : i32 to index
        %get3A_408 = tpu.vector_load %arg5[%get3A_407] {strides = array<i32>} : memref<32736xf32, #tpu.memory_space<vmem>>, vector<16xf32>,
        %get3A_409 = vector.shape_cast %get3A_408 : vector<16xf32> to vector<16xf32>
        %add3A_410 = vector.broadcast %mul3A_405 : i32 to vector<16xi32>
        %add3A_411 = arith.addi %iota3A, %add3A_410 : vector<16xi32>
        %lt3A_412 = vector.broadcast %add3A_298 : i32 to vector<16xi32>
        %lt3A_413 = arith.cmpi slt, %add3A_411, %lt3A_412 : vector<16xi32>
        %select_n3A_414 = arith.select %lt3A_413, %get3A_409, %broadcast_in_dim3A_1 : vector<16xi1>, vector<16xf32>
        %multiple_of3A_415 = tpu.assume_multiple %mul3A_405, 16 : i32
        %swap3A_416 = arith.constant 0 : i32
        %swap3A_417 = arith.constant 0 : i32
        %swap3A_418 = tpu.memref_slice %arg6[%swap3A_416, %add3A_288, %swap3A_417] : memref<2x8x2048xf32, #tpu.memory_space<vmem>> -> memref<1x1x2048xf32, #tpu.memory_space<vmem>>
        %swap3A_419 = tpu.memref_squeeze %swap3A_418 : memref<1x1x2048xf32, #tpu.memory_space<vmem>> -> memref<2048xf32, #tpu.memory_space<vmem>>
        %swap3A_420 = arith.index_cast %multiple_of3A_415 : i32 to index
        %swap3A_421 = tpu.vector_load %swap3A_419[%swap3A_420] {strides = array<i32>} : memref<2048xf32, #tpu.memory_space<vmem>>, vector<16xf32>,
        %swap3A_422 = vector.shape_cast %swap3A_421 : vector<16xf32> to vector<16xf32>
        %swap3A_423 = vector.shape_cast %select_n3A_414 : vector<16xf32> to vector<16xf32>
        tpu.vector_store %swap3A_419[%swap3A_420], %swap3A_423 {strides = array<i32>} : memref<2048xf32, #tpu.memory_space<vmem>>, vector<16xf32>,
        %mul3A_424 = arith.constant 8 : i32
        %mul3A_425 = arith.muli %min3A_304, %mul3A_424 : i32
        %add3A_426 = arith.constant 5 : i32
        %add3A_427 = arith.addi %mul3A_425, %add3A_426 : i32
        %mul3A_428 = arith.constant 16 : i32
        %mul3A_429 = arith.muli %add3A_427, %mul3A_428 : i32
        %add3A_430 = arith.addi %sub3A, %mul3A_429 : i32
        %get3A_431 = arith.index_cast %add3A_430 : i32 to index
        %get3A_432 = tpu.vector_load %arg5[%get3A_431] {strides = array<i32>} : memref<32736xf32, #tpu.memory_space<vmem>>, vector<16xf32>,
        %get3A_433 = vector.shape_cast %get3A_432 : vector<16xf32> to vector<16xf32>
        %add3A_434 = vector.broadcast %mul3A_429 : i32 to vector<16xi32>
        %add3A_435 = arith.addi %iota3A, %add3A_434 : vector<16xi32>
        %lt3A_436 = vector.broadcast %add3A_298 : i32 to vector<16xi32>
        %lt3A_437 = arith.cmpi slt, %add3A_435, %lt3A_436 : vector<16xi32>
        %select_n3A_438 = arith.select %lt3A_437, %get3A_433, %broadcast_in_dim3A_1 : vector<16xi1>, vector<16xf32>
        %multiple_of3A_439 = tpu.assume_multiple %mul3A_429, 16 : i32
        %swap3A_440 = arith.constant 0 : i32
        %swap3A_441 = arith.constant 0 : i32
        %swap3A_442 = tpu.memref_slice %arg6[%swap3A_440, %add3A_288, %swap3A_441] : memref<2x8x2048xf32, #tpu.memory_space<vmem>> -> memref<1x1x2048xf32, #tpu.memory_space<vmem>>
        %swap3A_443 = tpu.memref_squeeze %swap3A_442 : memref<1x1x2048xf32, #tpu.memory_space<vmem>> -> memref<2048xf32, #tpu.memory_space<vmem>>
        %swap3A_444 = arith.index_cast %multiple_of3A_439 : i32 to index
        %swap3A_445 = tpu.vector_load %swap3A_443[%swap3A_444] {strides = array<i32>} : memref<2048xf32, #tpu.memory_space<vmem>>, vector<16xf32>,
        %swap3A_446 = vector.shape_cast %swap3A_445 : vector<16xf32> to vector<16xf32>
        %swap3A_447 = vector.shape_cast %select_n3A_438 : vector<16xf32> to vector<16xf32>
        tpu.vector_store %swap3A_443[%swap3A_444], %swap3A_447 {strides = array<i32>} : memref<2048xf32, #tpu.memory_space<vmem>>, vector<16xf32>,
        %mul3A_448 = arith.constant 8 : i32
        %mul3A_449 = arith.muli %min3A_304, %mul3A_448 : i32
        %add3A_450 = arith.constant 6 : i32
        %add3A_451 = arith.addi %mul3A_449, %add3A_450 : i32
        %mul3A_452 = arith.constant 16 : i32
        %mul3A_453 = arith.muli %add3A_451, %mul3A_452 : i32
        %add3A_454 = arith.addi %sub3A, %mul3A_453 : i32
        %get3A_455 = arith.index_cast %add3A_454 : i32 to index
        %get3A_456 = tpu.vector_load %arg5[%get3A_455] {strides = array<i32>} : memref<32736xf32, #tpu.memory_space<vmem>>, vector<16xf32>,
        %get3A_457 = vector.shape_cast %get3A_456 : vector<16xf32> to vector<16xf32>
        %add3A_458 = vector.broadcast %mul3A_453 : i32 to vector<16xi32>
        %add3A_459 = arith.addi %iota3A, %add3A_458 : vector<16xi32>
        %lt3A_460 = vector.broadcast %add3A_298 : i32 to vector<16xi32>
        %lt3A_461 = arith.cmpi slt, %add3A_459, %lt3A_460 : vector<16xi32>
        %select_n3A_462 = arith.select %lt3A_461, %get3A_457, %broadcast_in_dim3A_1 : vector<16xi1>, vector<16xf32>
        %multiple_of3A_463 = tpu.assume_multiple %mul3A_453, 16 : i32
        %swap3A_464 = arith.constant 0 : i32
        %swap3A_465 = arith.constant 0 : i32
        %swap3A_466 = tpu.memref_slice %arg6[%swap3A_464, %add3A_288, %swap3A_465] : memref<2x8x2048xf32, #tpu.memory_space<vmem>> -> memref<1x1x2048xf32, #tpu.memory_space<vmem>>
        %swap3A_467 = tpu.memref_squeeze %swap3A_466 : memref<1x1x2048xf32, #tpu.memory_space<vmem>> -> memref<2048xf32, #tpu.memory_space<vmem>>
        %swap3A_468 = arith.index_cast %multiple_of3A_463 : i32 to index
        %swap3A_469 = tpu.vector_load %swap3A_467[%swap3A_468] {strides = array<i32>} : memref<2048xf32, #tpu.memory_space<vmem>>, vector<16xf32>,
        %swap3A_470 = vector.shape_cast %swap3A_469 : vector<16xf32> to vector<16xf32>
        %swap3A_471 = vector.shape_cast %select_n3A_462 : vector<16xf32> to vector<16xf32>
        tpu.vector_store %swap3A_467[%swap3A_468], %swap3A_471 {strides = array<i32>} : memref<2048xf32, #tpu.memory_space<vmem>>, vector<16xf32>,
        %mul3A_472 = arith.constant 8 : i32
        %mul3A_473 = arith.muli %min3A_304, %mul3A_472 : i32
        %add3A_474 = arith.constant 7 : i32
        %add3A_475 = arith.addi %mul3A_473, %add3A_474 : i32
        %mul3A_476 = arith.constant 16 : i32
        %mul3A_477 = arith.muli %add3A_475, %mul3A_476 : i32
        %add3A_478 = arith.addi %sub3A, %mul3A_477 : i32
        %get3A_479 = arith.index_cast %add3A_478 : i32 to index
        %get3A_480 = tpu.vector_load %arg5[%get3A_479] {strides = array<i32>} : memref<32736xf32, #tpu.memory_space<vmem>>, vector<16xf32>,
        %get3A_481 = vector.shape_cast %get3A_480 : vector<16xf32> to vector<16xf32>
        %add3A_482 = vector.broadcast %mul3A_477 : i32 to vector<16xi32>
        %add3A_483 = arith.addi %iota3A, %add3A_482 : vector<16xi32>
        %lt3A_484 = vector.broadcast %add3A_298 : i32 to vector<16xi32>
        %lt3A_485 = arith.cmpi slt, %add3A_483, %lt3A_484 : vector<16xi32>
        %select_n3A_486 = arith.select %lt3A_485, %get3A_481, %broadcast_in_dim3A_1 : vector<16xi1>, vector<16xf32>
        %multiple_of3A_487 = tpu.assume_multiple %mul3A_477, 16 : i32
        %swap3A_488 = arith.constant 0 : i32
        %swap3A_489 = arith.constant 0 : i32
        %swap3A_490 = tpu.memref_slice %arg6[%swap3A_488, %add3A_288, %swap3A_489] : memref<2x8x2048xf32, #tpu.memory_space<vmem>> -> memref<1x1x2048xf32, #tpu.memory_space<vmem>>
        %swap3A_491 = tpu.memref_squeeze %swap3A_490 : memref<1x1x2048xf32, #tpu.memory_space<vmem>> -> memref<2048xf32, #tpu.memory_space<vmem>>
        %swap3A_492 = arith.index_cast %multiple_of3A_487 : i32 to index
        %swap3A_493 = tpu.vector_load %swap3A_491[%swap3A_492] {strides = array<i32>} : memref<2048xf32, #tpu.memory_space<vmem>>, vector<16xf32>,
        %swap3A_494 = vector.shape_cast %swap3A_493 : vector<16xf32> to vector<16xf32>
        %swap3A_495 = vector.shape_cast %select_n3A_486 : vector<16xf32> to vector<16xf32>
        tpu.vector_store %swap3A_491[%swap3A_492], %swap3A_495 {strides = array<i32>} : memref<2048xf32, #tpu.memory_space<vmem>>, vector<16xf32>,
        %eq3A_496 = arith.constant 0 : i32
        %eq3A_497 = arith.cmpi eq, %add3A_97, %eq3A_496 : i32
        %convert_element_type3A_498 = arith.extui %eq3A_497 : i1 to i32
        %cond3A_499 = arith.constant 0 : i32
        %cond3A_500 = arith.constant 0 : i32
        %cond3A_501 = arith.cmpi ne, %convert_element_type3A_498, %cond3A_500 : i32
        scf.if %cond3A_501 {
          %add3A_502 = arith.constant 1 : i32
          %add3A_503 = arith.addi %min3A_304, %add3A_502 : i32
          %parallel_loop3A_504 = arith.constant 16 : i32
          %parallel_loop3A_505 = arith.constant 1 : i32
          scf.for %parallel_loop3A_506 = %add3A_503 to %parallel_loop3A_504 step %parallel_loop3A_505  : i32 {
            %parallel_loop3A_507 = arith.constant 8 : i32
            %parallel_loop3A_508 = arith.muli %parallel_loop3A_506, %parallel_loop3A_507 : i32
            %parallel_loop3A_509 = arith.constant 0 : i32
            %parallel_loop3A_510 = arith.addi %parallel_loop3A_508, %parallel_loop3A_509 : i32
            %parallel_loop3A_511 = arith.constant 16 : i32
            %parallel_loop3A_512 = arith.muli %parallel_loop3A_510, %parallel_loop3A_511 : i32
            %parallel_loop3A_513 = tpu.assume_multiple %parallel_loop3A_512, 16 : i32
            %parallel_loop3A_514 = arith.constant 0 : i32
            %parallel_loop3A_515 = tpu.memref_slice %arg6[%cond3A_499, %add3A_288, %parallel_loop3A_514] : memref<2x8x2048xf32, #tpu.memory_space<vmem>> -> memref<1x1x2048xf32, #tpu.memory_space<vmem>>
            %parallel_loop3A_516 = tpu.memref_squeeze %parallel_loop3A_515 : memref<1x1x2048xf32, #tpu.memory_space<vmem>> -> memref<2048xf32, #tpu.memory_space<vmem>>
            %parallel_loop3A_517 = arith.index_cast %parallel_loop3A_513 : i32 to index
            %parallel_loop3A_518 = tpu.vector_load %parallel_loop3A_516[%parallel_loop3A_517] {strides = array<i32>} : memref<2048xf32, #tpu.memory_space<vmem>>, vector<16xf32>,
            %parallel_loop3A_519 = vector.shape_cast %parallel_loop3A_518 : vector<16xf32> to vector<16xf32>
            %parallel_loop3A_520 = vector.shape_cast %broadcast_in_dim3A_1 : vector<16xf32> to vector<16xf32>
            tpu.vector_store %parallel_loop3A_516[%parallel_loop3A_517], %parallel_loop3A_520 {strides = array<i32>} : memref<2048xf32, #tpu.memory_space<vmem>>, vector<16xf32>,
            %parallel_loop3A_521 = arith.constant 8 : i32
            %parallel_loop3A_522 = arith.muli %parallel_loop3A_506, %parallel_loop3A_521 : i32
            %parallel_loop3A_523 = arith.constant 1 : i32
            %parallel_loop3A_524 = arith.addi %parallel_loop3A_522, %parallel_loop3A_523 : i32
            %parallel_loop3A_525 = arith.constant 16 : i32
            %parallel_loop3A_526 = arith.muli %parallel_loop3A_524, %parallel_loop3A_525 : i32
            %parallel_loop3A_527 = tpu.assume_multiple %parallel_loop3A_526, 16 : i32
            %parallel_loop3A_528 = arith.constant 0 : i32
            %parallel_loop3A_529 = tpu.memref_slice %arg6[%cond3A_499, %add3A_288, %parallel_loop3A_528] : memref<2x8x2048xf32, #tpu.memory_space<vmem>> -> memref<1x1x2048xf32, #tpu.memory_space<vmem>>
            %parallel_loop3A_530 = tpu.memref_squeeze %parallel_loop3A_529 : memref<1x1x2048xf32, #tpu.memory_space<vmem>> -> memref<2048xf32, #tpu.memory_space<vmem>>
            %parallel_loop3A_531 = arith.index_cast %parallel_loop3A_527 : i32 to index
            %parallel_loop3A_532 = tpu.vector_load %parallel_loop3A_530[%parallel_loop3A_531] {strides = array<i32>} : memref<2048xf32, #tpu.memory_space<vmem>>, vector<16xf32>,
            %parallel_loop3A_533 = vector.shape_cast %parallel_loop3A_532 : vector<16xf32> to vector<16xf32>
            %parallel_loop3A_534 = vector.shape_cast %broadcast_in_dim3A_1 : vector<16xf32> to vector<16xf32>
            tpu.vector_store %parallel_loop3A_530[%parallel_loop3A_531], %parallel_loop3A_534 {strides = array<i32>} : memref<2048xf32, #tpu.memory_space<vmem>>, vector<16xf32>,
            %parallel_loop3A_535 = arith.constant 8 : i32
            %parallel_loop3A_536 = arith.muli %parallel_loop3A_506, %parallel_loop3A_535 : i32
            %parallel_loop3A_537 = arith.constant 2 : i32
            %parallel_loop3A_538 = arith.addi %parallel_loop3A_536, %parallel_loop3A_537 : i32
            %parallel_loop3A_539 = arith.constant 16 : i32
            %parallel_loop3A_540 = arith.muli %parallel_loop3A_538, %parallel_loop3A_539 : i32
            %parallel_loop3A_541 = tpu.assume_multiple %parallel_loop3A_540, 16 : i32
            %parallel_loop3A_542 = arith.constant 0 : i32
            %parallel_loop3A_543 = tpu.memref_slice %arg6[%cond3A_499, %add3A_288, %parallel_loop3A_542] : memref<2x8x2048xf32, #tpu.memory_space<vmem>> -> memref<1x1x2048xf32, #tpu.memory_space<vmem>>
            %parallel_loop3A_544 = tpu.memref_squeeze %parallel_loop3A_543 : memref<1x1x2048xf32, #tpu.memory_space<vmem>> -> memref<2048xf32, #tpu.memory_space<vmem>>
            %parallel_loop3A_545 = arith.index_cast %parallel_loop3A_541 : i32 to index
            %parallel_loop3A_546 = tpu.vector_load %parallel_loop3A_544[%parallel_loop3A_545] {strides = array<i32>} : memref<2048xf32, #tpu.memory_space<vmem>>, vector<16xf32>,
            %parallel_loop3A_547 = vector.shape_cast %parallel_loop3A_546 : vector<16xf32> to vector<16xf32>
            %parallel_loop3A_548 = vector.shape_cast %broadcast_in_dim3A_1 : vector<16xf32> to vector<16xf32>
            tpu.vector_store %parallel_loop3A_544[%parallel_loop3A_545], %parallel_loop3A_548 {strides = array<i32>} : memref<2048xf32, #tpu.memory_space<vmem>>, vector<16xf32>,
            %parallel_loop3A_549 = arith.constant 8 : i32
            %parallel_loop3A_550 = arith.muli %parallel_loop3A_506, %parallel_loop3A_549 : i32
            %parallel_loop3A_551 = arith.constant 3 : i32
            %parallel_loop3A_552 = arith.addi %parallel_loop3A_550, %parallel_loop3A_551 : i32
            %parallel_loop3A_553 = arith.constant 16 : i32
            %parallel_loop3A_554 = arith.muli %parallel_loop3A_552, %parallel_loop3A_553 : i32
            %parallel_loop3A_555 = tpu.assume_multiple %parallel_loop3A_554, 16 : i32
            %parallel_loop3A_556 = arith.constant 0 : i32
            %parallel_loop3A_557 = tpu.memref_slice %arg6[%cond3A_499, %add3A_288, %parallel_loop3A_556] : memref<2x8x2048xf32, #tpu.memory_space<vmem>> -> memref<1x1x2048xf32, #tpu.memory_space<vmem>>
            %parallel_loop3A_558 = tpu.memref_squeeze %parallel_loop3A_557 : memref<1x1x2048xf32, #tpu.memory_space<vmem>> -> memref<2048xf32, #tpu.memory_space<vmem>>
            %parallel_loop3A_559 = arith.index_cast %parallel_loop3A_555 : i32 to index
            %parallel_loop3A_560 = tpu.vector_load %parallel_loop3A_558[%parallel_loop3A_559] {strides = array<i32>} : memref<2048xf32, #tpu.memory_space<vmem>>, vector<16xf32>,
            %parallel_loop3A_561 = vector.shape_cast %parallel_loop3A_560 : vector<16xf32> to vector<16xf32>
            %parallel_loop3A_562 = vector.shape_cast %broadcast_in_dim3A_1 : vector<16xf32> to vector<16xf32>
            tpu.vector_store %parallel_loop3A_558[%parallel_loop3A_559], %parallel_loop3A_562 {strides = array<i32>} : memref<2048xf32, #tpu.memory_space<vmem>>, vector<16xf32>,
            %parallel_loop3A_563 = arith.constant 8 : i32
            %parallel_loop3A_564 = arith.muli %parallel_loop3A_506, %parallel_loop3A_563 : i32
            %parallel_loop3A_565 = arith.constant 4 : i32
            %parallel_loop3A_566 = arith.addi %parallel_loop3A_564, %parallel_loop3A_565 : i32
            %parallel_loop3A_567 = arith.constant 16 : i32
            %parallel_loop3A_568 = arith.muli %parallel_loop3A_566, %parallel_loop3A_567 : i32
            %parallel_loop3A_569 = tpu.assume_multiple %parallel_loop3A_568, 16 : i32
            %parallel_loop3A_570 = arith.constant 0 : i32
            %parallel_loop3A_571 = tpu.memref_slice %arg6[%cond3A_499, %add3A_288, %parallel_loop3A_570] : memref<2x8x2048xf32, #tpu.memory_space<vmem>> -> memref<1x1x2048xf32, #tpu.memory_space<vmem>>
            %parallel_loop3A_572 = tpu.memref_squeeze %parallel_loop3A_571 : memref<1x1x2048xf32, #tpu.memory_space<vmem>> -> memref<2048xf32, #tpu.memory_space<vmem>>
            %parallel_loop3A_573 = arith.index_cast %parallel_loop3A_569 : i32 to index
            %parallel_loop3A_574 = tpu.vector_load %parallel_loop3A_572[%parallel_loop3A_573] {strides = array<i32>} : memref<2048xf32, #tpu.memory_space<vmem>>, vector<16xf32>,
            %parallel_loop3A_575 = vector.shape_cast %parallel_loop3A_574 : vector<16xf32> to vector<16xf32>
            %parallel_loop3A_576 = vector.shape_cast %broadcast_in_dim3A_1 : vector<16xf32> to vector<16xf32>
            tpu.vector_store %parallel_loop3A_572[%parallel_loop3A_573], %parallel_loop3A_576 {strides = array<i32>} : memref<2048xf32, #tpu.memory_space<vmem>>, vector<16xf32>,
            %parallel_loop3A_577 = arith.constant 8 : i32
            %parallel_loop3A_578 = arith.muli %parallel_loop3A_506, %parallel_loop3A_577 : i32
            %parallel_loop3A_579 = arith.constant 5 : i32
            %parallel_loop3A_580 = arith.addi %parallel_loop3A_578, %parallel_loop3A_579 : i32
            %parallel_loop3A_581 = arith.constant 16 : i32
            %parallel_loop3A_582 = arith.muli %parallel_loop3A_580, %parallel_loop3A_581 : i32
            %parallel_loop3A_583 = tpu.assume_multiple %parallel_loop3A_582, 16 : i32
            %parallel_loop3A_584 = arith.constant 0 : i32
            %parallel_loop3A_585 = tpu.memref_slice %arg6[%cond3A_499, %add3A_288, %parallel_loop3A_584] : memref<2x8x2048xf32, #tpu.memory_space<vmem>> -> memref<1x1x2048xf32, #tpu.memory_space<vmem>>
            %parallel_loop3A_586 = tpu.memref_squeeze %parallel_loop3A_585 : memref<1x1x2048xf32, #tpu.memory_space<vmem>> -> memref<2048xf32, #tpu.memory_space<vmem>>
            %parallel_loop3A_587 = arith.index_cast %parallel_loop3A_583 : i32 to index
            %parallel_loop3A_588 = tpu.vector_load %parallel_loop3A_586[%parallel_loop3A_587] {strides = array<i32>} : memref<2048xf32, #tpu.memory_space<vmem>>, vector<16xf32>,
            %parallel_loop3A_589 = vector.shape_cast %parallel_loop3A_588 : vector<16xf32> to vector<16xf32>
            %parallel_loop3A_590 = vector.shape_cast %broadcast_in_dim3A_1 : vector<16xf32> to vector<16xf32>
            tpu.vector_store %parallel_loop3A_586[%parallel_loop3A_587], %parallel_loop3A_590 {strides = array<i32>} : memref<2048xf32, #tpu.memory_space<vmem>>, vector<16xf32>,
            %parallel_loop3A_591 = arith.constant 8 : i32
            %parallel_loop3A_592 = arith.muli %parallel_loop3A_506, %parallel_loop3A_591 : i32
            %parallel_loop3A_593 = arith.constant 6 : i32
            %parallel_loop3A_594 = arith.addi %parallel_loop3A_592, %parallel_loop3A_593 : i32
            %parallel_loop3A_595 = arith.constant 16 : i32
            %parallel_loop3A_596 = arith.muli %parallel_loop3A_594, %parallel_loop3A_595 : i32
            %parallel_loop3A_597 = tpu.assume_multiple %parallel_loop3A_596, 16 : i32
            %parallel_loop3A_598 = arith.constant 0 : i32
            %parallel_loop3A_599 = tpu.memref_slice %arg6[%cond3A_499, %add3A_288, %parallel_loop3A_598] : memref<2x8x2048xf32, #tpu.memory_space<vmem>> -> memref<1x1x2048xf32, #tpu.memory_space<vmem>>
            %parallel_loop3A_600 = tpu.memref_squeeze %parallel_loop3A_599 : memref<1x1x2048xf32, #tpu.memory_space<vmem>> -> memref<2048xf32, #tpu.memory_space<vmem>>
            %parallel_loop3A_601 = arith.index_cast %parallel_loop3A_597 : i32 to index
            %parallel_loop3A_602 = tpu.vector_load %parallel_loop3A_600[%parallel_loop3A_601] {strides = array<i32>} : memref<2048xf32, #tpu.memory_space<vmem>>, vector<16xf32>,
            %parallel_loop3A_603 = vector.shape_cast %parallel_loop3A_602 : vector<16xf32> to vector<16xf32>
            %parallel_loop3A_604 = vector.shape_cast %broadcast_in_dim3A_1 : vector<16xf32> to vector<16xf32>
            tpu.vector_store %parallel_loop3A_600[%parallel_loop3A_601], %parallel_loop3A_604 {strides = array<i32>} : memref<2048xf32, #tpu.memory_space<vmem>>, vector<16xf32>,
            %parallel_loop3A_605 = arith.constant 8 : i32
            %parallel_loop3A_606 = arith.muli %parallel_loop3A_506, %parallel_loop3A_605 : i32
            %parallel_loop3A_607 = arith.constant 7 : i32
            %parallel_loop3A_608 = arith.addi %parallel_loop3A_606, %parallel_loop3A_607 : i32
            %parallel_loop3A_609 = arith.constant 16 : i32
            %parallel_loop3A_610 = arith.muli %parallel_loop3A_608, %parallel_loop3A_609 : i32
            %parallel_loop3A_611 = tpu.assume_multiple %parallel_loop3A_610, 16 : i32
            %parallel_loop3A_612 = arith.constant 0 : i32
            %parallel_loop3A_613 = tpu.memref_slice %arg6[%cond3A_499, %add3A_288, %parallel_loop3A_612] : memref<2x8x2048xf32, #tpu.memory_space<vmem>> -> memref<1x1x2048xf32, #tpu.memory_space<vmem>>
            %parallel_loop3A_614 = tpu.memref_squeeze %parallel_loop3A_613 : memref<1x1x2048xf32, #tpu.memory_space<vmem>> -> memref<2048xf32, #tpu.memory_space<vmem>>
            %parallel_loop3A_615 = arith.index_cast %parallel_loop3A_611 : i32 to index
            %parallel_loop3A_616 = tpu.vector_load %parallel_loop3A_614[%parallel_loop3A_615] {strides = array<i32>} : memref<2048xf32, #tpu.memory_space<vmem>>, vector<16xf32>,
            %parallel_loop3A_617 = vector.shape_cast %parallel_loop3A_616 : vector<16xf32> to vector<16xf32>
            %parallel_loop3A_618 = vector.shape_cast %broadcast_in_dim3A_1 : vector<16xf32> to vector<16xf32>
            tpu.vector_store %parallel_loop3A_614[%parallel_loop3A_615], %parallel_loop3A_618 {strides = array<i32>} : memref<2048xf32, #tpu.memory_space<vmem>>, vector<16xf32>,
          } {sc.loop_unroll_factor = 2 : i64, sc.parallel_access}
        } else {
        }
      }
      %scan3A_157 = arith.constant 8 : i32
      %mul3A_158 = arith.constant 32 : i32
      %mul3A_159 = arith.muli %mul3A_158, %add3A_101 : i32
      %add3A_160 = arith.addi %add3A, %mul3A_159 : i32
      %mul3A_161 = arith.constant 8 : i32
      %mul3A_162 = arith.muli %add3A_160, %mul3A_161 : i32
      %add3A_163 = arith.constant 1 : i32
      %add3A_164 = arith.addi %mul3A_162, %add3A_163 : i32
      %mul3A_165 = arith.muli %mul3A_162, %add3A_164 : i32
      %shift_right_arithmetic3A_166 = arith.constant 1 : i32
      %shift_right_arithmetic3A_167 = arith.shrsi %mul3A_165, %shift_right_arithmetic3A_166 : i32
      %add3A_168 = arith.constant 1024 : i32
      %add3A_169 = arith.addi %add3A_168, %shift_right_arithmetic3A_167 : i32
      %shift_right_arithmetic3A_170 = arith.constant 3 : i32
      %shift_right_arithmetic3A_171 = arith.shrsi %add3A_169, %shift_right_arithmetic3A_170 : i32
      %shift_left3A_172 = arith.constant 3 : i32
      %shift_left3A_173 = arith.shli %shift_right_arithmetic3A_171, %shift_left3A_172 : i32
      %min3A_174 = arith.constant 2082832 : i32
      %min3A_175 = arith.minsi %shift_left3A_173, %min3A_174 : i32
      %multiple_of3A_176 = tpu.assume_multiple %min3A_175, 8 : i32
      %dma_start3A_177 = arith.constant 0 : i32
      %dma_start3A_178 = arith.constant 0 : i32
      %dma_start3A_179 = arith.constant 0 : i32
      %dma_start3A_180 = tpu.memref_slice %arg6[%dma_start3A_177, %dma_start3A_178, %dma_start3A_179] : memref<2x8x2048xf32, #tpu.memory_space<vmem>> -> memref<1x8x2048xf32, #tpu.memory_space<vmem>>
      %dma_start3A_181 = tpu.memref_squeeze %dma_start3A_180 : memref<1x8x2048xf32, #tpu.memory_space<vmem>> -> memref<8x2048xf32, #tpu.memory_space<vmem>>
      %dma_start3A_182 = arith.constant 0 : i32
      %dma_start3A_183 = tpu.memref_slice %arg4[%mul3A_162, %dma_start3A_182] : memref<2048x2048xf32, #tpu.memory_space<hbm>> -> memref<8x2048xf32, #tpu.memory_space<hbm>>
      %dma_start3A_184 = arith.constant 0 : i32
      %dma_start3A_185 = tpu.memref_slice %arg4[%mul3A_162, %dma_start3A_184] : memref<2048x2048xf32, #tpu.memory_space<hbm>> -> memref<8x2048xf32, #tpu.memory_space<hbm>>
      %dma_start3A_186 = arith.constant 0 : i32
      %dma_start3A_187 = arith.constant 0 : i32
      %dma_start3A_188 = tpu.memref_slice %arg6[%dma_start3A_177, %dma_start3A_186, %dma_start3A_187] : memref<2x8x2048xf32, #tpu.memory_space<vmem>> -> memref<1x8x2048xf32, #tpu.memory_space<vmem>>
      %dma_start3A_189 = tpu.memref_squeeze %dma_start3A_188 : memref<1x8x2048xf32, #tpu.memory_space<vmem>> -> memref<8x2048xf32, #tpu.memory_space<vmem>>
      tpu.enqueue_dma source(%dma_start3A_189 : memref<8x2048xf32, #tpu.memory_space<vmem>>) target(%dma_start3A_185 : memref<8x2048xf32, #tpu.memory_space<hbm>>) target_semaphore(%arg9 : memref<!tpu.dma_semaphore, #tpu.memory_space<semaphore_mem>>)
      %mul3A_190 = arith.constant 2 : i32
      %mul3A_191 = arith.muli %add3A_97, %mul3A_190 : i32
      %add3A_192 = arith.constant 1 : i32
      %add3A_193 = arith.addi %mul3A_191, %add3A_192 : i32
      %add3A_194 = arith.constant 1 : i32
      %add3A_195 = arith.addi %add3A_193, %add3A_194 : i32
      %lt3A_196 = arith.constant 8 : i32
      %lt3A_197 = arith.cmpi slt, %add3A_195, %lt3A_196 : i32
      %convert_element_type3A_198 = arith.extui %lt3A_197 : i1 to i32
      %cond3A_199 = arith.constant 0 : i32
      %cond3A_200 = arith.cmpi ne, %convert_element_type3A_198, %cond3A_199 : i32
      scf.if %cond3A_200 {
        %add3A_284 = arith.constant 1 : i32
        %add3A_285 = arith.addi %add3A_193, %add3A_284 : i32
        %shift_right_arithmetic3A_286 = arith.constant 1 : i32
        %shift_right_arithmetic3A_287 = arith.shrsi %add3A_285, %shift_right_arithmetic3A_286 : i32
        %eq3A_288 = arith.constant 0 : i32
        %eq3A_289 = arith.cmpi eq, %shift_right_arithmetic3A_287, %eq3A_288 : i32
        %convert_element_type3A_290 = arith.extui %eq3A_289 : i1 to i32
        %cond3A_291 = arith.constant 0 : i32
        %cond3A_292 = arith.cmpi ne, %convert_element_type3A_290, %cond3A_291 : i32
        scf.if %cond3A_292 {
          %mul3A_308 = arith.constant 32 : i32
          %mul3A_309 = arith.muli %mul3A_308, %add3A_285 : i32
          %add3A_310 = arith.addi %add3A, %mul3A_309 : i32
          %mul3A_311 = arith.constant 8 : i32
          %mul3A_312 = arith.muli %add3A_310, %mul3A_311 : i32
          %add3A_313 = arith.constant 1 : i32
          %add3A_314 = arith.addi %mul3A_312, %add3A_313 : i32
          %mul3A_315 = arith.muli %mul3A_312, %add3A_314 : i32
          %shift_right_arithmetic3A_316 = arith.constant 1 : i32
          %shift_right_arithmetic3A_317 = arith.shrsi %mul3A_315, %shift_right_arithmetic3A_316 : i32
          %add3A_318 = arith.constant 1024 : i32
          %add3A_319 = arith.addi %add3A_318, %shift_right_arithmetic3A_317 : i32
          %shift_right_arithmetic3A_320 = arith.constant 3 : i32
          %shift_right_arithmetic3A_321 = arith.shrsi %add3A_319, %shift_right_arithmetic3A_320 : i32
          %shift_left3A_322 = arith.constant 3 : i32
          %shift_left3A_323 = arith.shli %shift_right_arithmetic3A_321, %shift_left3A_322 : i32
          %min3A_324 = arith.constant 2082832 : i32
          %min3A_325 = arith.minsi %shift_left3A_323, %min3A_324 : i32
          %multiple_of3A_326 = tpu.assume_multiple %min3A_325, 8 : i32
          %dma_start3A_327 = arith.constant 0 : i32
          %dma_start3A_328 = tpu.memref_slice %arg5[%dma_start3A_327] : memref<32736xf32, #tpu.memory_space<vmem>> -> memref<4208xf32, #tpu.memory_space<vmem>>
          %dma_start3A_329 = tpu.memref_slice %arg2[%multiple_of3A_326] : memref<2099200xf32, #tpu.memory_space<hbm>> -> memref<4208xf32, #tpu.memory_space<hbm>>
          %dma_start3A_330 = arith.constant 0 : i32
          %dma_start3A_331 = tpu.memref_slice %arg5[%dma_start3A_330] : memref<32736xf32, #tpu.memory_space<vmem>> -> memref<4208xf32, #tpu.memory_space<vmem>>
          %dma_start3A_332 = tpu.memref_slice %arg2[%multiple_of3A_326] : memref<2099200xf32, #tpu.memory_space<hbm>> -> memref<4208xf32, #tpu.memory_space<hbm>>
          tpu.enqueue_dma source(%dma_start3A_332 : memref<4208xf32, #tpu.memory_space<hbm>>) target(%dma_start3A_331 : memref<4208xf32, #tpu.memory_space<vmem>>) target_semaphore(%arg7 : memref<!tpu.dma_semaphore, #tpu.memory_space<semaphore_mem>>)
        } else {
        }
        %eq3A_293 = arith.constant 1 : i32
        %eq3A_294 = arith.cmpi eq, %shift_right_arithmetic3A_287, %eq3A_293 : i32
        %convert_element_type3A_295 = arith.extui %eq3A_294 : i1 to i32
        %cond3A_296 = arith.constant 0 : i32
        %cond3A_297 = arith.cmpi ne, %convert_element_type3A_295, %cond3A_296 : i32
        scf.if %cond3A_297 {
          %mul3A_308 = arith.constant 32 : i32
          %mul3A_309 = arith.muli %mul3A_308, %add3A_285 : i32
          %add3A_310 = arith.addi %add3A, %mul3A_309 : i32
          %mul3A_311 = arith.constant 8 : i32
          %mul3A_312 = arith.muli %add3A_310, %mul3A_311 : i32
          %add3A_313 = arith.constant 1 : i32
          %add3A_314 = arith.addi %mul3A_312, %add3A_313 : i32
          %mul3A_315 = arith.muli %mul3A_312, %add3A_314 : i32
          %shift_right_arithmetic3A_316 = arith.constant 1 : i32
          %shift_right_arithmetic3A_317 = arith.shrsi %mul3A_315, %shift_right_arithmetic3A_316 : i32
          %add3A_318 = arith.constant 1024 : i32
          %add3A_319 = arith.addi %add3A_318, %shift_right_arithmetic3A_317 : i32
          %shift_right_arithmetic3A_320 = arith.constant 3 : i32
          %shift_right_arithmetic3A_321 = arith.shrsi %add3A_319, %shift_right_arithmetic3A_320 : i32
          %shift_left3A_322 = arith.constant 3 : i32
          %shift_left3A_323 = arith.shli %shift_right_arithmetic3A_321, %shift_left3A_322 : i32
          %min3A_324 = arith.constant 2082832 : i32
          %min3A_325 = arith.minsi %shift_left3A_323, %min3A_324 : i32
          %multiple_of3A_326 = tpu.assume_multiple %min3A_325, 8 : i32
          %dma_start3A_327 = arith.constant 0 : i32
          %dma_start3A_328 = tpu.memref_slice %arg5[%dma_start3A_327] : memref<32736xf32, #tpu.memory_space<vmem>> -> memref<8304xf32, #tpu.memory_space<vmem>>
          %dma_start3A_329 = tpu.memref_slice %arg2[%multiple_of3A_326] : memref<2099200xf32, #tpu.memory_space<hbm>> -> memref<8304xf32, #tpu.memory_space<hbm>>
          %dma_start3A_330 = arith.constant 0 : i32
          %dma_start3A_331 = tpu.memref_slice %arg5[%dma_start3A_330] : memref<32736xf32, #tpu.memory_space<vmem>> -> memref<8304xf32, #tpu.memory_space<vmem>>
          %dma_start3A_332 = tpu.memref_slice %arg2[%multiple_of3A_326] : memref<2099200xf32, #tpu.memory_space<hbm>> -> memref<8304xf32, #tpu.memory_space<hbm>>
          tpu.enqueue_dma source(%dma_start3A_332 : memref<8304xf32, #tpu.memory_space<hbm>>) target(%dma_start3A_331 : memref<8304xf32, #tpu.memory_space<vmem>>) target_semaphore(%arg7 : memref<!tpu.dma_semaphore, #tpu.memory_space<semaphore_mem>>)
        } else {
        }
        %eq3A_298 = arith.constant 2 : i32
        %eq3A_299 = arith.cmpi eq, %shift_right_arithmetic3A_287, %eq3A_298 : i32
        %convert_element_type3A_300 = arith.extui %eq3A_299 : i1 to i32
        %cond3A_301 = arith.constant 0 : i32
        %cond3A_302 = arith.cmpi ne, %convert_element_type3A_300, %cond3A_301 : i32
        scf.if %cond3A_302 {
          %mul3A_308 = arith.constant 32 : i32
          %mul3A_309 = arith.muli %mul3A_308, %add3A_285 : i32
          %add3A_310 = arith.addi %add3A, %mul3A_309 : i32
          %mul3A_311 = arith.constant 8 : i32
          %mul3A_312 = arith.muli %add3A_310, %mul3A_311 : i32
          %add3A_313 = arith.constant 1 : i32
          %add3A_314 = arith.addi %mul3A_312, %add3A_313 : i32
          %mul3A_315 = arith.muli %mul3A_312, %add3A_314 : i32
          %shift_right_arithmetic3A_316 = arith.constant 1 : i32
          %shift_right_arithmetic3A_317 = arith.shrsi %mul3A_315, %shift_right_arithmetic3A_316 : i32
          %add3A_318 = arith.constant 1024 : i32
          %add3A_319 = arith.addi %add3A_318, %shift_right_arithmetic3A_317 : i32
          %shift_right_arithmetic3A_320 = arith.constant 3 : i32
          %shift_right_arithmetic3A_321 = arith.shrsi %add3A_319, %shift_right_arithmetic3A_320 : i32
          %shift_left3A_322 = arith.constant 3 : i32
          %shift_left3A_323 = arith.shli %shift_right_arithmetic3A_321, %shift_left3A_322 : i32
          %min3A_324 = arith.constant 2082832 : i32
          %min3A_325 = arith.minsi %shift_left3A_323, %min3A_324 : i32
          %multiple_of3A_326 = tpu.assume_multiple %min3A_325, 8 : i32
          %dma_start3A_327 = arith.constant 0 : i32
          %dma_start3A_328 = tpu.memref_slice %arg5[%dma_start3A_327] : memref<32736xf32, #tpu.memory_space<vmem>> -> memref<12400xf32, #tpu.memory_space<vmem>>
          %dma_start3A_329 = tpu.memref_slice %arg2[%multiple_of3A_326] : memref<2099200xf32, #tpu.memory_space<hbm>> -> memref<12400xf32, #tpu.memory_space<hbm>>
          %dma_start3A_330 = arith.constant 0 : i32
          %dma_start3A_331 = tpu.memref_slice %arg5[%dma_start3A_330] : memref<32736xf32, #tpu.memory_space<vmem>> -> memref<12400xf32, #tpu.memory_space<vmem>>
          %dma_start3A_332 = tpu.memref_slice %arg2[%multiple_of3A_326] : memref<2099200xf32, #tpu.memory_space<hbm>> -> memref<12400xf32, #tpu.memory_space<hbm>>
          tpu.enqueue_dma source(%dma_start3A_332 : memref<12400xf32, #tpu.memory_space<hbm>>) target(%dma_start3A_331 : memref<12400xf32, #tpu.memory_space<vmem>>) target_semaphore(%arg7 : memref<!tpu.dma_semaphore, #tpu.memory_space<semaphore_mem>>)
        } else {
        }
        %eq3A_303 = arith.constant 3 : i32
        %eq3A_304 = arith.cmpi eq, %shift_right_arithmetic3A_287, %eq3A_303 : i32
        %convert_element_type3A_305 = arith.extui %eq3A_304 : i1 to i32
        %cond3A_306 = arith.constant 0 : i32
        %cond3A_307 = arith.cmpi ne, %convert_element_type3A_305, %cond3A_306 : i32
        scf.if %cond3A_307 {
          %mul3A_308 = arith.constant 32 : i32
          %mul3A_309 = arith.muli %mul3A_308, %add3A_285 : i32
          %add3A_310 = arith.addi %add3A, %mul3A_309 : i32
          %mul3A_311 = arith.constant 8 : i32
          %mul3A_312 = arith.muli %add3A_310, %mul3A_311 : i32
          %add3A_313 = arith.constant 1 : i32
          %add3A_314 = arith.addi %mul3A_312, %add3A_313 : i32
          %mul3A_315 = arith.muli %mul3A_312, %add3A_314 : i32
          %shift_right_arithmetic3A_316 = arith.constant 1 : i32
          %shift_right_arithmetic3A_317 = arith.shrsi %mul3A_315, %shift_right_arithmetic3A_316 : i32
          %add3A_318 = arith.constant 1024 : i32
          %add3A_319 = arith.addi %add3A_318, %shift_right_arithmetic3A_317 : i32
          %shift_right_arithmetic3A_320 = arith.constant 3 : i32
          %shift_right_arithmetic3A_321 = arith.shrsi %add3A_319, %shift_right_arithmetic3A_320 : i32
          %shift_left3A_322 = arith.constant 3 : i32
          %shift_left3A_323 = arith.shli %shift_right_arithmetic3A_321, %shift_left3A_322 : i32
          %min3A_324 = arith.constant 2082832 : i32
          %min3A_325 = arith.minsi %shift_left3A_323, %min3A_324 : i32
          %multiple_of3A_326 = tpu.assume_multiple %min3A_325, 8 : i32
          %dma_start3A_327 = arith.constant 0 : i32
          %dma_start3A_328 = tpu.memref_slice %arg5[%dma_start3A_327] : memref<32736xf32, #tpu.memory_space<vmem>> -> memref<16368xf32, #tpu.memory_space<vmem>>
          %dma_start3A_329 = tpu.memref_slice %arg2[%multiple_of3A_326] : memref<2099200xf32, #tpu.memory_space<hbm>> -> memref<16368xf32, #tpu.memory_space<hbm>>
          %dma_start3A_330 = arith.constant 0 : i32
          %dma_start3A_331 = tpu.memref_slice %arg5[%dma_start3A_330] : memref<32736xf32, #tpu.memory_space<vmem>> -> memref<16368xf32, #tpu.memory_space<vmem>>
          %dma_start3A_332 = tpu.memref_slice %arg2[%multiple_of3A_326] : memref<2099200xf32, #tpu.memory_space<hbm>> -> memref<16368xf32, #tpu.memory_space<hbm>>
          tpu.enqueue_dma source(%dma_start3A_332 : memref<16368xf32, #tpu.memory_space<hbm>>) target(%dma_start3A_331 : memref<16368xf32, #tpu.memory_space<vmem>>) target_semaphore(%arg7 : memref<!tpu.dma_semaphore, #tpu.memory_space<semaphore_mem>>)
        } else {
        }
      } else {
      }
      %shift_right_arithmetic3A_201 = arith.constant 1 : i32
      %shift_right_arithmetic3A_202 = arith.shrsi %add3A_193, %shift_right_arithmetic3A_201 : i32
      %eq3A_203 = arith.constant 0 : i32
      %eq3A_204 = arith.cmpi eq, %shift_right_arithmetic3A_202, %eq3A_203 : i32
      %convert_element_type3A_205 = arith.extui %eq3A_204 : i1 to i32
      %cond3A_206 = arith.constant 0 : i32
      %cond3A_207 = arith.cmpi ne, %convert_element_type3A_205, %cond3A_206 : i32
      scf.if %cond3A_207 {
        %mul3A_284 = arith.constant 32 : i32
        %mul3A_285 = arith.muli %mul3A_284, %add3A_193 : i32
        %add3A_286 = arith.addi %add3A, %mul3A_285 : i32
        %mul3A_287 = arith.constant 8 : i32
        %mul3A_288 = arith.muli %add3A_286, %mul3A_287 : i32
        %add3A_289 = arith.constant 1 : i32
        %add3A_290 = arith.addi %mul3A_288, %add3A_289 : i32
        %mul3A_291 = arith.muli %mul3A_288, %add3A_290 : i32
        %shift_right_arithmetic3A_292 = arith.constant 1 : i32
        %shift_right_arithmetic3A_293 = arith.shrsi %mul3A_291, %shift_right_arithmetic3A_292 : i32
        %add3A_294 = arith.constant 1024 : i32
        %add3A_295 = arith.addi %add3A_294, %shift_right_arithmetic3A_293 : i32
        %shift_right_arithmetic3A_296 = arith.constant 3 : i32
        %shift_right_arithmetic3A_297 = arith.shrsi %add3A_295, %shift_right_arithmetic3A_296 : i32
        %shift_left3A_298 = arith.constant 3 : i32
        %shift_left3A_299 = arith.shli %shift_right_arithmetic3A_297, %shift_left3A_298 : i32
        %min3A_300 = arith.constant 2082832 : i32
        %min3A_301 = arith.minsi %shift_left3A_299, %min3A_300 : i32
        %multiple_of3A_302 = tpu.assume_multiple %min3A_301, 8 : i32
        %dma_wait3A_303 = arith.constant 16368 : i32
        %dma_wait3A_304 = tpu.memref_slice %arg5[%dma_wait3A_303] : memref<32736xf32, #tpu.memory_space<vmem>> -> memref<4208xf32, #tpu.memory_space<vmem>>
        %dma_wait3A_305 = tpu.memref_slice %arg2[%multiple_of3A_302] : memref<2099200xf32, #tpu.memory_space<hbm>> -> memref<4208xf32, #tpu.memory_space<hbm>>
        %dma_wait3A_306 = arith.constant 16368 : i32
        %dma_wait3A_307 = tpu.memref_slice %arg5[%dma_wait3A_306] : memref<32736xf32, #tpu.memory_space<vmem>> -> memref<4208xf32, #tpu.memory_space<vmem>>
        %dma_wait3A_308 = tpu.memref_slice %arg2[%multiple_of3A_302] : memref<2099200xf32, #tpu.memory_space<hbm>> -> memref<4208xf32, #tpu.memory_space<hbm>>
        tpu.wait_dma2 semaphore(%arg8 : memref<!tpu.dma_semaphore, #tpu.memory_space<semaphore_mem>>) src(%dma_wait3A_308 : memref<4208xf32, #tpu.memory_space<hbm>>) dst(%dma_wait3A_307 : memref<4208xf32, #tpu.memory_space<vmem>>)
      } else {
      }
      %eq3A_208 = arith.constant 1 : i32
      %eq3A_209 = arith.cmpi eq, %shift_right_arithmetic3A_202, %eq3A_208 : i32
      %convert_element_type3A_210 = arith.extui %eq3A_209 : i1 to i32
      %cond3A_211 = arith.constant 0 : i32
      %cond3A_212 = arith.cmpi ne, %convert_element_type3A_210, %cond3A_211 : i32
      scf.if %cond3A_212 {
        %mul3A_284 = arith.constant 32 : i32
        %mul3A_285 = arith.muli %mul3A_284, %add3A_193 : i32
        %add3A_286 = arith.addi %add3A, %mul3A_285 : i32
        %mul3A_287 = arith.constant 8 : i32
        %mul3A_288 = arith.muli %add3A_286, %mul3A_287 : i32
        %add3A_289 = arith.constant 1 : i32
        %add3A_290 = arith.addi %mul3A_288, %add3A_289 : i32
        %mul3A_291 = arith.muli %mul3A_288, %add3A_290 : i32
        %shift_right_arithmetic3A_292 = arith.constant 1 : i32
        %shift_right_arithmetic3A_293 = arith.shrsi %mul3A_291, %shift_right_arithmetic3A_292 : i32
        %add3A_294 = arith.constant 1024 : i32
        %add3A_295 = arith.addi %add3A_294, %shift_right_arithmetic3A_293 : i32
        %shift_right_arithmetic3A_296 = arith.constant 3 : i32
        %shift_right_arithmetic3A_297 = arith.shrsi %add3A_295, %shift_right_arithmetic3A_296 : i32
        %shift_left3A_298 = arith.constant 3 : i32
        %shift_left3A_299 = arith.shli %shift_right_arithmetic3A_297, %shift_left3A_298 : i32
        %min3A_300 = arith.constant 2082832 : i32
        %min3A_301 = arith.minsi %shift_left3A_299, %min3A_300 : i32
        %multiple_of3A_302 = tpu.assume_multiple %min3A_301, 8 : i32
        %dma_wait3A_303 = arith.constant 16368 : i32
        %dma_wait3A_304 = tpu.memref_slice %arg5[%dma_wait3A_303] : memref<32736xf32, #tpu.memory_space<vmem>> -> memref<8304xf32, #tpu.memory_space<vmem>>
        %dma_wait3A_305 = tpu.memref_slice %arg2[%multiple_of3A_302] : memref<2099200xf32, #tpu.memory_space<hbm>> -> memref<8304xf32, #tpu.memory_space<hbm>>
        %dma_wait3A_306 = arith.constant 16368 : i32
        %dma_wait3A_307 = tpu.memref_slice %arg5[%dma_wait3A_306] : memref<32736xf32, #tpu.memory_space<vmem>> -> memref<8304xf32, #tpu.memory_space<vmem>>
        %dma_wait3A_308 = tpu.memref_slice %arg2[%multiple_of3A_302] : memref<2099200xf32, #tpu.memory_space<hbm>> -> memref<8304xf32, #tpu.memory_space<hbm>>
        tpu.wait_dma2 semaphore(%arg8 : memref<!tpu.dma_semaphore, #tpu.memory_space<semaphore_mem>>) src(%dma_wait3A_308 : memref<8304xf32, #tpu.memory_space<hbm>>) dst(%dma_wait3A_307 : memref<8304xf32, #tpu.memory_space<vmem>>)
      } else {
      }
      %eq3A_213 = arith.constant 2 : i32
      %eq3A_214 = arith.cmpi eq, %shift_right_arithmetic3A_202, %eq3A_213 : i32
      %convert_element_type3A_215 = arith.extui %eq3A_214 : i1 to i32
      %cond3A_216 = arith.constant 0 : i32
      %cond3A_217 = arith.cmpi ne, %convert_element_type3A_215, %cond3A_216 : i32
      scf.if %cond3A_217 {
        %mul3A_284 = arith.constant 32 : i32
        %mul3A_285 = arith.muli %mul3A_284, %add3A_193 : i32
        %add3A_286 = arith.addi %add3A, %mul3A_285 : i32
        %mul3A_287 = arith.constant 8 : i32
        %mul3A_288 = arith.muli %add3A_286, %mul3A_287 : i32
        %add3A_289 = arith.constant 1 : i32
        %add3A_290 = arith.addi %mul3A_288, %add3A_289 : i32
        %mul3A_291 = arith.muli %mul3A_288, %add3A_290 : i32
        %shift_right_arithmetic3A_292 = arith.constant 1 : i32
        %shift_right_arithmetic3A_293 = arith.shrsi %mul3A_291, %shift_right_arithmetic3A_292 : i32
        %add3A_294 = arith.constant 1024 : i32
        %add3A_295 = arith.addi %add3A_294, %shift_right_arithmetic3A_293 : i32
        %shift_right_arithmetic3A_296 = arith.constant 3 : i32
        %shift_right_arithmetic3A_297 = arith.shrsi %add3A_295, %shift_right_arithmetic3A_296 : i32
        %shift_left3A_298 = arith.constant 3 : i32
        %shift_left3A_299 = arith.shli %shift_right_arithmetic3A_297, %shift_left3A_298 : i32
        %min3A_300 = arith.constant 2082832 : i32
        %min3A_301 = arith.minsi %shift_left3A_299, %min3A_300 : i32
        %multiple_of3A_302 = tpu.assume_multiple %min3A_301, 8 : i32
        %dma_wait3A_303 = arith.constant 16368 : i32
        %dma_wait3A_304 = tpu.memref_slice %arg5[%dma_wait3A_303] : memref<32736xf32, #tpu.memory_space<vmem>> -> memref<12400xf32, #tpu.memory_space<vmem>>
        %dma_wait3A_305 = tpu.memref_slice %arg2[%multiple_of3A_302] : memref<2099200xf32, #tpu.memory_space<hbm>> -> memref<12400xf32, #tpu.memory_space<hbm>>
        %dma_wait3A_306 = arith.constant 16368 : i32
        %dma_wait3A_307 = tpu.memref_slice %arg5[%dma_wait3A_306] : memref<32736xf32, #tpu.memory_space<vmem>> -> memref<12400xf32, #tpu.memory_space<vmem>>
        %dma_wait3A_308 = tpu.memref_slice %arg2[%multiple_of3A_302] : memref<2099200xf32, #tpu.memory_space<hbm>> -> memref<12400xf32, #tpu.memory_space<hbm>>
        tpu.wait_dma2 semaphore(%arg8 : memref<!tpu.dma_semaphore, #tpu.memory_space<semaphore_mem>>) src(%dma_wait3A_308 : memref<12400xf32, #tpu.memory_space<hbm>>) dst(%dma_wait3A_307 : memref<12400xf32, #tpu.memory_space<vmem>>)
      } else {
      }
      %eq3A_218 = arith.constant 3 : i32
      %eq3A_219 = arith.cmpi eq, %shift_right_arithmetic3A_202, %eq3A_218 : i32
      %convert_element_type3A_220 = arith.extui %eq3A_219 : i1 to i32
      %cond3A_221 = arith.constant 0 : i32
      %cond3A_222 = arith.cmpi ne, %convert_element_type3A_220, %cond3A_221 : i32
      scf.if %cond3A_222 {
        %mul3A_284 = arith.constant 32 : i32
        %mul3A_285 = arith.muli %mul3A_284, %add3A_193 : i32
        %add3A_286 = arith.addi %add3A, %mul3A_285 : i32
        %mul3A_287 = arith.constant 8 : i32
        %mul3A_288 = arith.muli %add3A_286, %mul3A_287 : i32
        %add3A_289 = arith.constant 1 : i32
        %add3A_290 = arith.addi %mul3A_288, %add3A_289 : i32
        %mul3A_291 = arith.muli %mul3A_288, %add3A_290 : i32
        %shift_right_arithmetic3A_292 = arith.constant 1 : i32
        %shift_right_arithmetic3A_293 = arith.shrsi %mul3A_291, %shift_right_arithmetic3A_292 : i32
        %add3A_294 = arith.constant 1024 : i32
        %add3A_295 = arith.addi %add3A_294, %shift_right_arithmetic3A_293 : i32
        %shift_right_arithmetic3A_296 = arith.constant 3 : i32
        %shift_right_arithmetic3A_297 = arith.shrsi %add3A_295, %shift_right_arithmetic3A_296 : i32
        %shift_left3A_298 = arith.constant 3 : i32
        %shift_left3A_299 = arith.shli %shift_right_arithmetic3A_297, %shift_left3A_298 : i32
        %min3A_300 = arith.constant 2082832 : i32
        %min3A_301 = arith.minsi %shift_left3A_299, %min3A_300 : i32
        %multiple_of3A_302 = tpu.assume_multiple %min3A_301, 8 : i32
        %dma_wait3A_303 = arith.constant 16368 : i32
        %dma_wait3A_304 = tpu.memref_slice %arg5[%dma_wait3A_303] : memref<32736xf32, #tpu.memory_space<vmem>> -> memref<16368xf32, #tpu.memory_space<vmem>>
        %dma_wait3A_305 = tpu.memref_slice %arg2[%multiple_of3A_302] : memref<2099200xf32, #tpu.memory_space<hbm>> -> memref<16368xf32, #tpu.memory_space<hbm>>
        %dma_wait3A_306 = arith.constant 16368 : i32
        %dma_wait3A_307 = tpu.memref_slice %arg5[%dma_wait3A_306] : memref<32736xf32, #tpu.memory_space<vmem>> -> memref<16368xf32, #tpu.memory_space<vmem>>
        %dma_wait3A_308 = tpu.memref_slice %arg2[%multiple_of3A_302] : memref<2099200xf32, #tpu.memory_space<hbm>> -> memref<16368xf32, #tpu.memory_space<hbm>>
        tpu.wait_dma2 semaphore(%arg8 : memref<!tpu.dma_semaphore, #tpu.memory_space<semaphore_mem>>) src(%dma_wait3A_308 : memref<16368xf32, #tpu.memory_space<hbm>>) dst(%dma_wait3A_307 : memref<16368xf32, #tpu.memory_space<vmem>>)
      } else {
      }
      %ge3A_223 = arith.constant 2 : i32
      %ge3A_224 = arith.cmpi sge, %add3A_193, %ge3A_223 : i32
      %convert_element_type3A_225 = arith.extui %ge3A_224 : i1 to i32
      %cond3A_226 = arith.constant 0 : i32
      %cond3A_227 = arith.cmpi ne, %convert_element_type3A_225, %cond3A_226 : i32
      scf.if %cond3A_227 {
        %sub3A = arith.constant 2 : i32
        %sub3A_284 = arith.subi %add3A_193, %sub3A : i32
        %mul3A_285 = arith.constant 32 : i32
        %mul3A_286 = arith.muli %mul3A_285, %sub3A_284 : i32
        %add3A_287 = arith.addi %add3A, %mul3A_286 : i32
        %mul3A_288 = arith.constant 8 : i32
        %mul3A_289 = arith.muli %add3A_287, %mul3A_288 : i32
        %add3A_290 = arith.constant 1 : i32
        %add3A_291 = arith.addi %mul3A_289, %add3A_290 : i32
        %mul3A_292 = arith.muli %mul3A_289, %add3A_291 : i32
        %shift_right_arithmetic3A_293 = arith.constant 1 : i32
        %shift_right_arithmetic3A_294 = arith.shrsi %mul3A_292, %shift_right_arithmetic3A_293 : i32
        %add3A_295 = arith.constant 1024 : i32
        %add3A_296 = arith.addi %add3A_295, %shift_right_arithmetic3A_294 : i32
        %shift_right_arithmetic3A_297 = arith.constant 3 : i32
        %shift_right_arithmetic3A_298 = arith.shrsi %add3A_296, %shift_right_arithmetic3A_297 : i32
        %shift_left3A_299 = arith.constant 3 : i32
        %shift_left3A_300 = arith.shli %shift_right_arithmetic3A_298, %shift_left3A_299 : i32
        %min3A_301 = arith.constant 2082832 : i32
        %min3A_302 = arith.minsi %shift_left3A_300, %min3A_301 : i32
        %multiple_of3A_303 = tpu.assume_multiple %min3A_302, 8 : i32
        %dma_wait3A_304 = arith.constant 1 : i32
        %dma_wait3A_305 = arith.constant 0 : i32
        %dma_wait3A_306 = arith.constant 0 : i32
        %dma_wait3A_307 = tpu.memref_slice %arg6[%dma_wait3A_304, %dma_wait3A_305, %dma_wait3A_306] : memref<2x8x2048xf32, #tpu.memory_space<vmem>> -> memref<1x8x2048xf32, #tpu.memory_space<vmem>>
        %dma_wait3A_308 = tpu.memref_squeeze %dma_wait3A_307 : memref<1x8x2048xf32, #tpu.memory_space<vmem>> -> memref<8x2048xf32, #tpu.memory_space<vmem>>
        %dma_wait3A_309 = arith.constant 0 : i32
        %dma_wait3A_310 = tpu.memref_slice %arg4[%mul3A_289, %dma_wait3A_309] : memref<2048x2048xf32, #tpu.memory_space<hbm>> -> memref<8x2048xf32, #tpu.memory_space<hbm>>
        %dma_wait3A_311 = arith.constant 0 : i32
        %dma_wait3A_312 = tpu.memref_slice %arg4[%mul3A_289, %dma_wait3A_311] : memref<2048x2048xf32, #tpu.memory_space<hbm>> -> memref<8x2048xf32, #tpu.memory_space<hbm>>
        %dma_wait3A_313 = arith.constant 0 : i32
        %dma_wait3A_314 = arith.constant 0 : i32
        %dma_wait3A_315 = tpu.memref_slice %arg6[%dma_wait3A_304, %dma_wait3A_313, %dma_wait3A_314] : memref<2x8x2048xf32, #tpu.memory_space<vmem>> -> memref<1x8x2048xf32, #tpu.memory_space<vmem>>
        %dma_wait3A_316 = tpu.memref_squeeze %dma_wait3A_315 : memref<1x8x2048xf32, #tpu.memory_space<vmem>> -> memref<8x2048xf32, #tpu.memory_space<vmem>>
        tpu.wait_dma2 semaphore(%arg10 : memref<!tpu.dma_semaphore, #tpu.memory_space<semaphore_mem>>) src(%dma_wait3A_316 : memref<8x2048xf32, #tpu.memory_space<vmem>>) dst(%dma_wait3A_312 : memref<8x2048xf32, #tpu.memory_space<hbm>>)
      } else {
      }
      %mul3A_228 = arith.constant 32 : i32
      %mul3A_229 = arith.muli %mul3A_228, %add3A_193 : i32
      %add3A_230 = arith.addi %add3A, %mul3A_229 : i32
      %mul3A_231 = arith.constant 8 : i32
      %mul3A_232 = arith.muli %add3A_230, %mul3A_231 : i32
      %add3A_233 = arith.constant 1 : i32
      %add3A_234 = arith.addi %mul3A_232, %add3A_233 : i32
      %mul3A_235 = arith.muli %mul3A_232, %add3A_234 : i32
      %shift_right_arithmetic3A_236 = arith.constant 1 : i32
      %shift_right_arithmetic3A_237 = arith.shrsi %mul3A_235, %shift_right_arithmetic3A_236 : i32
      %add3A_238 = arith.constant 1024 : i32
      %add3A_239 = arith.addi %add3A_238, %shift_right_arithmetic3A_237 : i32
      %shift_right_arithmetic3A_240 = arith.constant 3 : i32
      %shift_right_arithmetic3A_241 = arith.shrsi %add3A_239, %shift_right_arithmetic3A_240 : i32
      %shift_left3A_242 = arith.constant 3 : i32
      %shift_left3A_243 = arith.shli %shift_right_arithmetic3A_241, %shift_left3A_242 : i32
      %min3A_244 = arith.constant 2082832 : i32
      %min3A_245 = arith.minsi %shift_left3A_243, %min3A_244 : i32
      %multiple_of3A_246 = tpu.assume_multiple %min3A_245, 8 : i32
      %scan3A_247 = arith.constant 0 : i32
      %scan3A_248 = arith.constant 8 : i32
      %scan3A_249 = arith.addi %scan3A_247, %scan3A_248 : i32
      %scan3A_250 = arith.constant 1 : i32
      scf.for %scan3A_284 = %scan3A_247 to %scan3A_249 step %scan3A_250  : i32 {
        %mul3A_285 = arith.constant 1 : i32
        %mul3A_286 = arith.muli %scan3A_284, %mul3A_285 : i32
        %add3A_287 = arith.constant 0 : i32
        %add3A_288 = arith.addi %add3A_287, %mul3A_286 : i32
        %add3A_289 = arith.addi %mul3A_232, %add3A_288 : i32
        %add3A_290 = arith.constant 1 : i32
        %add3A_291 = arith.addi %add3A_289, %add3A_290 : i32
        %mul3A_292 = arith.muli %add3A_289, %add3A_291 : i32
        %shift_right_arithmetic3A_293 = arith.constant 1 : i32
        %shift_right_arithmetic3A_294 = arith.shrsi %mul3A_292, %shift_right_arithmetic3A_293 : i32
        %add3A_295 = arith.constant 17392 : i32
        %add3A_296 = arith.addi %add3A_295, %shift_right_arithmetic3A_294 : i32
        %sub3A = arith.subi %add3A_296, %multiple_of3A_246 : i32
        %add3A_297 = arith.constant 1 : i32
        %add3A_298 = arith.addi %add3A_289, %add3A_297 : i32
        %shift_right_arithmetic3A_299 = arith.constant 4 : i32
        %shift_right_arithmetic3A_300 = arith.shrsi %add3A_298, %shift_right_arithmetic3A_299 : i32
        %shift_right_arithmetic3A_301 = arith.constant 3 : i32
        %shift_right_arithmetic3A_302 = arith.shrsi %shift_right_arithmetic3A_300, %shift_right_arithmetic3A_301 : i32
        %min3A_303 = arith.constant 15 : i32
        %min3A_304 = arith.minsi %shift_right_arithmetic3A_302, %min3A_303 : i32
        %parallel_loop3A = arith.constant 0 : i32
        %parallel_loop3A_305 = arith.constant 1 : i32
        %parallel_loop3A_306 = arith.constant 1 : i32
        scf.for %parallel_loop3A_502 = %parallel_loop3A to %min3A_304 step %parallel_loop3A_305  : i32 {
          %parallel_loop3A_503 = arith.constant 8 : i32
          %parallel_loop3A_504 = arith.muli %parallel_loop3A_502, %parallel_loop3A_503 : i32
          %parallel_loop3A_505 = arith.constant 0 : i32
          %parallel_loop3A_506 = arith.addi %parallel_loop3A_504, %parallel_loop3A_505 : i32
          %parallel_loop3A_507 = arith.constant 16 : i32
          %parallel_loop3A_508 = arith.muli %parallel_loop3A_506, %parallel_loop3A_507 : i32
          %parallel_loop3A_509 = arith.addi %sub3A, %parallel_loop3A_508 : i32
          %parallel_loop3A_510 = arith.index_cast %parallel_loop3A_509 : i32 to index
          %parallel_loop3A_511 = tpu.vector_load %arg5[%parallel_loop3A_510] {strides = array<i32>} : memref<32736xf32, #tpu.memory_space<vmem>>, vector<16xf32>,
          %parallel_loop3A_512 = vector.shape_cast %parallel_loop3A_511 : vector<16xf32> to vector<16xf32>
          %parallel_loop3A_513 = tpu.assume_multiple %parallel_loop3A_508, 16 : i32
          %parallel_loop3A_514 = arith.constant 0 : i32
          %parallel_loop3A_515 = tpu.memref_slice %arg6[%parallel_loop3A_306, %add3A_288, %parallel_loop3A_514] : memref<2x8x2048xf32, #tpu.memory_space<vmem>> -> memref<1x1x2048xf32, #tpu.memory_space<vmem>>
          %parallel_loop3A_516 = tpu.memref_squeeze %parallel_loop3A_515 : memref<1x1x2048xf32, #tpu.memory_space<vmem>> -> memref<2048xf32, #tpu.memory_space<vmem>>
          %parallel_loop3A_517 = arith.index_cast %parallel_loop3A_513 : i32 to index
          %parallel_loop3A_518 = tpu.vector_load %parallel_loop3A_516[%parallel_loop3A_517] {strides = array<i32>} : memref<2048xf32, #tpu.memory_space<vmem>>, vector<16xf32>,
          %parallel_loop3A_519 = vector.shape_cast %parallel_loop3A_518 : vector<16xf32> to vector<16xf32>
          %parallel_loop3A_520 = vector.shape_cast %parallel_loop3A_512 : vector<16xf32> to vector<16xf32>
          tpu.vector_store %parallel_loop3A_516[%parallel_loop3A_517], %parallel_loop3A_520 {strides = array<i32>} : memref<2048xf32, #tpu.memory_space<vmem>>, vector<16xf32>,
          %parallel_loop3A_521 = arith.constant 8 : i32
          %parallel_loop3A_522 = arith.muli %parallel_loop3A_502, %parallel_loop3A_521 : i32
          %parallel_loop3A_523 = arith.constant 1 : i32
          %parallel_loop3A_524 = arith.addi %parallel_loop3A_522, %parallel_loop3A_523 : i32
          %parallel_loop3A_525 = arith.constant 16 : i32
          %parallel_loop3A_526 = arith.muli %parallel_loop3A_524, %parallel_loop3A_525 : i32
          %parallel_loop3A_527 = arith.addi %sub3A, %parallel_loop3A_526 : i32
          %parallel_loop3A_528 = arith.index_cast %parallel_loop3A_527 : i32 to index
          %parallel_loop3A_529 = tpu.vector_load %arg5[%parallel_loop3A_528] {strides = array<i32>} : memref<32736xf32, #tpu.memory_space<vmem>>, vector<16xf32>,
          %parallel_loop3A_530 = vector.shape_cast %parallel_loop3A_529 : vector<16xf32> to vector<16xf32>
          %parallel_loop3A_531 = tpu.assume_multiple %parallel_loop3A_526, 16 : i32
          %parallel_loop3A_532 = arith.constant 0 : i32
          %parallel_loop3A_533 = tpu.memref_slice %arg6[%parallel_loop3A_306, %add3A_288, %parallel_loop3A_532] : memref<2x8x2048xf32, #tpu.memory_space<vmem>> -> memref<1x1x2048xf32, #tpu.memory_space<vmem>>
          %parallel_loop3A_534 = tpu.memref_squeeze %parallel_loop3A_533 : memref<1x1x2048xf32, #tpu.memory_space<vmem>> -> memref<2048xf32, #tpu.memory_space<vmem>>
          %parallel_loop3A_535 = arith.index_cast %parallel_loop3A_531 : i32 to index
          %parallel_loop3A_536 = tpu.vector_load %parallel_loop3A_534[%parallel_loop3A_535] {strides = array<i32>} : memref<2048xf32, #tpu.memory_space<vmem>>, vector<16xf32>,
          %parallel_loop3A_537 = vector.shape_cast %parallel_loop3A_536 : vector<16xf32> to vector<16xf32>
          %parallel_loop3A_538 = vector.shape_cast %parallel_loop3A_530 : vector<16xf32> to vector<16xf32>
          tpu.vector_store %parallel_loop3A_534[%parallel_loop3A_535], %parallel_loop3A_538 {strides = array<i32>} : memref<2048xf32, #tpu.memory_space<vmem>>, vector<16xf32>,
          %parallel_loop3A_539 = arith.constant 8 : i32
          %parallel_loop3A_540 = arith.muli %parallel_loop3A_502, %parallel_loop3A_539 : i32
          %parallel_loop3A_541 = arith.constant 2 : i32
          %parallel_loop3A_542 = arith.addi %parallel_loop3A_540, %parallel_loop3A_541 : i32
          %parallel_loop3A_543 = arith.constant 16 : i32
          %parallel_loop3A_544 = arith.muli %parallel_loop3A_542, %parallel_loop3A_543 : i32
          %parallel_loop3A_545 = arith.addi %sub3A, %parallel_loop3A_544 : i32
          %parallel_loop3A_546 = arith.index_cast %parallel_loop3A_545 : i32 to index
          %parallel_loop3A_547 = tpu.vector_load %arg5[%parallel_loop3A_546] {strides = array<i32>} : memref<32736xf32, #tpu.memory_space<vmem>>, vector<16xf32>,
          %parallel_loop3A_548 = vector.shape_cast %parallel_loop3A_547 : vector<16xf32> to vector<16xf32>
          %parallel_loop3A_549 = tpu.assume_multiple %parallel_loop3A_544, 16 : i32
          %parallel_loop3A_550 = arith.constant 0 : i32
          %parallel_loop3A_551 = tpu.memref_slice %arg6[%parallel_loop3A_306, %add3A_288, %parallel_loop3A_550] : memref<2x8x2048xf32, #tpu.memory_space<vmem>> -> memref<1x1x2048xf32, #tpu.memory_space<vmem>>
          %parallel_loop3A_552 = tpu.memref_squeeze %parallel_loop3A_551 : memref<1x1x2048xf32, #tpu.memory_space<vmem>> -> memref<2048xf32, #tpu.memory_space<vmem>>
          %parallel_loop3A_553 = arith.index_cast %parallel_loop3A_549 : i32 to index
          %parallel_loop3A_554 = tpu.vector_load %parallel_loop3A_552[%parallel_loop3A_553] {strides = array<i32>} : memref<2048xf32, #tpu.memory_space<vmem>>, vector<16xf32>,
          %parallel_loop3A_555 = vector.shape_cast %parallel_loop3A_554 : vector<16xf32> to vector<16xf32>
          %parallel_loop3A_556 = vector.shape_cast %parallel_loop3A_548 : vector<16xf32> to vector<16xf32>
          tpu.vector_store %parallel_loop3A_552[%parallel_loop3A_553], %parallel_loop3A_556 {strides = array<i32>} : memref<2048xf32, #tpu.memory_space<vmem>>, vector<16xf32>,
          %parallel_loop3A_557 = arith.constant 8 : i32
          %parallel_loop3A_558 = arith.muli %parallel_loop3A_502, %parallel_loop3A_557 : i32
          %parallel_loop3A_559 = arith.constant 3 : i32
          %parallel_loop3A_560 = arith.addi %parallel_loop3A_558, %parallel_loop3A_559 : i32
          %parallel_loop3A_561 = arith.constant 16 : i32
          %parallel_loop3A_562 = arith.muli %parallel_loop3A_560, %parallel_loop3A_561 : i32
          %parallel_loop3A_563 = arith.addi %sub3A, %parallel_loop3A_562 : i32
          %parallel_loop3A_564 = arith.index_cast %parallel_loop3A_563 : i32 to index
          %parallel_loop3A_565 = tpu.vector_load %arg5[%parallel_loop3A_564] {strides = array<i32>} : memref<32736xf32, #tpu.memory_space<vmem>>, vector<16xf32>,
          %parallel_loop3A_566 = vector.shape_cast %parallel_loop3A_565 : vector<16xf32> to vector<16xf32>
          %parallel_loop3A_567 = tpu.assume_multiple %parallel_loop3A_562, 16 : i32
          %parallel_loop3A_568 = arith.constant 0 : i32
          %parallel_loop3A_569 = tpu.memref_slice %arg6[%parallel_loop3A_306, %add3A_288, %parallel_loop3A_568] : memref<2x8x2048xf32, #tpu.memory_space<vmem>> -> memref<1x1x2048xf32, #tpu.memory_space<vmem>>
          %parallel_loop3A_570 = tpu.memref_squeeze %parallel_loop3A_569 : memref<1x1x2048xf32, #tpu.memory_space<vmem>> -> memref<2048xf32, #tpu.memory_space<vmem>>
          %parallel_loop3A_571 = arith.index_cast %parallel_loop3A_567 : i32 to index
          %parallel_loop3A_572 = tpu.vector_load %parallel_loop3A_570[%parallel_loop3A_571] {strides = array<i32>} : memref<2048xf32, #tpu.memory_space<vmem>>, vector<16xf32>,
          %parallel_loop3A_573 = vector.shape_cast %parallel_loop3A_572 : vector<16xf32> to vector<16xf32>
          %parallel_loop3A_574 = vector.shape_cast %parallel_loop3A_566 : vector<16xf32> to vector<16xf32>
          tpu.vector_store %parallel_loop3A_570[%parallel_loop3A_571], %parallel_loop3A_574 {strides = array<i32>} : memref<2048xf32, #tpu.memory_space<vmem>>, vector<16xf32>,
          %parallel_loop3A_575 = arith.constant 8 : i32
          %parallel_loop3A_576 = arith.muli %parallel_loop3A_502, %parallel_loop3A_575 : i32
          %parallel_loop3A_577 = arith.constant 4 : i32
          %parallel_loop3A_578 = arith.addi %parallel_loop3A_576, %parallel_loop3A_577 : i32
          %parallel_loop3A_579 = arith.constant 16 : i32
          %parallel_loop3A_580 = arith.muli %parallel_loop3A_578, %parallel_loop3A_579 : i32
          %parallel_loop3A_581 = arith.addi %sub3A, %parallel_loop3A_580 : i32
          %parallel_loop3A_582 = arith.index_cast %parallel_loop3A_581 : i32 to index
          %parallel_loop3A_583 = tpu.vector_load %arg5[%parallel_loop3A_582] {strides = array<i32>} : memref<32736xf32, #tpu.memory_space<vmem>>, vector<16xf32>,
          %parallel_loop3A_584 = vector.shape_cast %parallel_loop3A_583 : vector<16xf32> to vector<16xf32>
          %parallel_loop3A_585 = tpu.assume_multiple %parallel_loop3A_580, 16 : i32
          %parallel_loop3A_586 = arith.constant 0 : i32
          %parallel_loop3A_587 = tpu.memref_slice %arg6[%parallel_loop3A_306, %add3A_288, %parallel_loop3A_586] : memref<2x8x2048xf32, #tpu.memory_space<vmem>> -> memref<1x1x2048xf32, #tpu.memory_space<vmem>>
          %parallel_loop3A_588 = tpu.memref_squeeze %parallel_loop3A_587 : memref<1x1x2048xf32, #tpu.memory_space<vmem>> -> memref<2048xf32, #tpu.memory_space<vmem>>
          %parallel_loop3A_589 = arith.index_cast %parallel_loop3A_585 : i32 to index
          %parallel_loop3A_590 = tpu.vector_load %parallel_loop3A_588[%parallel_loop3A_589] {strides = array<i32>} : memref<2048xf32, #tpu.memory_space<vmem>>, vector<16xf32>,
          %parallel_loop3A_591 = vector.shape_cast %parallel_loop3A_590 : vector<16xf32> to vector<16xf32>
          %parallel_loop3A_592 = vector.shape_cast %parallel_loop3A_584 : vector<16xf32> to vector<16xf32>
          tpu.vector_store %parallel_loop3A_588[%parallel_loop3A_589], %parallel_loop3A_592 {strides = array<i32>} : memref<2048xf32, #tpu.memory_space<vmem>>, vector<16xf32>,
          %parallel_loop3A_593 = arith.constant 8 : i32
          %parallel_loop3A_594 = arith.muli %parallel_loop3A_502, %parallel_loop3A_593 : i32
          %parallel_loop3A_595 = arith.constant 5 : i32
          %parallel_loop3A_596 = arith.addi %parallel_loop3A_594, %parallel_loop3A_595 : i32
          %parallel_loop3A_597 = arith.constant 16 : i32
          %parallel_loop3A_598 = arith.muli %parallel_loop3A_596, %parallel_loop3A_597 : i32
          %parallel_loop3A_599 = arith.addi %sub3A, %parallel_loop3A_598 : i32
          %parallel_loop3A_600 = arith.index_cast %parallel_loop3A_599 : i32 to index
          %parallel_loop3A_601 = tpu.vector_load %arg5[%parallel_loop3A_600] {strides = array<i32>} : memref<32736xf32, #tpu.memory_space<vmem>>, vector<16xf32>,
          %parallel_loop3A_602 = vector.shape_cast %parallel_loop3A_601 : vector<16xf32> to vector<16xf32>
          %parallel_loop3A_603 = tpu.assume_multiple %parallel_loop3A_598, 16 : i32
          %parallel_loop3A_604 = arith.constant 0 : i32
          %parallel_loop3A_605 = tpu.memref_slice %arg6[%parallel_loop3A_306, %add3A_288, %parallel_loop3A_604] : memref<2x8x2048xf32, #tpu.memory_space<vmem>> -> memref<1x1x2048xf32, #tpu.memory_space<vmem>>
          %parallel_loop3A_606 = tpu.memref_squeeze %parallel_loop3A_605 : memref<1x1x2048xf32, #tpu.memory_space<vmem>> -> memref<2048xf32, #tpu.memory_space<vmem>>
          %parallel_loop3A_607 = arith.index_cast %parallel_loop3A_603 : i32 to index
          %parallel_loop3A_608 = tpu.vector_load %parallel_loop3A_606[%parallel_loop3A_607] {strides = array<i32>} : memref<2048xf32, #tpu.memory_space<vmem>>, vector<16xf32>,
          %parallel_loop3A_609 = vector.shape_cast %parallel_loop3A_608 : vector<16xf32> to vector<16xf32>
          %parallel_loop3A_610 = vector.shape_cast %parallel_loop3A_602 : vector<16xf32> to vector<16xf32>
          tpu.vector_store %parallel_loop3A_606[%parallel_loop3A_607], %parallel_loop3A_610 {strides = array<i32>} : memref<2048xf32, #tpu.memory_space<vmem>>, vector<16xf32>,
          %parallel_loop3A_611 = arith.constant 8 : i32
          %parallel_loop3A_612 = arith.muli %parallel_loop3A_502, %parallel_loop3A_611 : i32
          %parallel_loop3A_613 = arith.constant 6 : i32
          %parallel_loop3A_614 = arith.addi %parallel_loop3A_612, %parallel_loop3A_613 : i32
          %parallel_loop3A_615 = arith.constant 16 : i32
          %parallel_loop3A_616 = arith.muli %parallel_loop3A_614, %parallel_loop3A_615 : i32
          %parallel_loop3A_617 = arith.addi %sub3A, %parallel_loop3A_616 : i32
          %parallel_loop3A_618 = arith.index_cast %parallel_loop3A_617 : i32 to index
          %parallel_loop3A_619 = tpu.vector_load %arg5[%parallel_loop3A_618] {strides = array<i32>} : memref<32736xf32, #tpu.memory_space<vmem>>, vector<16xf32>,
          %parallel_loop3A_620 = vector.shape_cast %parallel_loop3A_619 : vector<16xf32> to vector<16xf32>
          %parallel_loop3A_621 = tpu.assume_multiple %parallel_loop3A_616, 16 : i32
          %parallel_loop3A_622 = arith.constant 0 : i32
          %parallel_loop3A_623 = tpu.memref_slice %arg6[%parallel_loop3A_306, %add3A_288, %parallel_loop3A_622] : memref<2x8x2048xf32, #tpu.memory_space<vmem>> -> memref<1x1x2048xf32, #tpu.memory_space<vmem>>
          %parallel_loop3A_624 = tpu.memref_squeeze %parallel_loop3A_623 : memref<1x1x2048xf32, #tpu.memory_space<vmem>> -> memref<2048xf32, #tpu.memory_space<vmem>>
          %parallel_loop3A_625 = arith.index_cast %parallel_loop3A_621 : i32 to index
          %parallel_loop3A_626 = tpu.vector_load %parallel_loop3A_624[%parallel_loop3A_625] {strides = array<i32>} : memref<2048xf32, #tpu.memory_space<vmem>>, vector<16xf32>,
          %parallel_loop3A_627 = vector.shape_cast %parallel_loop3A_626 : vector<16xf32> to vector<16xf32>
          %parallel_loop3A_628 = vector.shape_cast %parallel_loop3A_620 : vector<16xf32> to vector<16xf32>
          tpu.vector_store %parallel_loop3A_624[%parallel_loop3A_625], %parallel_loop3A_628 {strides = array<i32>} : memref<2048xf32, #tpu.memory_space<vmem>>, vector<16xf32>,
          %parallel_loop3A_629 = arith.constant 8 : i32
          %parallel_loop3A_630 = arith.muli %parallel_loop3A_502, %parallel_loop3A_629 : i32
          %parallel_loop3A_631 = arith.constant 7 : i32
          %parallel_loop3A_632 = arith.addi %parallel_loop3A_630, %parallel_loop3A_631 : i32
          %parallel_loop3A_633 = arith.constant 16 : i32
          %parallel_loop3A_634 = arith.muli %parallel_loop3A_632, %parallel_loop3A_633 : i32
          %parallel_loop3A_635 = arith.addi %sub3A, %parallel_loop3A_634 : i32
          %parallel_loop3A_636 = arith.index_cast %parallel_loop3A_635 : i32 to index
          %parallel_loop3A_637 = tpu.vector_load %arg5[%parallel_loop3A_636] {strides = array<i32>} : memref<32736xf32, #tpu.memory_space<vmem>>, vector<16xf32>,
          %parallel_loop3A_638 = vector.shape_cast %parallel_loop3A_637 : vector<16xf32> to vector<16xf32>
          %parallel_loop3A_639 = tpu.assume_multiple %parallel_loop3A_634, 16 : i32
          %parallel_loop3A_640 = arith.constant 0 : i32
          %parallel_loop3A_641 = tpu.memref_slice %arg6[%parallel_loop3A_306, %add3A_288, %parallel_loop3A_640] : memref<2x8x2048xf32, #tpu.memory_space<vmem>> -> memref<1x1x2048xf32, #tpu.memory_space<vmem>>
          %parallel_loop3A_642 = tpu.memref_squeeze %parallel_loop3A_641 : memref<1x1x2048xf32, #tpu.memory_space<vmem>> -> memref<2048xf32, #tpu.memory_space<vmem>>
          %parallel_loop3A_643 = arith.index_cast %parallel_loop3A_639 : i32 to index
          %parallel_loop3A_644 = tpu.vector_load %parallel_loop3A_642[%parallel_loop3A_643] {strides = array<i32>} : memref<2048xf32, #tpu.memory_space<vmem>>, vector<16xf32>,
          %parallel_loop3A_645 = vector.shape_cast %parallel_loop3A_644 : vector<16xf32> to vector<16xf32>
          %parallel_loop3A_646 = vector.shape_cast %parallel_loop3A_638 : vector<16xf32> to vector<16xf32>
          tpu.vector_store %parallel_loop3A_642[%parallel_loop3A_643], %parallel_loop3A_646 {strides = array<i32>} : memref<2048xf32, #tpu.memory_space<vmem>>, vector<16xf32>,
        } {sc.loop_unroll_factor = 4 : i64, sc.parallel_access}
        %mul3A_307 = arith.constant 8 : i32
        %mul3A_308 = arith.muli %min3A_304, %mul3A_307 : i32
        %add3A_309 = arith.constant 0 : i32
        %add3A_310 = arith.addi %mul3A_308, %add3A_309 : i32
        %mul3A_311 = arith.constant 16 : i32
        %mul3A_312 = arith.muli %add3A_310, %mul3A_311 : i32
        %add3A_313 = arith.addi %sub3A, %mul3A_312 : i32
        %get3A = arith.index_cast %add3A_313 : i32 to index
        %get3A_314 = tpu.vector_load %arg5[%get3A] {strides = array<i32>} : memref<32736xf32, #tpu.memory_space<vmem>>, vector<16xf32>,
        %get3A_315 = vector.shape_cast %get3A_314 : vector<16xf32> to vector<16xf32>
        %add3A_316 = vector.broadcast %mul3A_312 : i32 to vector<16xi32>
        %add3A_317 = arith.addi %iota3A, %add3A_316 : vector<16xi32>
        %lt3A_318 = vector.broadcast %add3A_298 : i32 to vector<16xi32>
        %lt3A_319 = arith.cmpi slt, %add3A_317, %lt3A_318 : vector<16xi32>
        %select_n3A = arith.select %lt3A_319, %get3A_315, %broadcast_in_dim3A_1 : vector<16xi1>, vector<16xf32>
        %multiple_of3A_320 = tpu.assume_multiple %mul3A_312, 16 : i32
        %swap3A = arith.constant 1 : i32
        %swap3A_321 = arith.constant 0 : i32
        %swap3A_322 = tpu.memref_slice %arg6[%swap3A, %add3A_288, %swap3A_321] : memref<2x8x2048xf32, #tpu.memory_space<vmem>> -> memref<1x1x2048xf32, #tpu.memory_space<vmem>>
        %swap3A_323 = tpu.memref_squeeze %swap3A_322 : memref<1x1x2048xf32, #tpu.memory_space<vmem>> -> memref<2048xf32, #tpu.memory_space<vmem>>
        %swap3A_324 = arith.index_cast %multiple_of3A_320 : i32 to index
        %swap3A_325 = tpu.vector_load %swap3A_323[%swap3A_324] {strides = array<i32>} : memref<2048xf32, #tpu.memory_space<vmem>>, vector<16xf32>,
        %swap3A_326 = vector.shape_cast %swap3A_325 : vector<16xf32> to vector<16xf32>
        %swap3A_327 = vector.shape_cast %select_n3A : vector<16xf32> to vector<16xf32>
        tpu.vector_store %swap3A_323[%swap3A_324], %swap3A_327 {strides = array<i32>} : memref<2048xf32, #tpu.memory_space<vmem>>, vector<16xf32>,
        %mul3A_328 = arith.constant 8 : i32
        %mul3A_329 = arith.muli %min3A_304, %mul3A_328 : i32
        %add3A_330 = arith.constant 1 : i32
        %add3A_331 = arith.addi %mul3A_329, %add3A_330 : i32
        %mul3A_332 = arith.constant 16 : i32
        %mul3A_333 = arith.muli %add3A_331, %mul3A_332 : i32
        %add3A_334 = arith.addi %sub3A, %mul3A_333 : i32
        %get3A_335 = arith.index_cast %add3A_334 : i32 to index
        %get3A_336 = tpu.vector_load %arg5[%get3A_335] {strides = array<i32>} : memref<32736xf32, #tpu.memory_space<vmem>>, vector<16xf32>,
        %get3A_337 = vector.shape_cast %get3A_336 : vector<16xf32> to vector<16xf32>
        %add3A_338 = vector.broadcast %mul3A_333 : i32 to vector<16xi32>
        %add3A_339 = arith.addi %iota3A, %add3A_338 : vector<16xi32>
        %lt3A_340 = vector.broadcast %add3A_298 : i32 to vector<16xi32>
        %lt3A_341 = arith.cmpi slt, %add3A_339, %lt3A_340 : vector<16xi32>
        %select_n3A_342 = arith.select %lt3A_341, %get3A_337, %broadcast_in_dim3A_1 : vector<16xi1>, vector<16xf32>
        %multiple_of3A_343 = tpu.assume_multiple %mul3A_333, 16 : i32
        %swap3A_344 = arith.constant 1 : i32
        %swap3A_345 = arith.constant 0 : i32
        %swap3A_346 = tpu.memref_slice %arg6[%swap3A_344, %add3A_288, %swap3A_345] : memref<2x8x2048xf32, #tpu.memory_space<vmem>> -> memref<1x1x2048xf32, #tpu.memory_space<vmem>>
        %swap3A_347 = tpu.memref_squeeze %swap3A_346 : memref<1x1x2048xf32, #tpu.memory_space<vmem>> -> memref<2048xf32, #tpu.memory_space<vmem>>
        %swap3A_348 = arith.index_cast %multiple_of3A_343 : i32 to index
        %swap3A_349 = tpu.vector_load %swap3A_347[%swap3A_348] {strides = array<i32>} : memref<2048xf32, #tpu.memory_space<vmem>>, vector<16xf32>,
        %swap3A_350 = vector.shape_cast %swap3A_349 : vector<16xf32> to vector<16xf32>
        %swap3A_351 = vector.shape_cast %select_n3A_342 : vector<16xf32> to vector<16xf32>
        tpu.vector_store %swap3A_347[%swap3A_348], %swap3A_351 {strides = array<i32>} : memref<2048xf32, #tpu.memory_space<vmem>>, vector<16xf32>,
        %mul3A_352 = arith.constant 8 : i32
        %mul3A_353 = arith.muli %min3A_304, %mul3A_352 : i32
        %add3A_354 = arith.constant 2 : i32
        %add3A_355 = arith.addi %mul3A_353, %add3A_354 : i32
        %mul3A_356 = arith.constant 16 : i32
        %mul3A_357 = arith.muli %add3A_355, %mul3A_356 : i32
        %add3A_358 = arith.addi %sub3A, %mul3A_357 : i32
        %get3A_359 = arith.index_cast %add3A_358 : i32 to index
        %get3A_360 = tpu.vector_load %arg5[%get3A_359] {strides = array<i32>} : memref<32736xf32, #tpu.memory_space<vmem>>, vector<16xf32>,
        %get3A_361 = vector.shape_cast %get3A_360 : vector<16xf32> to vector<16xf32>
        %add3A_362 = vector.broadcast %mul3A_357 : i32 to vector<16xi32>
        %add3A_363 = arith.addi %iota3A, %add3A_362 : vector<16xi32>
        %lt3A_364 = vector.broadcast %add3A_298 : i32 to vector<16xi32>
        %lt3A_365 = arith.cmpi slt, %add3A_363, %lt3A_364 : vector<16xi32>
        %select_n3A_366 = arith.select %lt3A_365, %get3A_361, %broadcast_in_dim3A_1 : vector<16xi1>, vector<16xf32>
        %multiple_of3A_367 = tpu.assume_multiple %mul3A_357, 16 : i32
        %swap3A_368 = arith.constant 1 : i32
        %swap3A_369 = arith.constant 0 : i32
        %swap3A_370 = tpu.memref_slice %arg6[%swap3A_368, %add3A_288, %swap3A_369] : memref<2x8x2048xf32, #tpu.memory_space<vmem>> -> memref<1x1x2048xf32, #tpu.memory_space<vmem>>
        %swap3A_371 = tpu.memref_squeeze %swap3A_370 : memref<1x1x2048xf32, #tpu.memory_space<vmem>> -> memref<2048xf32, #tpu.memory_space<vmem>>
        %swap3A_372 = arith.index_cast %multiple_of3A_367 : i32 to index
        %swap3A_373 = tpu.vector_load %swap3A_371[%swap3A_372] {strides = array<i32>} : memref<2048xf32, #tpu.memory_space<vmem>>, vector<16xf32>,
        %swap3A_374 = vector.shape_cast %swap3A_373 : vector<16xf32> to vector<16xf32>
        %swap3A_375 = vector.shape_cast %select_n3A_366 : vector<16xf32> to vector<16xf32>
        tpu.vector_store %swap3A_371[%swap3A_372], %swap3A_375 {strides = array<i32>} : memref<2048xf32, #tpu.memory_space<vmem>>, vector<16xf32>,
        %mul3A_376 = arith.constant 8 : i32
        %mul3A_377 = arith.muli %min3A_304, %mul3A_376 : i32
        %add3A_378 = arith.constant 3 : i32
        %add3A_379 = arith.addi %mul3A_377, %add3A_378 : i32
        %mul3A_380 = arith.constant 16 : i32
        %mul3A_381 = arith.muli %add3A_379, %mul3A_380 : i32
        %add3A_382 = arith.addi %sub3A, %mul3A_381 : i32
        %get3A_383 = arith.index_cast %add3A_382 : i32 to index
        %get3A_384 = tpu.vector_load %arg5[%get3A_383] {strides = array<i32>} : memref<32736xf32, #tpu.memory_space<vmem>>, vector<16xf32>,
        %get3A_385 = vector.shape_cast %get3A_384 : vector<16xf32> to vector<16xf32>
        %add3A_386 = vector.broadcast %mul3A_381 : i32 to vector<16xi32>
        %add3A_387 = arith.addi %iota3A, %add3A_386 : vector<16xi32>
        %lt3A_388 = vector.broadcast %add3A_298 : i32 to vector<16xi32>
        %lt3A_389 = arith.cmpi slt, %add3A_387, %lt3A_388 : vector<16xi32>
        %select_n3A_390 = arith.select %lt3A_389, %get3A_385, %broadcast_in_dim3A_1 : vector<16xi1>, vector<16xf32>
        %multiple_of3A_391 = tpu.assume_multiple %mul3A_381, 16 : i32
        %swap3A_392 = arith.constant 1 : i32
        %swap3A_393 = arith.constant 0 : i32
        %swap3A_394 = tpu.memref_slice %arg6[%swap3A_392, %add3A_288, %swap3A_393] : memref<2x8x2048xf32, #tpu.memory_space<vmem>> -> memref<1x1x2048xf32, #tpu.memory_space<vmem>>
        %swap3A_395 = tpu.memref_squeeze %swap3A_394 : memref<1x1x2048xf32, #tpu.memory_space<vmem>> -> memref<2048xf32, #tpu.memory_space<vmem>>
        %swap3A_396 = arith.index_cast %multiple_of3A_391 : i32 to index
        %swap3A_397 = tpu.vector_load %swap3A_395[%swap3A_396] {strides = array<i32>} : memref<2048xf32, #tpu.memory_space<vmem>>, vector<16xf32>,
        %swap3A_398 = vector.shape_cast %swap3A_397 : vector<16xf32> to vector<16xf32>
        %swap3A_399 = vector.shape_cast %select_n3A_390 : vector<16xf32> to vector<16xf32>
        tpu.vector_store %swap3A_395[%swap3A_396], %swap3A_399 {strides = array<i32>} : memref<2048xf32, #tpu.memory_space<vmem>>, vector<16xf32>,
        %mul3A_400 = arith.constant 8 : i32
        %mul3A_401 = arith.muli %min3A_304, %mul3A_400 : i32
        %add3A_402 = arith.constant 4 : i32
        %add3A_403 = arith.addi %mul3A_401, %add3A_402 : i32
        %mul3A_404 = arith.constant 16 : i32
        %mul3A_405 = arith.muli %add3A_403, %mul3A_404 : i32
        %add3A_406 = arith.addi %sub3A, %mul3A_405 : i32
        %get3A_407 = arith.index_cast %add3A_406 : i32 to index
        %get3A_408 = tpu.vector_load %arg5[%get3A_407] {strides = array<i32>} : memref<32736xf32, #tpu.memory_space<vmem>>, vector<16xf32>,
        %get3A_409 = vector.shape_cast %get3A_408 : vector<16xf32> to vector<16xf32>
        %add3A_410 = vector.broadcast %mul3A_405 : i32 to vector<16xi32>
        %add3A_411 = arith.addi %iota3A, %add3A_410 : vector<16xi32>
        %lt3A_412 = vector.broadcast %add3A_298 : i32 to vector<16xi32>
        %lt3A_413 = arith.cmpi slt, %add3A_411, %lt3A_412 : vector<16xi32>
        %select_n3A_414 = arith.select %lt3A_413, %get3A_409, %broadcast_in_dim3A_1 : vector<16xi1>, vector<16xf32>
        %multiple_of3A_415 = tpu.assume_multiple %mul3A_405, 16 : i32
        %swap3A_416 = arith.constant 1 : i32
        %swap3A_417 = arith.constant 0 : i32
        %swap3A_418 = tpu.memref_slice %arg6[%swap3A_416, %add3A_288, %swap3A_417] : memref<2x8x2048xf32, #tpu.memory_space<vmem>> -> memref<1x1x2048xf32, #tpu.memory_space<vmem>>
        %swap3A_419 = tpu.memref_squeeze %swap3A_418 : memref<1x1x2048xf32, #tpu.memory_space<vmem>> -> memref<2048xf32, #tpu.memory_space<vmem>>
        %swap3A_420 = arith.index_cast %multiple_of3A_415 : i32 to index
        %swap3A_421 = tpu.vector_load %swap3A_419[%swap3A_420] {strides = array<i32>} : memref<2048xf32, #tpu.memory_space<vmem>>, vector<16xf32>,
        %swap3A_422 = vector.shape_cast %swap3A_421 : vector<16xf32> to vector<16xf32>
        %swap3A_423 = vector.shape_cast %select_n3A_414 : vector<16xf32> to vector<16xf32>
        tpu.vector_store %swap3A_419[%swap3A_420], %swap3A_423 {strides = array<i32>} : memref<2048xf32, #tpu.memory_space<vmem>>, vector<16xf32>,
        %mul3A_424 = arith.constant 8 : i32
        %mul3A_425 = arith.muli %min3A_304, %mul3A_424 : i32
        %add3A_426 = arith.constant 5 : i32
        %add3A_427 = arith.addi %mul3A_425, %add3A_426 : i32
        %mul3A_428 = arith.constant 16 : i32
        %mul3A_429 = arith.muli %add3A_427, %mul3A_428 : i32
        %add3A_430 = arith.addi %sub3A, %mul3A_429 : i32
        %get3A_431 = arith.index_cast %add3A_430 : i32 to index
        %get3A_432 = tpu.vector_load %arg5[%get3A_431] {strides = array<i32>} : memref<32736xf32, #tpu.memory_space<vmem>>, vector<16xf32>,
        %get3A_433 = vector.shape_cast %get3A_432 : vector<16xf32> to vector<16xf32>
        %add3A_434 = vector.broadcast %mul3A_429 : i32 to vector<16xi32>
        %add3A_435 = arith.addi %iota3A, %add3A_434 : vector<16xi32>
        %lt3A_436 = vector.broadcast %add3A_298 : i32 to vector<16xi32>
        %lt3A_437 = arith.cmpi slt, %add3A_435, %lt3A_436 : vector<16xi32>
        %select_n3A_438 = arith.select %lt3A_437, %get3A_433, %broadcast_in_dim3A_1 : vector<16xi1>, vector<16xf32>
        %multiple_of3A_439 = tpu.assume_multiple %mul3A_429, 16 : i32
        %swap3A_440 = arith.constant 1 : i32
        %swap3A_441 = arith.constant 0 : i32
        %swap3A_442 = tpu.memref_slice %arg6[%swap3A_440, %add3A_288, %swap3A_441] : memref<2x8x2048xf32, #tpu.memory_space<vmem>> -> memref<1x1x2048xf32, #tpu.memory_space<vmem>>
        %swap3A_443 = tpu.memref_squeeze %swap3A_442 : memref<1x1x2048xf32, #tpu.memory_space<vmem>> -> memref<2048xf32, #tpu.memory_space<vmem>>
        %swap3A_444 = arith.index_cast %multiple_of3A_439 : i32 to index
        %swap3A_445 = tpu.vector_load %swap3A_443[%swap3A_444] {strides = array<i32>} : memref<2048xf32, #tpu.memory_space<vmem>>, vector<16xf32>,
        %swap3A_446 = vector.shape_cast %swap3A_445 : vector<16xf32> to vector<16xf32>
        %swap3A_447 = vector.shape_cast %select_n3A_438 : vector<16xf32> to vector<16xf32>
        tpu.vector_store %swap3A_443[%swap3A_444], %swap3A_447 {strides = array<i32>} : memref<2048xf32, #tpu.memory_space<vmem>>, vector<16xf32>,
        %mul3A_448 = arith.constant 8 : i32
        %mul3A_449 = arith.muli %min3A_304, %mul3A_448 : i32
        %add3A_450 = arith.constant 6 : i32
        %add3A_451 = arith.addi %mul3A_449, %add3A_450 : i32
        %mul3A_452 = arith.constant 16 : i32
        %mul3A_453 = arith.muli %add3A_451, %mul3A_452 : i32
        %add3A_454 = arith.addi %sub3A, %mul3A_453 : i32
        %get3A_455 = arith.index_cast %add3A_454 : i32 to index
        %get3A_456 = tpu.vector_load %arg5[%get3A_455] {strides = array<i32>} : memref<32736xf32, #tpu.memory_space<vmem>>, vector<16xf32>,
        %get3A_457 = vector.shape_cast %get3A_456 : vector<16xf32> to vector<16xf32>
        %add3A_458 = vector.broadcast %mul3A_453 : i32 to vector<16xi32>
        %add3A_459 = arith.addi %iota3A, %add3A_458 : vector<16xi32>
        %lt3A_460 = vector.broadcast %add3A_298 : i32 to vector<16xi32>
        %lt3A_461 = arith.cmpi slt, %add3A_459, %lt3A_460 : vector<16xi32>
        %select_n3A_462 = arith.select %lt3A_461, %get3A_457, %broadcast_in_dim3A_1 : vector<16xi1>, vector<16xf32>
        %multiple_of3A_463 = tpu.assume_multiple %mul3A_453, 16 : i32
        %swap3A_464 = arith.constant 1 : i32
        %swap3A_465 = arith.constant 0 : i32
        %swap3A_466 = tpu.memref_slice %arg6[%swap3A_464, %add3A_288, %swap3A_465] : memref<2x8x2048xf32, #tpu.memory_space<vmem>> -> memref<1x1x2048xf32, #tpu.memory_space<vmem>>
        %swap3A_467 = tpu.memref_squeeze %swap3A_466 : memref<1x1x2048xf32, #tpu.memory_space<vmem>> -> memref<2048xf32, #tpu.memory_space<vmem>>
        %swap3A_468 = arith.index_cast %multiple_of3A_463 : i32 to index
        %swap3A_469 = tpu.vector_load %swap3A_467[%swap3A_468] {strides = array<i32>} : memref<2048xf32, #tpu.memory_space<vmem>>, vector<16xf32>,
        %swap3A_470 = vector.shape_cast %swap3A_469 : vector<16xf32> to vector<16xf32>
        %swap3A_471 = vector.shape_cast %select_n3A_462 : vector<16xf32> to vector<16xf32>
        tpu.vector_store %swap3A_467[%swap3A_468], %swap3A_471 {strides = array<i32>} : memref<2048xf32, #tpu.memory_space<vmem>>, vector<16xf32>,
        %mul3A_472 = arith.constant 8 : i32
        %mul3A_473 = arith.muli %min3A_304, %mul3A_472 : i32
        %add3A_474 = arith.constant 7 : i32
        %add3A_475 = arith.addi %mul3A_473, %add3A_474 : i32
        %mul3A_476 = arith.constant 16 : i32
        %mul3A_477 = arith.muli %add3A_475, %mul3A_476 : i32
        %add3A_478 = arith.addi %sub3A, %mul3A_477 : i32
        %get3A_479 = arith.index_cast %add3A_478 : i32 to index
        %get3A_480 = tpu.vector_load %arg5[%get3A_479] {strides = array<i32>} : memref<32736xf32, #tpu.memory_space<vmem>>, vector<16xf32>,
        %get3A_481 = vector.shape_cast %get3A_480 : vector<16xf32> to vector<16xf32>
        %add3A_482 = vector.broadcast %mul3A_477 : i32 to vector<16xi32>
        %add3A_483 = arith.addi %iota3A, %add3A_482 : vector<16xi32>
        %lt3A_484 = vector.broadcast %add3A_298 : i32 to vector<16xi32>
        %lt3A_485 = arith.cmpi slt, %add3A_483, %lt3A_484 : vector<16xi32>
        %select_n3A_486 = arith.select %lt3A_485, %get3A_481, %broadcast_in_dim3A_1 : vector<16xi1>, vector<16xf32>
        %multiple_of3A_487 = tpu.assume_multiple %mul3A_477, 16 : i32
        %swap3A_488 = arith.constant 1 : i32
        %swap3A_489 = arith.constant 0 : i32
        %swap3A_490 = tpu.memref_slice %arg6[%swap3A_488, %add3A_288, %swap3A_489] : memref<2x8x2048xf32, #tpu.memory_space<vmem>> -> memref<1x1x2048xf32, #tpu.memory_space<vmem>>
        %swap3A_491 = tpu.memref_squeeze %swap3A_490 : memref<1x1x2048xf32, #tpu.memory_space<vmem>> -> memref<2048xf32, #tpu.memory_space<vmem>>
        %swap3A_492 = arith.index_cast %multiple_of3A_487 : i32 to index
        %swap3A_493 = tpu.vector_load %swap3A_491[%swap3A_492] {strides = array<i32>} : memref<2048xf32, #tpu.memory_space<vmem>>, vector<16xf32>,
        %swap3A_494 = vector.shape_cast %swap3A_493 : vector<16xf32> to vector<16xf32>
        %swap3A_495 = vector.shape_cast %select_n3A_486 : vector<16xf32> to vector<16xf32>
        tpu.vector_store %swap3A_491[%swap3A_492], %swap3A_495 {strides = array<i32>} : memref<2048xf32, #tpu.memory_space<vmem>>, vector<16xf32>,
        %eq3A_496 = arith.constant 0 : i32
        %eq3A_497 = arith.cmpi eq, %add3A_97, %eq3A_496 : i32
        %convert_element_type3A_498 = arith.extui %eq3A_497 : i1 to i32
        %cond3A_499 = arith.constant 1 : i32
        %cond3A_500 = arith.constant 0 : i32
        %cond3A_501 = arith.cmpi ne, %convert_element_type3A_498, %cond3A_500 : i32
        scf.if %cond3A_501 {
          %add3A_502 = arith.constant 1 : i32
          %add3A_503 = arith.addi %min3A_304, %add3A_502 : i32
          %parallel_loop3A_504 = arith.constant 16 : i32
          %parallel_loop3A_505 = arith.constant 1 : i32
          scf.for %parallel_loop3A_506 = %add3A_503 to %parallel_loop3A_504 step %parallel_loop3A_505  : i32 {
            %parallel_loop3A_507 = arith.constant 8 : i32
            %parallel_loop3A_508 = arith.muli %parallel_loop3A_506, %parallel_loop3A_507 : i32
            %parallel_loop3A_509 = arith.constant 0 : i32
            %parallel_loop3A_510 = arith.addi %parallel_loop3A_508, %parallel_loop3A_509 : i32
            %parallel_loop3A_511 = arith.constant 16 : i32
            %parallel_loop3A_512 = arith.muli %parallel_loop3A_510, %parallel_loop3A_511 : i32
            %parallel_loop3A_513 = tpu.assume_multiple %parallel_loop3A_512, 16 : i32
            %parallel_loop3A_514 = arith.constant 0 : i32
            %parallel_loop3A_515 = tpu.memref_slice %arg6[%cond3A_499, %add3A_288, %parallel_loop3A_514] : memref<2x8x2048xf32, #tpu.memory_space<vmem>> -> memref<1x1x2048xf32, #tpu.memory_space<vmem>>
            %parallel_loop3A_516 = tpu.memref_squeeze %parallel_loop3A_515 : memref<1x1x2048xf32, #tpu.memory_space<vmem>> -> memref<2048xf32, #tpu.memory_space<vmem>>
            %parallel_loop3A_517 = arith.index_cast %parallel_loop3A_513 : i32 to index
            %parallel_loop3A_518 = tpu.vector_load %parallel_loop3A_516[%parallel_loop3A_517] {strides = array<i32>} : memref<2048xf32, #tpu.memory_space<vmem>>, vector<16xf32>,
            %parallel_loop3A_519 = vector.shape_cast %parallel_loop3A_518 : vector<16xf32> to vector<16xf32>
            %parallel_loop3A_520 = vector.shape_cast %broadcast_in_dim3A_1 : vector<16xf32> to vector<16xf32>
            tpu.vector_store %parallel_loop3A_516[%parallel_loop3A_517], %parallel_loop3A_520 {strides = array<i32>} : memref<2048xf32, #tpu.memory_space<vmem>>, vector<16xf32>,
            %parallel_loop3A_521 = arith.constant 8 : i32
            %parallel_loop3A_522 = arith.muli %parallel_loop3A_506, %parallel_loop3A_521 : i32
            %parallel_loop3A_523 = arith.constant 1 : i32
            %parallel_loop3A_524 = arith.addi %parallel_loop3A_522, %parallel_loop3A_523 : i32
            %parallel_loop3A_525 = arith.constant 16 : i32
            %parallel_loop3A_526 = arith.muli %parallel_loop3A_524, %parallel_loop3A_525 : i32
            %parallel_loop3A_527 = tpu.assume_multiple %parallel_loop3A_526, 16 : i32
            %parallel_loop3A_528 = arith.constant 0 : i32
            %parallel_loop3A_529 = tpu.memref_slice %arg6[%cond3A_499, %add3A_288, %parallel_loop3A_528] : memref<2x8x2048xf32, #tpu.memory_space<vmem>> -> memref<1x1x2048xf32, #tpu.memory_space<vmem>>
            %parallel_loop3A_530 = tpu.memref_squeeze %parallel_loop3A_529 : memref<1x1x2048xf32, #tpu.memory_space<vmem>> -> memref<2048xf32, #tpu.memory_space<vmem>>
            %parallel_loop3A_531 = arith.index_cast %parallel_loop3A_527 : i32 to index
            %parallel_loop3A_532 = tpu.vector_load %parallel_loop3A_530[%parallel_loop3A_531] {strides = array<i32>} : memref<2048xf32, #tpu.memory_space<vmem>>, vector<16xf32>,
            %parallel_loop3A_533 = vector.shape_cast %parallel_loop3A_532 : vector<16xf32> to vector<16xf32>
            %parallel_loop3A_534 = vector.shape_cast %broadcast_in_dim3A_1 : vector<16xf32> to vector<16xf32>
            tpu.vector_store %parallel_loop3A_530[%parallel_loop3A_531], %parallel_loop3A_534 {strides = array<i32>} : memref<2048xf32, #tpu.memory_space<vmem>>, vector<16xf32>,
            %parallel_loop3A_535 = arith.constant 8 : i32
            %parallel_loop3A_536 = arith.muli %parallel_loop3A_506, %parallel_loop3A_535 : i32
            %parallel_loop3A_537 = arith.constant 2 : i32
            %parallel_loop3A_538 = arith.addi %parallel_loop3A_536, %parallel_loop3A_537 : i32
            %parallel_loop3A_539 = arith.constant 16 : i32
            %parallel_loop3A_540 = arith.muli %parallel_loop3A_538, %parallel_loop3A_539 : i32
            %parallel_loop3A_541 = tpu.assume_multiple %parallel_loop3A_540, 16 : i32
            %parallel_loop3A_542 = arith.constant 0 : i32
            %parallel_loop3A_543 = tpu.memref_slice %arg6[%cond3A_499, %add3A_288, %parallel_loop3A_542] : memref<2x8x2048xf32, #tpu.memory_space<vmem>> -> memref<1x1x2048xf32, #tpu.memory_space<vmem>>
            %parallel_loop3A_544 = tpu.memref_squeeze %parallel_loop3A_543 : memref<1x1x2048xf32, #tpu.memory_space<vmem>> -> memref<2048xf32, #tpu.memory_space<vmem>>
            %parallel_loop3A_545 = arith.index_cast %parallel_loop3A_541 : i32 to index
            %parallel_loop3A_546 = tpu.vector_load %parallel_loop3A_544[%parallel_loop3A_545] {strides = array<i32>} : memref<2048xf32, #tpu.memory_space<vmem>>, vector<16xf32>,
            %parallel_loop3A_547 = vector.shape_cast %parallel_loop3A_546 : vector<16xf32> to vector<16xf32>
            %parallel_loop3A_548 = vector.shape_cast %broadcast_in_dim3A_1 : vector<16xf32> to vector<16xf32>
            tpu.vector_store %parallel_loop3A_544[%parallel_loop3A_545], %parallel_loop3A_548 {strides = array<i32>} : memref<2048xf32, #tpu.memory_space<vmem>>, vector<16xf32>,
            %parallel_loop3A_549 = arith.constant 8 : i32
            %parallel_loop3A_550 = arith.muli %parallel_loop3A_506, %parallel_loop3A_549 : i32
            %parallel_loop3A_551 = arith.constant 3 : i32
            %parallel_loop3A_552 = arith.addi %parallel_loop3A_550, %parallel_loop3A_551 : i32
            %parallel_loop3A_553 = arith.constant 16 : i32
            %parallel_loop3A_554 = arith.muli %parallel_loop3A_552, %parallel_loop3A_553 : i32
            %parallel_loop3A_555 = tpu.assume_multiple %parallel_loop3A_554, 16 : i32
            %parallel_loop3A_556 = arith.constant 0 : i32
            %parallel_loop3A_557 = tpu.memref_slice %arg6[%cond3A_499, %add3A_288, %parallel_loop3A_556] : memref<2x8x2048xf32, #tpu.memory_space<vmem>> -> memref<1x1x2048xf32, #tpu.memory_space<vmem>>
            %parallel_loop3A_558 = tpu.memref_squeeze %parallel_loop3A_557 : memref<1x1x2048xf32, #tpu.memory_space<vmem>> -> memref<2048xf32, #tpu.memory_space<vmem>>
            %parallel_loop3A_559 = arith.index_cast %parallel_loop3A_555 : i32 to index
            %parallel_loop3A_560 = tpu.vector_load %parallel_loop3A_558[%parallel_loop3A_559] {strides = array<i32>} : memref<2048xf32, #tpu.memory_space<vmem>>, vector<16xf32>,
            %parallel_loop3A_561 = vector.shape_cast %parallel_loop3A_560 : vector<16xf32> to vector<16xf32>
            %parallel_loop3A_562 = vector.shape_cast %broadcast_in_dim3A_1 : vector<16xf32> to vector<16xf32>
            tpu.vector_store %parallel_loop3A_558[%parallel_loop3A_559], %parallel_loop3A_562 {strides = array<i32>} : memref<2048xf32, #tpu.memory_space<vmem>>, vector<16xf32>,
            %parallel_loop3A_563 = arith.constant 8 : i32
            %parallel_loop3A_564 = arith.muli %parallel_loop3A_506, %parallel_loop3A_563 : i32
            %parallel_loop3A_565 = arith.constant 4 : i32
            %parallel_loop3A_566 = arith.addi %parallel_loop3A_564, %parallel_loop3A_565 : i32
            %parallel_loop3A_567 = arith.constant 16 : i32
            %parallel_loop3A_568 = arith.muli %parallel_loop3A_566, %parallel_loop3A_567 : i32
            %parallel_loop3A_569 = tpu.assume_multiple %parallel_loop3A_568, 16 : i32
            %parallel_loop3A_570 = arith.constant 0 : i32
            %parallel_loop3A_571 = tpu.memref_slice %arg6[%cond3A_499, %add3A_288, %parallel_loop3A_570] : memref<2x8x2048xf32, #tpu.memory_space<vmem>> -> memref<1x1x2048xf32, #tpu.memory_space<vmem>>
            %parallel_loop3A_572 = tpu.memref_squeeze %parallel_loop3A_571 : memref<1x1x2048xf32, #tpu.memory_space<vmem>> -> memref<2048xf32, #tpu.memory_space<vmem>>
            %parallel_loop3A_573 = arith.index_cast %parallel_loop3A_569 : i32 to index
            %parallel_loop3A_574 = tpu.vector_load %parallel_loop3A_572[%parallel_loop3A_573] {strides = array<i32>} : memref<2048xf32, #tpu.memory_space<vmem>>, vector<16xf32>,
            %parallel_loop3A_575 = vector.shape_cast %parallel_loop3A_574 : vector<16xf32> to vector<16xf32>
            %parallel_loop3A_576 = vector.shape_cast %broadcast_in_dim3A_1 : vector<16xf32> to vector<16xf32>
            tpu.vector_store %parallel_loop3A_572[%parallel_loop3A_573], %parallel_loop3A_576 {strides = array<i32>} : memref<2048xf32, #tpu.memory_space<vmem>>, vector<16xf32>,
            %parallel_loop3A_577 = arith.constant 8 : i32
            %parallel_loop3A_578 = arith.muli %parallel_loop3A_506, %parallel_loop3A_577 : i32
            %parallel_loop3A_579 = arith.constant 5 : i32
            %parallel_loop3A_580 = arith.addi %parallel_loop3A_578, %parallel_loop3A_579 : i32
            %parallel_loop3A_581 = arith.constant 16 : i32
            %parallel_loop3A_582 = arith.muli %parallel_loop3A_580, %parallel_loop3A_581 : i32
            %parallel_loop3A_583 = tpu.assume_multiple %parallel_loop3A_582, 16 : i32
            %parallel_loop3A_584 = arith.constant 0 : i32
            %parallel_loop3A_585 = tpu.memref_slice %arg6[%cond3A_499, %add3A_288, %parallel_loop3A_584] : memref<2x8x2048xf32, #tpu.memory_space<vmem>> -> memref<1x1x2048xf32, #tpu.memory_space<vmem>>
            %parallel_loop3A_586 = tpu.memref_squeeze %parallel_loop3A_585 : memref<1x1x2048xf32, #tpu.memory_space<vmem>> -> memref<2048xf32, #tpu.memory_space<vmem>>
            %parallel_loop3A_587 = arith.index_cast %parallel_loop3A_583 : i32 to index
            %parallel_loop3A_588 = tpu.vector_load %parallel_loop3A_586[%parallel_loop3A_587] {strides = array<i32>} : memref<2048xf32, #tpu.memory_space<vmem>>, vector<16xf32>,
            %parallel_loop3A_589 = vector.shape_cast %parallel_loop3A_588 : vector<16xf32> to vector<16xf32>
            %parallel_loop3A_590 = vector.shape_cast %broadcast_in_dim3A_1 : vector<16xf32> to vector<16xf32>
            tpu.vector_store %parallel_loop3A_586[%parallel_loop3A_587], %parallel_loop3A_590 {strides = array<i32>} : memref<2048xf32, #tpu.memory_space<vmem>>, vector<16xf32>,
            %parallel_loop3A_591 = arith.constant 8 : i32
            %parallel_loop3A_592 = arith.muli %parallel_loop3A_506, %parallel_loop3A_591 : i32
            %parallel_loop3A_593 = arith.constant 6 : i32
            %parallel_loop3A_594 = arith.addi %parallel_loop3A_592, %parallel_loop3A_593 : i32
            %parallel_loop3A_595 = arith.constant 16 : i32
            %parallel_loop3A_596 = arith.muli %parallel_loop3A_594, %parallel_loop3A_595 : i32
            %parallel_loop3A_597 = tpu.assume_multiple %parallel_loop3A_596, 16 : i32
            %parallel_loop3A_598 = arith.constant 0 : i32
            %parallel_loop3A_599 = tpu.memref_slice %arg6[%cond3A_499, %add3A_288, %parallel_loop3A_598] : memref<2x8x2048xf32, #tpu.memory_space<vmem>> -> memref<1x1x2048xf32, #tpu.memory_space<vmem>>
            %parallel_loop3A_600 = tpu.memref_squeeze %parallel_loop3A_599 : memref<1x1x2048xf32, #tpu.memory_space<vmem>> -> memref<2048xf32, #tpu.memory_space<vmem>>
            %parallel_loop3A_601 = arith.index_cast %parallel_loop3A_597 : i32 to index
            %parallel_loop3A_602 = tpu.vector_load %parallel_loop3A_600[%parallel_loop3A_601] {strides = array<i32>} : memref<2048xf32, #tpu.memory_space<vmem>>, vector<16xf32>,
            %parallel_loop3A_603 = vector.shape_cast %parallel_loop3A_602 : vector<16xf32> to vector<16xf32>
            %parallel_loop3A_604 = vector.shape_cast %broadcast_in_dim3A_1 : vector<16xf32> to vector<16xf32>
            tpu.vector_store %parallel_loop3A_600[%parallel_loop3A_601], %parallel_loop3A_604 {strides = array<i32>} : memref<2048xf32, #tpu.memory_space<vmem>>, vector<16xf32>,
            %parallel_loop3A_605 = arith.constant 8 : i32
            %parallel_loop3A_606 = arith.muli %parallel_loop3A_506, %parallel_loop3A_605 : i32
            %parallel_loop3A_607 = arith.constant 7 : i32
            %parallel_loop3A_608 = arith.addi %parallel_loop3A_606, %parallel_loop3A_607 : i32
            %parallel_loop3A_609 = arith.constant 16 : i32
            %parallel_loop3A_610 = arith.muli %parallel_loop3A_608, %parallel_loop3A_609 : i32
            %parallel_loop3A_611 = tpu.assume_multiple %parallel_loop3A_610, 16 : i32
            %parallel_loop3A_612 = arith.constant 0 : i32
            %parallel_loop3A_613 = tpu.memref_slice %arg6[%cond3A_499, %add3A_288, %parallel_loop3A_612] : memref<2x8x2048xf32, #tpu.memory_space<vmem>> -> memref<1x1x2048xf32, #tpu.memory_space<vmem>>
            %parallel_loop3A_614 = tpu.memref_squeeze %parallel_loop3A_613 : memref<1x1x2048xf32, #tpu.memory_space<vmem>> -> memref<2048xf32, #tpu.memory_space<vmem>>
            %parallel_loop3A_615 = arith.index_cast %parallel_loop3A_611 : i32 to index
            %parallel_loop3A_616 = tpu.vector_load %parallel_loop3A_614[%parallel_loop3A_615] {strides = array<i32>} : memref<2048xf32, #tpu.memory_space<vmem>>, vector<16xf32>,
            %parallel_loop3A_617 = vector.shape_cast %parallel_loop3A_616 : vector<16xf32> to vector<16xf32>
            %parallel_loop3A_618 = vector.shape_cast %broadcast_in_dim3A_1 : vector<16xf32> to vector<16xf32>
            tpu.vector_store %parallel_loop3A_614[%parallel_loop3A_615], %parallel_loop3A_618 {strides = array<i32>} : memref<2048xf32, #tpu.memory_space<vmem>>, vector<16xf32>,
          } {sc.loop_unroll_factor = 2 : i64, sc.parallel_access}
        } else {
        }
      }
      %scan3A_251 = arith.constant 8 : i32
      %mul3A_252 = arith.constant 32 : i32
      %mul3A_253 = arith.muli %mul3A_252, %add3A_193 : i32
      %add3A_254 = arith.addi %add3A, %mul3A_253 : i32
      %mul3A_255 = arith.constant 8 : i32
      %mul3A_256 = arith.muli %add3A_254, %mul3A_255 : i32
      %add3A_257 = arith.constant 1 : i32
      %add3A_258 = arith.addi %mul3A_256, %add3A_257 : i32
      %mul3A_259 = arith.muli %mul3A_256, %add3A_258 : i32
      %shift_right_arithmetic3A_260 = arith.constant 1 : i32
      %shift_right_arithmetic3A_261 = arith.shrsi %mul3A_259, %shift_right_arithmetic3A_260 : i32
      %add3A_262 = arith.constant 1024 : i32
      %add3A_263 = arith.addi %add3A_262, %shift_right_arithmetic3A_261 : i32
      %shift_right_arithmetic3A_264 = arith.constant 3 : i32
      %shift_right_arithmetic3A_265 = arith.shrsi %add3A_263, %shift_right_arithmetic3A_264 : i32
      %shift_left3A_266 = arith.constant 3 : i32
      %shift_left3A_267 = arith.shli %shift_right_arithmetic3A_265, %shift_left3A_266 : i32
      %min3A_268 = arith.constant 2082832 : i32
      %min3A_269 = arith.minsi %shift_left3A_267, %min3A_268 : i32
      %multiple_of3A_270 = tpu.assume_multiple %min3A_269, 8 : i32
      %dma_start3A_271 = arith.constant 1 : i32
      %dma_start3A_272 = arith.constant 0 : i32
      %dma_start3A_273 = arith.constant 0 : i32
      %dma_start3A_274 = tpu.memref_slice %arg6[%dma_start3A_271, %dma_start3A_272, %dma_start3A_273] : memref<2x8x2048xf32, #tpu.memory_space<vmem>> -> memref<1x8x2048xf32, #tpu.memory_space<vmem>>
      %dma_start3A_275 = tpu.memref_squeeze %dma_start3A_274 : memref<1x8x2048xf32, #tpu.memory_space<vmem>> -> memref<8x2048xf32, #tpu.memory_space<vmem>>
      %dma_start3A_276 = arith.constant 0 : i32
      %dma_start3A_277 = tpu.memref_slice %arg4[%mul3A_256, %dma_start3A_276] : memref<2048x2048xf32, #tpu.memory_space<hbm>> -> memref<8x2048xf32, #tpu.memory_space<hbm>>
      %dma_start3A_278 = arith.constant 0 : i32
      %dma_start3A_279 = tpu.memref_slice %arg4[%mul3A_256, %dma_start3A_278] : memref<2048x2048xf32, #tpu.memory_space<hbm>> -> memref<8x2048xf32, #tpu.memory_space<hbm>>
      %dma_start3A_280 = arith.constant 0 : i32
      %dma_start3A_281 = arith.constant 0 : i32
      %dma_start3A_282 = tpu.memref_slice %arg6[%dma_start3A_271, %dma_start3A_280, %dma_start3A_281] : memref<2x8x2048xf32, #tpu.memory_space<vmem>> -> memref<1x8x2048xf32, #tpu.memory_space<vmem>>
      %dma_start3A_283 = tpu.memref_squeeze %dma_start3A_282 : memref<1x8x2048xf32, #tpu.memory_space<vmem>> -> memref<8x2048xf32, #tpu.memory_space<vmem>>
      tpu.enqueue_dma source(%dma_start3A_283 : memref<8x2048xf32, #tpu.memory_space<vmem>>) target(%dma_start3A_279 : memref<8x2048xf32, #tpu.memory_space<hbm>>) target_semaphore(%arg10 : memref<!tpu.dma_semaphore, #tpu.memory_space<semaphore_mem>>)
    }
    %scan3A_26 = arith.constant 4 : i32
    %add3A_27 = arith.constant 192 : i32
    %add3A_28 = arith.addi %add3A, %add3A_27 : i32
    %mul3A_29 = arith.constant 8 : i32
    %mul3A_30 = arith.muli %add3A_28, %mul3A_29 : i32
    %add3A_31 = arith.constant 1 : i32
    %add3A_32 = arith.addi %mul3A_30, %add3A_31 : i32
    %mul3A_33 = arith.muli %mul3A_30, %add3A_32 : i32
    %shift_right_arithmetic3A_34 = arith.constant 1 : i32
    %shift_right_arithmetic3A_35 = arith.shrsi %mul3A_33, %shift_right_arithmetic3A_34 : i32
    %add3A_36 = arith.constant 1024 : i32
    %add3A_37 = arith.addi %add3A_36, %shift_right_arithmetic3A_35 : i32
    %shift_right_arithmetic3A_38 = arith.constant 3 : i32
    %shift_right_arithmetic3A_39 = arith.shrsi %add3A_37, %shift_right_arithmetic3A_38 : i32
    %shift_left3A_40 = arith.constant 3 : i32
    %shift_left3A_41 = arith.shli %shift_right_arithmetic3A_39, %shift_left3A_40 : i32
    %min3A_42 = arith.constant 2082832 : i32
    %min3A_43 = arith.minsi %shift_left3A_41, %min3A_42 : i32
    %multiple_of3A_44 = tpu.assume_multiple %min3A_43, 8 : i32
    %dma_wait3A = arith.constant 0 : i32
    %dma_wait3A_45 = arith.constant 0 : i32
    %dma_wait3A_46 = arith.constant 0 : i32
    %dma_wait3A_47 = tpu.memref_slice %arg6[%dma_wait3A, %dma_wait3A_45, %dma_wait3A_46] : memref<2x8x2048xf32, #tpu.memory_space<vmem>> -> memref<1x8x2048xf32, #tpu.memory_space<vmem>>
    %dma_wait3A_48 = tpu.memref_squeeze %dma_wait3A_47 : memref<1x8x2048xf32, #tpu.memory_space<vmem>> -> memref<8x2048xf32, #tpu.memory_space<vmem>>
    %dma_wait3A_49 = arith.constant 0 : i32
    %dma_wait3A_50 = tpu.memref_slice %arg4[%mul3A_30, %dma_wait3A_49] : memref<2048x2048xf32, #tpu.memory_space<hbm>> -> memref<8x2048xf32, #tpu.memory_space<hbm>>
    %dma_wait3A_51 = arith.constant 0 : i32
    %dma_wait3A_52 = tpu.memref_slice %arg4[%mul3A_30, %dma_wait3A_51] : memref<2048x2048xf32, #tpu.memory_space<hbm>> -> memref<8x2048xf32, #tpu.memory_space<hbm>>
    %dma_wait3A_53 = arith.constant 0 : i32
    %dma_wait3A_54 = arith.constant 0 : i32
    %dma_wait3A_55 = tpu.memref_slice %arg6[%dma_wait3A, %dma_wait3A_53, %dma_wait3A_54] : memref<2x8x2048xf32, #tpu.memory_space<vmem>> -> memref<1x8x2048xf32, #tpu.memory_space<vmem>>
    %dma_wait3A_56 = tpu.memref_squeeze %dma_wait3A_55 : memref<1x8x2048xf32, #tpu.memory_space<vmem>> -> memref<8x2048xf32, #tpu.memory_space<vmem>>
    tpu.wait_dma2 semaphore(%arg9 : memref<!tpu.dma_semaphore, #tpu.memory_space<semaphore_mem>>) src(%dma_wait3A_56 : memref<8x2048xf32, #tpu.memory_space<vmem>>) dst(%dma_wait3A_52 : memref<8x2048xf32, #tpu.memory_space<hbm>>)
    %add3A_57 = arith.constant 224 : i32
    %add3A_58 = arith.addi %add3A, %add3A_57 : i32
    %mul3A_59 = arith.constant 8 : i32
    %mul3A_60 = arith.muli %add3A_58, %mul3A_59 : i32
    %add3A_61 = arith.constant 1 : i32
    %add3A_62 = arith.addi %mul3A_60, %add3A_61 : i32
    %mul3A_63 = arith.muli %mul3A_60, %add3A_62 : i32
    %shift_right_arithmetic3A_64 = arith.constant 1 : i32
    %shift_right_arithmetic3A_65 = arith.shrsi %mul3A_63, %shift_right_arithmetic3A_64 : i32
    %add3A_66 = arith.constant 1024 : i32
    %add3A_67 = arith.addi %add3A_66, %shift_right_arithmetic3A_65 : i32
    %shift_right_arithmetic3A_68 = arith.constant 3 : i32
    %shift_right_arithmetic3A_69 = arith.shrsi %add3A_67, %shift_right_arithmetic3A_68 : i32
    %shift_left3A_70 = arith.constant 3 : i32
    %shift_left3A_71 = arith.shli %shift_right_arithmetic3A_69, %shift_left3A_70 : i32
    %min3A_72 = arith.constant 2082832 : i32
    %min3A_73 = arith.minsi %shift_left3A_71, %min3A_72 : i32
    %multiple_of3A_74 = tpu.assume_multiple %min3A_73, 8 : i32
    %dma_wait3A_75 = arith.constant 1 : i32
    %dma_wait3A_76 = arith.constant 0 : i32
    %dma_wait3A_77 = arith.constant 0 : i32
    %dma_wait3A_78 = tpu.memref_slice %arg6[%dma_wait3A_75, %dma_wait3A_76, %dma_wait3A_77] : memref<2x8x2048xf32, #tpu.memory_space<vmem>> -> memref<1x8x2048xf32, #tpu.memory_space<vmem>>
    %dma_wait3A_79 = tpu.memref_squeeze %dma_wait3A_78 : memref<1x8x2048xf32, #tpu.memory_space<vmem>> -> memref<8x2048xf32, #tpu.memory_space<vmem>>
    %dma_wait3A_80 = arith.constant 0 : i32
    %dma_wait3A_81 = tpu.memref_slice %arg4[%mul3A_60, %dma_wait3A_80] : memref<2048x2048xf32, #tpu.memory_space<hbm>> -> memref<8x2048xf32, #tpu.memory_space<hbm>>
    %dma_wait3A_82 = arith.constant 0 : i32
    %dma_wait3A_83 = tpu.memref_slice %arg4[%mul3A_60, %dma_wait3A_82] : memref<2048x2048xf32, #tpu.memory_space<hbm>> -> memref<8x2048xf32, #tpu.memory_space<hbm>>
    %dma_wait3A_84 = arith.constant 0 : i32
    %dma_wait3A_85 = arith.constant 0 : i32
    %dma_wait3A_86 = tpu.memref_slice %arg6[%dma_wait3A_75, %dma_wait3A_84, %dma_wait3A_85] : memref<2x8x2048xf32, #tpu.memory_space<vmem>> -> memref<1x8x2048xf32, #tpu.memory_space<vmem>>
    %dma_wait3A_87 = tpu.memref_squeeze %dma_wait3A_86 : memref<1x8x2048xf32, #tpu.memory_space<vmem>> -> memref<8x2048xf32, #tpu.memory_space<vmem>>
    tpu.wait_dma2 semaphore(%arg10 : memref<!tpu.dma_semaphore, #tpu.memory_space<semaphore_mem>>) src(%dma_wait3A_87 : memref<8x2048xf32, #tpu.memory_space<vmem>>) dst(%dma_wait3A_83 : memref<8x2048xf32, #tpu.memory_space<hbm>>)
    %eq3A_88 = arith.constant 0 : i32
    %eq3A_89 = arith.cmpi eq, %add3A, %eq3A_88 : i32
    %convert_element_type3A_90 = arith.extui %eq3A_89 : i1 to i32
    %cond3A_91 = arith.constant 0 : i32
    %cond3A_92 = arith.cmpi ne, %convert_element_type3A_90, %cond3A_91 : i32
    scf.if %cond3A_92 {
      %dma_wait3A_93 = arith.constant 0 : i32
      %dma_wait3A_94 = arith.constant 0 : i32
      %dma_wait3A_95 = tpu.memref_slice %arg3[%dma_wait3A_93, %dma_wait3A_94] : memref<1x1024xf32, #tpu.memory_space<hbm>> -> memref<1x1024xf32, #tpu.memory_space<hbm>>
      %dma_wait3A_96 = tpu.memref_squeeze %dma_wait3A_95 : memref<1x1024xf32, #tpu.memory_space<hbm>> -> memref<1024xf32, #tpu.memory_space<hbm>>
      %dma_wait3A_97 = arith.constant 0 : i32
      %dma_wait3A_98 = tpu.memref_slice %arg2[%dma_wait3A_97] : memref<2099200xf32, #tpu.memory_space<hbm>> -> memref<1024xf32, #tpu.memory_space<hbm>>
      tpu.wait_dma2 semaphore(%arg11 : memref<!tpu.dma_semaphore, #tpu.memory_space<semaphore_mem>>) src(%dma_wait3A_98 : memref<1024xf32, #tpu.memory_space<hbm>>) dst(%dma_wait3A_96 : memref<1024xf32, #tpu.memory_space<hbm>>)
    } else {
    }
    return
  }
}

</mosaic_0001>

<sc_bundles>
// kernel: kernel.3.cloned.1.call-start
scs
__scs_entry_jumppad:
0x0: {  	(pc) =	sbr.rel $0x88, $3  }
0x1: {  	(tag) =	ssettag $0x0;
	lr =	simm.s32 $0x1  }
0x2: {  	[smem:$0x3FA0] =	sst lr;
	_ =	strace $0xD0000000  }
0x3: {  	_ = 	snop  }
0x4: {  	_ = 	snop  }
0x5: {  	_ = 	snop  }
0x6: {  	_ = 	snop  }
0x7: {  	_ = 	snop  }
__scs_overlays_trampoline_lowered:
0x8: {  	[smem:$0x3FAF] =	sst s0  }
0x9: {  	[smem:$0x3FB0] =	sst s1  }
0xa: {  	[smem:$0x3FB1] =	sst s2  }
0xb: {  	[smem:$0x3FB2] =	sst s3  }
0xc: {  	[smem:$0x3FB3] =	sst s4  }
0xd: {  	[smem:$0x3FB4] =	sst s5  }
0xe: {  	[smem:$0x3FB5] =	sst s6  }
0xf: {  	[smem:$0x3FB6] =	sst s7  }
0x10: {  	[smem:$0x3FB7] =	sst s8  }
0x11: {  	[smem:$0x3FB8] =	sst s9;
	s0 =	simm.s32 @!p0 $0x0  }
0x12: {  	s1 =	sld [smem:$0x3F9E];
	s0 =	simm.s32 @p0 $0x1  }
0x13: {  	[smem:$0x3FB9] =	sst s0;
	s0 =	simm.s32 @!p1 $0x0  }
0x14: {  	s2 =	sld [smem:$0x3F9D];
	s0 =	simm.s32 @p1 $0x1  }
0x15: {  	[smem:$0x3FBA] =	sst s0;
	s0 =	simm.s32 @!p2 $0x0  }
0x16: {  	s3 =	sld [smem:$0x3FDB];
	s0 =	simm.s32 @p2 $0x1  }
0x17: {  	s4 =	simm.s32 $0x1BF5;
	[smem:$0x3FBC] =	sst s0  }
0x18: {  	s0 =	sld [smem:$0x3F9F];
	_ =	swait.ge [sflag:s4], $0x0  }
0x19: {  	s7 =	sld [smem:$0x3FA0]  }
0x1a: {  	s8 =	sadd.s32 $0xFFFFE003, lr  }
0x1b: {  	s9 =	sadd.s32 $0xFFFFFEF7, lr;
	s5 =	simm.s32 $0xFFFFFFFF;
	p2 =	slt.u32 s8, $0xFFFFF086  }
0x1c: {  	p1 =	slt.u32 s9, $0xF7A;
	s5 =	simm.s32 @!p2 $0x0  }
0x1d: {  	s5 =	simm.s32 @p1 $0x1;
	p0 =	seq.s32 s7, s2  }
0x1e: {  	s7 =	smul.u32 @!p0 $0xF7A, s2;
	p2 =	seq.s32 @!p0 s5, $0x0  }
0x1f: {  	s9 =	smul.u32 $0xF7A, s1;
	s8 =	simm.s32 @!p0 $0x1BF5;
	p2 =	por !p2, p0  }
0x20: {  	[sflag:s8] =	ssyncset.s32 @!p0 $0xFFFFF086;
	s6 =	sadd.s32 @!p0 s3, s7;
	s7 =	simm.s32 @!p0 $0x108  }
0x21: {  	s3 =	sadd.s32 s3, s9;
	s6 =	sadd.s32 @!p0 $0x88, s6;
	s7 =	simm.s32 @p2 $0x1082  }
0x22: {  	[simem:s7], [sflag:s8] =	dma.local @!p0 [hbm:s6], $0xF7A  }
0x23: {  	s9 =	sor.u32 $0xD0000000, s2;
	s6 =	simm.s32 $0x108;
	_ =	swait.ge @!p0 [sflag:s8], $0x0  }
0x24: {  	s3 =	sadd.s32 $0x88, s3;
	s6 =	simm.s32 @!p1 $0x1082;
	[sflag:s4] =	ssyncset.s32 $0xFFFFF086  }
0x25: {  	[simem:s6], [sflag:s4] =	dma.local [hbm:s3], $0xF7A  }
0x26: {  	[smem:$0x3FA0] =	sst s1;
	(tag) =	ssettag s2;
	_ =	strace s9  }
0x27: {  	s1 =	sld [smem:$0x3FB0]  }
0x28: {  	s2 =	sld [smem:$0x3FB1]  }
0x29: {  	s4 =	sld [smem:$0x3FB3]  }
0x2a: {  	p0 =	seq.s32 s5, $0x0;
	s5 =	sld [smem:$0x3FB4]  }
0x2b: {  	s6 =	sld [smem:$0x3FB5]  }
0x2c: {  	s7 =	sld [smem:$0x3FB6]  }
0x2d: {  	s3 =	simm.s32 $0x108;
	s8 =	sld [smem:$0x3FB7]  }
0x2e: {  	s3 =	simm.s32 @!p0 $0x1082;
	s9 =	sld [smem:$0x3FB8]  }
0x2f: {  	lr =	sadd.s32 s0, s3;
	s0 =	sld [smem:$0x3FAF]  }
0x30: {  	s3 =	sld [smem:$0x3FB2]  }
0x31: {  	[smem:$0x3FBB] =	sst s10  }
0x32: {  	s10 =	sld [smem:$0x3FB9];
	_ =	sdelay $0x3  }
0x33: {  	p0 =	seq.s32 s10, $0x1;
	s10 =	sld [smem:$0x3FBB];
	_ =	sdelay $0x3  }
0x34: {  	[smem:$0x3FBB] =	sst s10  }
0x35: {  	s10 =	sld [smem:$0x3FBA];
	_ =	sdelay $0x3  }
0x36: {  	p1 =	seq.s32 s10, $0x1;
	s10 =	sld [smem:$0x3FBB];
	_ =	sdelay $0x3  }
0x37: {  	[smem:$0x3FBB] =	sst s10  }
0x38: {  	s10 =	sld [smem:$0x3FBC]  }
0x39: {  	_ = 	snop;
	(pc) =	sbr.ind lr, $3  }
0x3a: {  	_ = 	snop  }
0x3b: {  	_ = 	snop  }
0x3c: {  	p2 =	seq.s32 s10, $0x1;
	s10 =	sld [smem:$0x3FBB]  }
0x3d: {  	_ =	shalt  }
0x3e: {  	_ =	shalt  }
0x3f: {  	_ =	shalt  }
0x40: {  	_ =	shalt  }
0x41: {  	_ =	shalt  }
0x42: {  	_ =	shalt  }
0x43: {  	_ =	shalt  }
0x44: {  	_ =	shalt  }
0x45: {  	_ =	shalt  }
0x46: {  	_ =	shalt  }
0x47: {  	_ =	shalt  }
0x48: {  	_ =	shalt  }
0x49: {  	_ =	shalt  }
0x4a: {  	_ =	shalt  }
0x4b: {  	_ =	shalt  }
0x4c: {  	_ =	shalt  }
0x4d: {  	_ =	shalt  }
0x4e: {  	_ =	shalt  }
0x4f: {  	_ =	shalt  }
0x50: {  	_ =	shalt  }
0x51: {  	_ =	shalt  }
0x52: {  	_ =	shalt  }
0x53: {  	_ =	shalt  }
0x54: {  	_ =	shalt  }
0x55: {  	_ =	shalt  }
0x56: {  	_ =	shalt  }
0x57: {  	_ =	shalt  }
0x58: {  	_ =	shalt  }
0x59: {  	_ =	shalt  }
0x5a: {  	_ =	shalt  }
0x5b: {  	_ =	shalt  }
0x5c: {  	_ =	shalt  }
0x5d: {  	_ =	shalt  }
0x5e: {  	_ =	shalt  }
0x5f: {  	_ =	shalt  }
0x60: {  	_ =	shalt  }
0x61: {  	_ =	shalt  }
0x62: {  	_ =	shalt  }
0x63: {  	_ =	shalt  }
0x64: {  	_ =	shalt  }
0x65: {  	_ =	shalt  }
0x66: {  	_ =	shalt  }
0x67: {  	_ =	shalt  }
0x68: {  	_ =	shalt  }
0x69: {  	_ =	shalt  }
0x6a: {  	_ =	shalt  }
0x6b: {  	_ =	shalt  }
0x6c: {  	_ =	shalt  }
0x6d: {  	_ =	shalt  }
0x6e: {  	_ =	shalt  }
0x6f: {  	_ =	shalt  }
0x70: {  	_ =	shalt  }
0x71: {  	_ =	shalt  }
0x72: {  	_ =	shalt  }
0x73: {  	_ =	shalt  }
0x74: {  	_ =	shalt  }
0x75: {  	_ =	shalt  }
0x76: {  	_ =	shalt  }
0x77: {  	_ =	shalt  }
0x78: {  	_ =	shalt  }
0x79: {  	_ =	shalt  }
0x7a: {  	_ =	shalt  }
0x7b: {  	_ =	shalt  }
0x7c: {  	_ =	shalt  }
0x7d: {  	_ =	shalt  }
0x7e: {  	_ =	shalt  }
0x7f: {  	_ =	shalt  }
0x80: {  	_ =	shalt  }
0x81: {  	_ =	shalt  }
0x82: {  	_ =	shalt  }
0x83: {  	_ =	shalt  }
0x84: {  	_ =	shalt  }
0x85: {  	_ =	shalt  }
0x86: {  	_ =	shalt  }
0x87: {  	_ =	shalt  }
.Lfunc_end0:
.L_simem_size_0:
called_computation_lowered:
.L_overlay_start_0:
0x88: {  	s2 =	sld [smem:$0x3FD9]  }
0x89: {  	s3 =	sld [smem:$0x3FFE];
	_ =	sdelay $0x1  }
0x8a: {  	s1 =	srdreg.scid  }
0x8b: {  	s0 =	sand.u32 $0x1, s1  }
0x8c: {  	s15 =	sshll.u32 s0, $0xA;
	s2 =	sadd.s32 s3, s2  }
0x8d: {  	s2 =	sadd.s32 s2, s15  }
0x8e: {  	[smem:$0x3FC7] =	sst s2  }
0x8f: {  	_ = 	snop  }
0x90: {  	s2 =	sld [smem:$0x3FD0];
	_ =	sdelay $0x2  }
0x91: {  	s4 =	simm.s32 $0xA;
	s5 =	simm.s32 $0x10;
	s16 =	sld [smem:$0x3FC9]  }
0x92: {  	[smem:s5], [sflag:s4] =	dma.local [hbm:s2], $0x1  }
0x93: {  	_ =	swait.eq [sflag:s4], $0x1  }
0x94: {  	[sflag:s4] =	ssyncset.done $0x0  }
0x95: {  	s17 =	sld [smem:$0x10];
	[sflag:s4] =	ssyncadd.s32 $0xFFFFFFFF  }
0x96: {  	s18 =	sld [smem:$0x11];
	(tm) =	ssettm $0x1  }
0x97: {  	s19 =	sld [smem:$0x3FFB];
	_ =	sdelay $0x3  }
0x98: {  	_ =	strace s19  }
0x99: {  	s5 =	sld [smem:$0x3FFC];
	_ =	sdelay $0x3  }
0x9a: {  	_ =	strace s5  }
0x9b: {  	s5 =	sld [smem:$0x3FFD];
	_ =	sdelay $0x3  }
0x9c: {  	_ =	strace s5  }
0x9d: {  	_ =	strace $0x8FFFFFFF  }
0x9e: {  	s20 =	sld [smem:$0x3FDB];
	_ =	sdelay $0x1  }
0x9f: {  	s6 =	simm.s32 $_scs_section_size  }
0xa0: {  	s7 =	simm.s32 $_size__tile_overlayer_lowered;
	s8 =	simm.s32 $_tile_overlayer_lowered  }
0xa1: {  	s23 =	simm.s32 $0x1BFF;
	s22 =	sshll.u32 s8, $0x1;
	s5 =	sadd.s32 s6, s20  }
0xa2: {  	s9 =	simm.s32 $0x0;
	s21 =	sshll.u32 s7, $0x1;
	s7 =	sadd.s32 s22, s5  }
0xa3: {  	[timem:s9], [sflag:s23] =	dma.local [hbm:s7], s21  }
0xa4: {  	_ =	swait.ge [sflag:s23], s21  }
0xa5: {  	s6 =	ssub.s32 $0x0, s21;
	[sflag:s23] =	ssyncset.done $0x0  }
0xa6: {  	[sflag:s23] =	ssyncadd.s32 s6;
	_ =	sdelay $0x1  }
0xa7: {  	s24 =	simm.s32 $0x1B8B  }
0xa8: {  	_ =	swait.ge [sflag:s24], $0x1  }
0xa9: {  	[sflag:s24] =	ssyncset.done $0x0  }
0xaa: {  	s25 =	simm.s32 $0x1B8E;
	[sflag:s24] =	ssyncadd.s32 $0xFFFFFFFF  }
0xab: {  	s26 =	simm.s32 $execute0_lowered;
	[smem:$0x3FD2] =	sst s25  }
0xac: {  	s6 =	sshll.u32 s26, $0x1;
	_ =	strace $0x80000046;
	[dreg:$0x1] =	wrdreg $0xFFFFFFFF  }
0xad: {  	s28 =	simm.s32 $_size_execute0_lowered;
	s5 =	sadd.s32 s5, s6;
	[dreg:$0x0] =	wrdreg $0x0  }
0xae: {  	s6 =	sshll.u32 s28, $0x1;
	[dreg:$0x2] =	wrdreg s5  }
0xaf: {  	[dreg:$0x3] =	wrdreg s6  }
0xb0: {  	[dreg:$0x4] =	wrdreg $0xC0  }
0xb1: {  	_ =	task [dreg:s9], $0x5FFFF  }
0xb2: {  	[dreg:$0x1] =	wrdreg $0xFFFFFFFF  }
0xb3: {  	[dreg:$0x0] =	wrdreg $0x60  }
0xb4: {  	[dreg:$0x2] =	wrdreg s16  }
0xb5: {  	[dreg:$0x3] =	wrdreg s17  }
0xb6: {  	[dreg:$0x4] =	wrdreg s18  }
0xb7: {  	[dreg:$0x5] =	wrdreg $0x9  }
0xb8: {  	_ =	task.clear_ibuf [dreg:s9], $0x6FFFF;
	_ =	strace $0x90000046  }
0xb9: {  	s29 =	simm.s32 $0x9;
	_ =	strace $0x80000048  }
0xba: {  	_ =	swait.ge [sflag:s29], $0x1  }
0xbb: {  	[sflag:s29] =	ssyncadd.s32 $0xFFFFFFFF  }
0xbc: {  	_ =	strace $0x90000048  }
0xbd: {  	_ =	sfence  }
0xbe: {  	s30 =	sld [smem:$0x0];
	_ =	sdelay $0x2  }
0xbf: {  	s31 =	sshll.u32 s1, $0xD;
	s1 =	sshrl.u32 s1, $0x2  }
0xc0: {  	s3 =	sand.u32 $0x4000, s31;
	s1 =	sadd.s32 s1, s30  }
0xc1: {  	s0 =	sor.u32 s3, s0;
	s1 =	sshll.u32 s1, $0x11  }
0xc2: {  	s0 =	sor.u32 s1, s0  }
0xc3: {  	s0 =	sadd.s32 $0x8F2B, s0  }
0xc4: {  	[sflag:s0] =	ssyncadd.remote.s32 $0x1  }
0xc5: {  	_ =	sfence.sel $0xFFFF  }
0xc6: {  	[dreg:$0x0] =	wrdreg $0xFFFFFFFF;
	(pc) =	sbr.abs _section_cstart, $3  }
0xc7: {  	[dreg:$0x1] =	wrdreg $0xFFFFFFFF  }
0xc8: {  	_ =	task.clear_ibuf [dreg:s9], $0x2FFFF;
	_ =	strace $0x9FFFFFFF  }
0xc9: {  	(tm) =	ssettm $0x7FFFFFFF  }
tec
execute0_lowered:
.L_overlay_start_1:
0x0: {  	(tag) =	ssettag $0x1  }
0x1: {  	s0 =	srdreg.scid  }
0x2: {  	s6 =	stileid.u32;
	s5 =	rddreg [dreg:$0x0];
	s22 =	simm.s32 $0x0  }
0x3: {  	s0 =	sand.u32 $0x1, s0;
	[smem:$0x7FF] =	sst s22;
	s24 =	sshll.u32 s6, $0x3  }
0x4: {  	s25 =	sshll.u32 s6, $0xD;
	s1 =	sshll.u32 s0, $0x4;
	s3 =	ssub.s32 $0x2, s0  }
0x5: {  	_ =	strace $0x80000047;
	s23 =	sshll.u32 s0, $0x7;
	s0 =	sshll.u32 s0, $0x11  }
0x6: {  	s1 =	sor.u32 s6, s1;
	s4 =	sshrl.u32 s3, $0x1;
	s0 =	sor.u32 s25, s0  }
0x7: {  	s7 =	sshll.u32 s1, $0x3;
	s3 =	ssub.s32 s3, s4;
	s4 =	sor.u32 s24, s23  }
0x8: {  	s28 =	sor.u32 $0x40200, s0;
	p0 =	sne.s32 s1, $0x0;
	[dreg:$0x4] =	wrdreg s7  }
0x9: {  	s0 =	sor.u32 $0x80200, s0;
	s2 =	sor.u32 $0x1, s7;
	[dreg:$0x9] =	wrdreg s28  }
0xa: {  	s3 =	smax.u32 s3, $0x1;
	[dreg:$0xc] =	wrdreg s0;
	s2 =	smul.u32 s7, s2  }
0xb: {  	s26 =	sor.u32 $0x1, s4;
	s29 =	sor.u32 $0x101, s4;
	[dreg:$0x7] =	wrdreg s3  }
0xc: {  	s30 =	sor.u32 $0x100, s4;
	[dreg:$0x6] =	wrdreg s26;
	s2 =	sshrl.u32 s2, $0x4  }
0xd: {  	s0 =	sshll.u32 @!p0 s6, $0x6;
	[dreg:$0xa] =	wrdreg s29;
	s2 =	sand.u32 $0x7FFFFFF, s2  }
.Ltmp0:
0xe: {  	s0 =	sor.u32 @!p0 $0x1C05, s0;
	s2 =	sadd.s32 s5, s2;
	(pc) =	sbr.rel .LBB2_1-.Ltmp0, $4  }
0xf: {  	s31 =	smul.u32 s30, s29;
	[dreg:$0xd] =	wrdreg s0;
	s2 =	sadd.s32 $0x80, s2  }
0x10: {  	[dreg:$0x5] =	wrdreg s2;
	s2 =	smul.u32 s7, s26  }
0x11: {  	[dreg:$0xb] =	wrdreg s31  }
0x12: {  	v0 =	vlaneseq.u32;
	v1 =	vimm.f32 $-Inf;
	[dreg:$0x8] =	wrdreg s2;
	s2 =	simm.s32 $0x0  }
.LBB2_63:
0x13: {  	s0 =	simm.s32 $0x3  }
0x14: {  	_ =	swait.ge [sflag:s0], $0x4000  }
0x15: {  	[sflag:s0] =	ssyncset.done $0x0  }
0x16: {  	s31 =	simm.s32 $0x4;
	[sflag:s0] =	ssyncadd.s32 $0xFFFFC000  }
0x17: {  	_ =	swait.ge [sflag:s31], $0x4000  }
0x18: {  	[sflag:s31] =	ssyncset.done $0x0  }
0x19: {  	s0 =	simm.s32 @!p0 $0x5;
	[sflag:s31] =	ssyncadd.s32 $0xFFFFC000  }
0x1a: {  	_ =	swait.ge @!p0 [sflag:s0], $0x80  }
0x1b: {  	s2 =	rddreg [dreg:$0xe]  }
0x1c: {  	s1 =	rddreg [dreg:$0x7];
	s2 =	sadd.s32 $0x1, s2  }
0x1d: {  	p1 =	sne.s32 s2, s1  }
.Ltmp1:
0x1e: {  	_ = 	snop;
	(pc) =	sbr.rel @!p1 .LBB2_64-.Ltmp1, $3  }
0x1f: {  	_ =	sdelay $0x1  }
0x20: {  	[sflag:s0] =	ssyncset.done @!p0 $0x0  }
0x21: {  	[sflag:s0] =	ssyncadd.s32 @!p0 $0xFFFFFF80  }
.LBB2_1:
0x22: {  	[dreg:$0xe] =	wrdreg s2  }
0x23: {  	s0 =	rddreg [dreg:$0x0]  }
0x24: {  	s1 =	rddreg [dreg:$0x1]  }
0x25: {  	s2 =	rddreg [dreg:$0xd]  }
0x26: {  	[hbm:s1], [sflag:s2] =	dma.local @!p0 [hbm:s0], $0x80  }
0x27: {  	s0 =	rddreg [dreg:$0x5]  }
0x28: {  	s23 =	rddreg [dreg:$0xb]  }
0x29: {  	s24 =	rddreg [dreg:$0xa]  }
.Ltmp2:
0x2a: {  	s4 =	rddreg [dreg:$0xc];
	(pc) =	sbr.rel .LBB2_2-.Ltmp2, $4  }
0x2b: {  	s19 =	rddreg [dreg:$0x6]  }
0x2c: {  	s28 =	rddreg [dreg:$0x8]  }
0x2d: {  	s30 =	simm.s32 $0x0;
	s5 =	rddreg [dreg:$0x9]  }
0x2e: {  	[tilespmem:s22], [sflag:$0x1] =	stream.linear.gather [hbm4b:s0+s22], $0x1070, $0x38;
	[tilespmem:$0x10000] =	vst v63  }
.LBB2_62:
0x2f: {  	s30 =	sadd.s32 $0x1, s30  }
0x30: {  	p1 =	sne.s32 s30, $0x4  }
.Ltmp3:
0x31: {  	s0 =	sshll.u32 s1, $0x8;
	s31 =	rddreg [dreg:$0x12];
	(pc) =	sbr.rel @!p1 .LBB2_63-.Ltmp3, $4  }
0x32: {  	s29 =	simm.s32 $0xC000;
	s2 =	rddreg [dreg:$0x11];
	s19 =	sadd.s32 $0x200, s19  }
0x33: {  	s24 =	sadd.s32 $0x200, s24;
	s0 =	sadd.s32 s21, s0;
	s5 =	sadd.s32 $0x80000, s31  }
0x34: {  	s28 =	sadd.s32 s31, s28;
	s4 =	sadd.s32 $0x80000, s2;
	s23 =	sadd.s32 s2, s23  }
0x35: {  	[hbm4b:s0+s22] =	stream.linear.scatter [tilespmem:s29], [sflag:$0x4], $0x4000, $0x38;
	[tilespmem:$0x10000] =	vst v63  }
.LBB2_2:
0x36: {  	s0 =	sshll.u32 s30, $0x9;
	s1 =	rddreg [dreg:$0x4]  }
0x37: {  	s7 =	sor.u32 s1, s0  }
0x38: {  	s1 =	sor.u32 $0x100, s7;
	s0 =	sor.u32 $0x101, s7  }
0x39: {  	s0 =	smul.u32 s1, s0;
	_ =	sdelay $0x1  }
0x3a: {  	p1 =	sgt.s32 s30, $0x1;
	s0 =	sshrl.u32 s0, $0x1  }
.Ltmp4:
0x3b: {  	s0 =	sand.u32 $0x3FFFFFF8, s0;
	(pc) =	sbr.rel @p1 .LBB2_6-.Ltmp4, $4  }
0x3c: {  	s3 =	rddreg [dreg:$0x0];
	s0 =	smin.u32 s0, $0x1FC410  }
0x3d: {  	[dreg:$0x10] =	wrdreg s24;
	s2 =	sshrl.u32 s0, $0x3  }
0x3e: {  	[dreg:$0x11] =	wrdreg s4;
	s2 =	sadd.s32 s3, s2  }
0x3f: {  	[dreg:$0x12] =	wrdreg s5;
	s2 =	sadd.s32 $0x80, s2  }
0x40: {  	p1 =	seq.s32 s30, $0x0  }
.Ltmp5:
0x41: {  	_ = 	snop;
	(pc) =	sbr.rel @!p1 .LBB2_4-.Ltmp5, $2  }
0x42: {  	_ =	sdelay $0x2  }
0x43: {  	s3 =	simm.s32 $0x3FF0  }
0x44: {  	[tilespmem:s3], [sflag:$0x2] =	stream.linear.gather [hbm4b:s2+s22], $0x1070, $0x38;
	[tilespmem:$0x10000] =	vst v63  }
.Ltmp6:
0x45: {  	_ = 	snop;
	(pc) =	sbr.rel .LBB2_8-.Ltmp6, $4  }
0x46: {  	s31 =	simm.s32 $0x1  }
0x47: {  	_ =	swait.ge [sflag:s31], $0x1070  }
0x48: {  	[sflag:s31] =	ssyncset.done $0x0  }
0x49: {  	[sflag:s31] =	ssyncadd.s32 $0xFFFFEF90  }
.LBB2_6:
0x4a: {  	p1 =	seq.s32 s30, $0x2  }
0x4b: {  	s3 =	simm.s32 @p1 $0x0;
	s4 =	simm.s32 @p1 $0x3FF0  }
0x4c: {  	[tilespmem:s4], [sflag:$0x2] =	stream.linear.gather @p1 [hbm4b:s2+s3], $0x3070, $0x38;
	[tilespmem:$0x10000] =	vst v63  }
0x4d: {  	s3 =	simm.s32 @p1 $0x1  }
0x4e: {  	_ =	swait.ge @p1 [sflag:s3], $0x3070  }
0x4f: {  	[sflag:s3] =	ssyncset.done @p1 $0x0  }
0x50: {  	s4 =	simm.s32 @!p1 $0x3FF0;
	[sflag:s3] =	ssyncadd.s32 @p1 $0xFFFFCF90;
	s3 =	simm.s32 @!p1 $0x0  }
0x51: {  	[tilespmem:s4], [sflag:$0x2] =	stream.linear.gather @!p1 [hbm4b:s2+s3], $0x3FF0, $0x38;
	[tilespmem:$0x10000] =	vst v63  }
.Ltmp7:
0x52: {  	_ = 	snop;
	(pc) =	sbr.rel .LBB2_7-.Ltmp7, $4  }
0x53: {  	s2 =	simm.s32 @!p1 $0x1  }
0x54: {  	_ =	swait.ge @!p1 [sflag:s2], $0x3FF0  }
0x55: {  	[sflag:s2] =	ssyncset.done @!p1 $0x0  }
0x56: {  	[sflag:s2] =	ssyncadd.s32 @!p1 $0xFFFFC010  }
.LBB2_4:
0x57: {  	[tilespmem:s3], [sflag:$0x2] =	stream.linear.gather [hbm4b:s2+s22], $0x2070, $0x38;
	[tilespmem:$0x10000] =	vst v63  }
0x58: {  	s31 =	simm.s32 $0x1  }
0x59: {  	_ =	swait.ge [sflag:s31], $0x2070  }
0x5a: {  	[sflag:s31] =	ssyncset.done $0x0  }
0x5b: {  	[sflag:s31] =	ssyncadd.s32 $0xFFFFDF90  }
.LBB2_7:
0x5c: {  	s2 =	simm.s32 $0x3  }
0x5d: {  	_ =	swait.ge [sflag:s2], $0x4000  }
0x5e: {  	[sflag:s2] =	ssyncset.done $0x0  }
0x5f: {  	[sflag:s2] =	ssyncadd.s32 $0xFFFFC000  }
.LBB2_8:
0x60: {  	s2 =	sshrl.u32 s28, $0x1;
	[dreg:$0xf] =	wrdreg s23  }
0x61: {  	s3 =	sshrl.u32 s23, $0x1;
	s4 =	sor.u32 $0x1, s7;
	s29 =	sshll.u32 s30, $0x1  }
0x62: {  	s13 =	simm.s32 $0x0;
	s31 =	simm.s32 $0x8800;
	s8 =	simm.s32 $0x8070  }
0x63: {  	s12 =	simm.s32 $0x8000;
	s23 =	simm.s32 $0x8010;
	s16 =	simm.s32 $0x8060  }
0x64: {  	s18 =	simm.s32 $0x8050;
	s21 =	simm.s32 $0x8040;
	s17 =	simm.s32 $0x8020  }
0x65: {  	p1 =	sne.s32 s30, $0x0;
	s2 =	sand.u32 $0x3FFFFFF8, s2;
	s3 =	sand.u32 $0x3FFFFFF8, s3  }
0x66: {  	s4 =	smul.u32 s7, s4;
	[dreg:$0x14] =	wrdreg s29;
	s3 =	smin.u32 s3, $0x1FC410  }
.Ltmp8:
0x67: {  	s2 =	smin.u32 s2, $0x1FC410;
	s3 =	sshll.u32 s3, $0x2;
	(pc) =	sbr.rel .LBB2_9-.Ltmp8, $4  }
0x68: {  	s2 =	sshll.u32 s2, $0x2;
	s4 =	sshrl.u32 s4, $0x1;
	s3 =	ssub.s32 $0x0, s3  }
0x69: {  	s2 =	ssub.s32 $0x0, s2;
	s26 =	sand.u32 $0x3FFFFFF8, s4;
	[dreg:$0x13] =	wrdreg s3  }
0x6a: {  	s2 =	sshra.s32 s2, $0x2;
	s15 =	smin.u32 s26, $0x1FC410;
	s26 =	smov.u32 s19  }
0x6b: {  	s10 =	sadd.s32 $0x100, s2;
	s11 =	sadd.s32 $0x40, s2;
	s2 =	simm.s32 $0x8030  }
.LBB2_26:
0x6c: {  	s13 =	sadd.s32 $0x1, s13  }
0x6d: {  	p2 =	sne.s32 s13, $0x8  }
.Ltmp9:
0x6e: {  	_ = 	snop;
	(pc) =	sbr.rel @!p2 .LBB2_27-.Ltmp9, $4  }
0x6f: {  	s31 =	sadd.s32 $0x80, s31  }
0x70: {  	s26 =	sadd.s32 $0x1, s26;
	s8 =	sadd.s32 $0x80, s8;
	s12 =	sadd.s32 $0x80, s12  }
0x71: {  	s23 =	sadd.s32 $0x80, s23;
	s16 =	sadd.s32 $0x80, s16;
	s18 =	sadd.s32 $0x80, s18  }
0x72: {  	s21 =	sadd.s32 $0x80, s21;
	s2 =	sadd.s32 $0x80, s2;
	s17 =	sadd.s32 $0x80, s17  }
.LBB2_9:
0x73: {  	s3 =	sor.u32 s7, s13  }
0x74: {  	s22 =	sadd.s32 $0x1, s3  }
0x75: {  	s6 =	sshrl.u32 s22, $0x7  }
0x76: {  	s5 =	smin.u32 s6, $0xF  }
0x77: {  	s20 =	sand.u32 $0xC, s5  }
0x78: {  	p2 =	seq.s32 s20, $0x0  }
.Ltmp10:
0x79: {  	_ = 	snop;
	(pc) =	sbr.rel @p2 .LBB2_12-.Ltmp10, $3  }
0x7a: {  	_ = 	snop  }
0x7b: {  	s3 =	smul.u32 s3, s22;
	_ =	sdelay $0x1  }
0x7c: {  	s3 =	sshra.s32 s3, $0x1  }
0x7d: {  	s4 =	sshll.u32 s3, $0x2  }
0x7e: {  	s4 =	sshra.s32 s4, $0x2  }
0x7f: {  	s29 =	sadd.s32 s4, s10  }
0x80: {  	v2 =	vld [tilespmem:s29+$0x80]  }
0x81: {  	v3 =	vld [tilespmem:s29+$0xFFFFFF80]  }
0x82: {  	v4 =	vld [tilespmem:s29+$0x0];
	_ =	sdelay $0x2  }
0x83: {  	v5 =	vld [tilespmem:s29+$0xFFFFFF00];
	[tilespmem:s31+$0x400] =	vst v2  }
0x84: {  	[tilespmem:s31+$0xFFFFFC00] =	vst v3;
	v2 =	vld [tilespmem:s29+$0x90]  }
0x85: {  	[tilespmem:s31+$0x0] =	vst v4;
	v3 =	vld [tilespmem:s29+$0xFFFFFF90]  }
0x86: {  	v4 =	vld [tilespmem:s29+$0x10];
	_ =	sdelay $0x1  }
0x87: {  	[tilespmem:s31+$0xFFFFF800] =	vst v5  }
0x88: {  	v5 =	vld [tilespmem:s29+$0xFFFFFF10];
	[tilespmem:s31+$0x410] =	vst v2  }
0x89: {  	[tilespmem:s31+$0xFFFFFC10] =	vst v3;
	v2 =	vld [tilespmem:s29+$0xA0]  }
0x8a: {  	[tilespmem:s31+$0x10] =	vst v4;
	v3 =	vld [tilespmem:s29+$0xFFFFFFA0]  }
0x8b: {  	v4 =	vld [tilespmem:s29+$0x20];
	_ =	sdelay $0x1  }
0x8c: {  	[tilespmem:s31+$0xFFFFF810] =	vst v5  }
0x8d: {  	v5 =	vld [tilespmem:s29+$0xFFFFFF20];
	[tilespmem:s31+$0x420] =	vst v2  }
0x8e: {  	[tilespmem:s31+$0xFFFFFC20] =	vst v3;
	v2 =	vld [tilespmem:s29+$0xB0]  }
0x8f: {  	[tilespmem:s31+$0x20] =	vst v4;
	v3 =	vld [tilespmem:s29+$0xFFFFFFB0]  }
0x90: {  	v4 =	vld [tilespmem:s29+$0x30];
	_ =	sdelay $0x1  }
0x91: {  	[tilespmem:s31+$0xFFFFF820] =	vst v5  }
0x92: {  	v5 =	vld [tilespmem:s29+$0xFFFFFF30];
	[tilespmem:s31+$0x430] =	vst v2  }
0x93: {  	[tilespmem:s31+$0xFFFFFC30] =	vst v3;
	v3 =	vld [tilespmem:s29+$0xC0]  }
0x94: {  	[tilespmem:s31+$0x30] =	vst v4;
	v6 =	vld [tilespmem:s29+$0xFFFFFFC0]  }
0x95: {  	p3 =	sgt.u32 s20, $0x4;
	v4 =	vld [tilespmem:s29+$0x40]  }
.Ltmp11:
0x96: {  	_ = 	snop;
	(pc) =	sbr.rel @!p3 .LBB2_11-.Ltmp11, $4  }
0x97: {  	[tilespmem:s31+$0xFFFFF830] =	vst v5  }
0x98: {  	v2 =	vld [tilespmem:s29+$0xFFFFFF40];
	[tilespmem:s31+$0x440] =	vst v3  }
0x99: {  	[tilespmem:s31+$0xFFFFFC40] =	vst v6;
	v6 =	vld [tilespmem:s29+$0xD0]  }
0x9a: {  	p2 =	por $0x0, $0x0;
	s4 =	sadd.s32 $0x200, s29;
	[tilespmem:s31+$0x40] =	vst v4;
	v5 =	vld [tilespmem:s29+$0xFFFFFFD0]  }
0x9b: {  	v3 =	vld [tilespmem:s4+$0x80]  }
0x9c: {  	v4 =	vld [tilespmem:s4+$0xFFFFFF80]  }
0x9d: {  	[tilespmem:s31+$0xFFFFF840] =	vst v2;
	v2 =	vld [tilespmem:s4+$0x0]  }
0x9e: {  	v7 =	vld [tilespmem:s4+$0xFFFFFF00];
	[tilespmem:s31+$0x450] =	vst v6  }
0x9f: {  	s14 =	sadd.s32 $0x1000, s31;
	[tilespmem:s31+$0xFFFFFC50] =	vst v5;
	v5 =	vld [tilespmem:s29+$0xE0]  }
0xa0: {  	[tilespmem:s14+$0x400] =	vst v3;
	v3 =	vld [tilespmem:s29+$0xFFFFFF50]  }
0xa1: {  	[tilespmem:s14+$0xFFFFFC00] =	vst v4;
	v4 =	vld [tilespmem:s4+$0x90]  }
0xa2: {  	v6 =	vld [tilespmem:s4+$0xFFFFFF90];
	[tilespmem:s14+$0x0] =	vst v2  }
0xa3: {  	[tilespmem:s14+$0xFFFFF800] =	vst v7;
	v2 =	vld [tilespmem:s4+$0x10]  }
0xa4: {  	v7 =	vld [tilespmem:s4+$0xFFFFFF10];
	[tilespmem:s31+$0x460] =	vst v5  }
0xa5: {  	[tilespmem:s31+$0xFFFFF850] =	vst v3;
	v3 =	vld [tilespmem:s29+$0xF0]  }
0xa6: {  	[tilespmem:s14+$0x410] =	vst v4;
	v4 =	vld [tilespmem:s29+$0x50]  }
0xa7: {  	[tilespmem:s14+$0xFFFFFC10] =	vst v6;
	v5 =	vld [tilespmem:s4+$0xA0]  }
0xa8: {  	v6 =	vld [tilespmem:s4+$0xFFFFFFA0];
	[tilespmem:s14+$0x10] =	vst v2  }
0xa9: {  	[tilespmem:s14+$0xFFFFF810] =	vst v7;
	v2 =	vld [tilespmem:s4+$0x20]  }
0xaa: {  	v7 =	vld [tilespmem:s4+$0xFFFFFF20];
	[tilespmem:s31+$0x470] =	vst v3  }
0xab: {  	v3 =	vld [tilespmem:s29+$0xFFFFFF60];
	[tilespmem:s31+$0x50] =	vst v4  }
0xac: {  	v4 =	vld [tilespmem:s29+$0xFFFFFFE0];
	[tilespmem:s14+$0x420] =	vst v5  }
0xad: {  	[tilespmem:s14+$0xFFFFFC20] =	vst v6;
	v5 =	vld [tilespmem:s4+$0xB0]  }
0xae: {  	v6 =	vld [tilespmem:s4+$0xFFFFFFB0];
	[tilespmem:s14+$0x20] =	vst v2  }
0xaf: {  	[tilespmem:s14+$0xFFFFF820] =	vst v7;
	v2 =	vld [tilespmem:s4+$0x30]  }
0xb0: {  	v7 =	vld [tilespmem:s4+$0xFFFFFF30];
	[tilespmem:s31+$0xFFFFF860] =	vst v3  }
0xb1: {  	v3 =	vld [tilespmem:s29+$0x60];
	[tilespmem:s31+$0xFFFFFC60] =	vst v4  }
0xb2: {  	v4 =	vld [tilespmem:s29+$0xFFFFFF70];
	[tilespmem:s14+$0x430] =	vst v5  }
0xb3: {  	[tilespmem:s14+$0xFFFFFC30] =	vst v6;
	v5 =	vld [tilespmem:s4+$0xC0]  }
0xb4: {  	v6 =	vld [tilespmem:s4+$0xFFFFFFC0];
	[tilespmem:s14+$0x30] =	vst v2  }
0xb5: {  	p3 =	sgt.u32 s20, $0x8;
	[tilespmem:s14+$0xFFFFF830] =	vst v7;
	v7 =	vld [tilespmem:s4+$0x40]  }
.Ltmp12:
0xb6: {  	v2 =	vld [tilespmem:s4+$0xFFFFFF40];
	[tilespmem:s31+$0x60] =	vst v3;
	(pc) =	sbr.rel @!p3 .LBB2_15-.Ltmp12, $4  }
0xb7: {  	v3 =	vld [tilespmem:s29+$0xFFFFFFF0];
	[tilespmem:s31+$0xFFFFF870] =	vst v4  }
0xb8: {  	v4 =	vld [tilespmem:s29+$0x70];
	[tilespmem:s14+$0x440] =	vst v5  }
0xb9: {  	s24 =	sadd.s32 $0x200, s4;
	[tilespmem:s14+$0xFFFFFC40] =	vst v6;
	v6 =	vld [tilespmem:s4+$0xD0]  }
0xba: {  	p2 =	por $0x1, $0x1;
	s9 =	smov.u32 s31;
	s29 =	simm.s32 $0x8;
	v5 =	vld [tilespmem:s4+$0xFFFFFFD0];
	[tilespmem:s14+$0x40] =	vst v7  }
.LBB2_16:
0xbb: {  	v7 =	vld [tilespmem:s24+$0x80];
	s29 =	sadd.s32 $0x4, s29;
	[tilespmem:s14+$0xFFFFF840] =	vst v2  }
0xbc: {  	v2 =	vld [tilespmem:s24+$0xFFFFFF80];
	p3 =	slt.u32 s29, s20;
	[tilespmem:s9+$0xFFFFFC70] =	vst v3  }
0xbd: {  	v3 =	vld [tilespmem:s24+$0x0];
	[tilespmem:s9+$0x70] =	vst v4;
	s9 =	smov.u32 s14  }
0xbe: {  	v4 =	vld [tilespmem:s24+$0xFFFFFF00];
	[tilespmem:s14+$0x450] =	vst v6  }
0xbf: {  	s14 =	sadd.s32 $0x1000, s14;
	[tilespmem:s9+$0xFFFFFC50] =	vst v5;
	v5 =	vld [tilespmem:s4+$0xE0]  }
0xc0: {  	[tilespmem:s14+$0x400] =	vst v7;
	v6 =	vld [tilespmem:s4+$0xFFFFFF50]  }
0xc1: {  	[tilespmem:s14+$0xFFFFFC00] =	vst v2;
	v2 =	vld [tilespmem:s24+$0x90]  }
0xc2: {  	v7 =	vld [tilespmem:s24+$0xFFFFFF90];
	[tilespmem:s14+$0x0] =	vst v3  }
0xc3: {  	[tilespmem:s14+$0xFFFFF800] =	vst v4;
	v3 =	vld [tilespmem:s24+$0x10]  }
0xc4: {  	v4 =	vld [tilespmem:s24+$0xFFFFFF10];
	[tilespmem:s9+$0x460] =	vst v5  }
0xc5: {  	[tilespmem:s9+$0xFFFFF850] =	vst v6;
	v5 =	vld [tilespmem:s4+$0xF0]  }
0xc6: {  	[tilespmem:s14+$0x410] =	vst v2;
	v2 =	vld [tilespmem:s4+$0x50]  }
0xc7: {  	[tilespmem:s14+$0xFFFFFC10] =	vst v7;
	v6 =	vld [tilespmem:s24+$0xA0]  }
0xc8: {  	v7 =	vld [tilespmem:s24+$0xFFFFFFA0];
	[tilespmem:s14+$0x10] =	vst v3  }
0xc9: {  	[tilespmem:s14+$0xFFFFF810] =	vst v4;
	v3 =	vld [tilespmem:s24+$0x20]  }
0xca: {  	v4 =	vld [tilespmem:s24+$0xFFFFFF20];
	[tilespmem:s9+$0x470] =	vst v5  }
0xcb: {  	v5 =	vld [tilespmem:s4+$0xFFFFFF60];
	[tilespmem:s9+$0x50] =	vst v2  }
0xcc: {  	[tilespmem:s14+$0x420] =	vst v6;
	v2 =	vld [tilespmem:s4+$0xFFFFFFE0]  }
0xcd: {  	[tilespmem:s14+$0xFFFFFC20] =	vst v7;
	v6 =	vld [tilespmem:s24+$0xB0]  }
0xce: {  	v7 =	vld [tilespmem:s24+$0xFFFFFFB0];
	[tilespmem:s14+$0x20] =	vst v3  }
0xcf: {  	[tilespmem:s14+$0xFFFFF820] =	vst v4;
	v3 =	vld [tilespmem:s24+$0x30]  }
0xd0: {  	v4 =	vld [tilespmem:s24+$0xFFFFFF30];
	[tilespmem:s9+$0xFFFFF860] =	vst v5  }
0xd1: {  	[tilespmem:s9+$0xFFFFFC60] =	vst v2;
	v5 =	vld [tilespmem:s4+$0x60]  }
0xd2: {  	[tilespmem:s14+$0x430] =	vst v6;
	v6 =	vld [tilespmem:s4+$0xFFFFFF70]  }
0xd3: {  	[tilespmem:s14+$0xFFFFFC30] =	vst v7;
	v7 =	vld [tilespmem:s24+$0xC0]  }
0xd4: {  	v8 =	vld [tilespmem:s24+$0xFFFFFFC0];
	[tilespmem:s14+$0x30] =	vst v3  }
0xd5: {  	[tilespmem:s14+$0xFFFFF830] =	vst v4;
	v9 =	vld [tilespmem:s24+$0x40]  }
.Ltmp13:
0xd6: {  	v2 =	vld [tilespmem:s24+$0xFFFFFF40];
	[tilespmem:s9+$0x60] =	vst v5;
	(pc) =	sbr.rel @p3 .LBB2_16-.Ltmp13, $4  }
0xd7: {  	[tilespmem:s9+$0xFFFFF870] =	vst v6;
	v3 =	vld [tilespmem:s4+$0xFFFFFFF0]  }
0xd8: {  	[tilespmem:s14+$0x440] =	vst v7;
	v4 =	vld [tilespmem:s4+$0x70];
	s4 =	smov.u32 s24  }
0xd9: {  	[tilespmem:s14+$0xFFFFFC40] =	vst v8;
	v6 =	vld [tilespmem:s24+$0xD0]  }
0xda: {  	s24 =	sadd.s32 $0x200, s24;
	v5 =	vld [tilespmem:s4+$0xFFFFFFD0];
	[tilespmem:s14+$0x40] =	vst v9  }
0xdb: {  	s29 =	smov.u32 s4  }
.LBB2_18:
0xdc: {  	[tilespmem:s14+$0xFFFFF840] =	vst v2;
	v7 =	vld [tilespmem:s29+$0x50]  }
0xdd: {  	v2 =	vld [tilespmem:s29+$0xFFFFFF50];
	_ =	sdelay $0x1  }
0xde: {  	[tilespmem:s14+$0x450] =	vst v6  }
0xdf: {  	v6 =	vld [tilespmem:s29+$0xE0];
	[tilespmem:s14+$0xFFFFFC50] =	vst v5  }
0xe0: {  	v5 =	vld [tilespmem:s29+$0xFFFFFFE0];
	[tilespmem:s14+$0x50] =	vst v7  }
0xe1: {  	[tilespmem:s14+$0xFFFFF850] =	vst v2;
	v7 =	vld [tilespmem:s29+$0x60]  }
0xe2: {  	v2 =	vld [tilespmem:s29+$0xFFFFFF60];
	_ =	sdelay $0x1  }
0xe3: {  	[tilespmem:s14+$0x460] =	vst v6  }
0xe4: {  	[tilespmem:s14+$0xFFFFFC60] =	vst v5  }
0xe5: {  	v63 =	vld [tilespmem:s29+$0xFFFFFFF0];
	[tilespmem:s14+$0x60] =	vst v7  }
0xe6: {  	[tilespmem:s14+$0xFFFFF860] =	vst v2;
	v2 =	vld [tilespmem:s29+$0xF0]  }
0xe7: {  	[tilespmem:s9+$0xFFFFFC70] =	vst @p2 v3;
	v3 =	vld [tilespmem:s29+$0x70]  }
0xe8: {  	v62 =	vld [tilespmem:s29+$0xFFFFFF70]  }
0xe9: {  	[tilespmem:s9+$0x70] =	vst @p2 v4  }
0xea: {  	[tilespmem:s14+$0xFFFFFC70] =	vst v63  }
0xeb: {  	[tilespmem:s14+$0x470] =	vst v2  }
0xec: {  	[tilespmem:s14+$0x70] =	vst v3  }
0xed: {  	[tilespmem:s14+$0xFFFFF870] =	vst v62  }
.LBB2_12:
0xee: {  	p2 =	sne.s32 s6, s20  }
.Ltmp14:
0xef: {  	_ = 	snop;
	(pc) =	sbr.rel @p2 .LBB2_19-.Ltmp14, $1  }
0xf0: {  	_ =	sdelay $0x3  }
.Ltmp15:
0xf1: {  	(pc) =	sbr.rel .LBB2_21-.Ltmp15, $2  }
0xf2: {  	_ =	sdelay $0x2  }
0xf3: {  	s4 =	sshll.u32 s13, $0x9  }
.LBB2_19:
0xf4: {  	s4 =	sshrl.u32 s26, $0x9  }
0xf5: {  	s9 =	sshll.u32 s3, $0x2;
	s6 =	sshll.u32 s4, $0xB  }
0xf6: {  	s4 =	sshll.u32 s4, $0xE;
	s6 =	sadd.s32 s9, s6  }
0xf7: {  	s29 =	sshrl.u32 s4, $0x2;
	s6 =	sshra.s32 s6, $0x2  }
0xf8: {  	s4 =	sshll.u32 s13, $0x9;
	s9 =	smov.u32 s8;
	v2 =	vmov s29;
	s6 =	sadd.s32 s6, s11  }
.LBB2_20:
0xf9: {  	v3 =	vld [tilespmem:s6+$0xFFFFFFC0];
	_ =	sdelay $0x4  }
0xfa: {  	[tilespmem:v2+s9+$0xFFFFFF90 ss:$0x1] =	vst.idx.msk $0xffff, v3  }
0xfb: {  	v3 =	vld [tilespmem:s6+$0xFFFFFFD0];
	_ =	sdelay $0x4  }
0xfc: {  	[tilespmem:v2+s9+$0xFFFFFFA0 ss:$0x1] =	vst.idx.msk $0xffff, v3  }
0xfd: {  	v3 =	vld [tilespmem:s6+$0xFFFFFFE0];
	_ =	sdelay $0x4  }
0xfe: {  	[tilespmem:v2+s9+$0xFFFFFFB0 ss:$0x1] =	vst.idx.msk $0xffff, v3  }
0xff: {  	v3 =	vld [tilespmem:s6+$0xFFFFFFF0];
	_ =	sdelay $0x4  }
0x100: {  	[tilespmem:v2+s9+$0xFFFFFFC0 ss:$0x1] =	vst.idx.msk $0xffff, v3  }
0x101: {  	v3 =	vld [tilespmem:s6+$0x0];
	_ =	sdelay $0x4  }
0x102: {  	[tilespmem:v2+s9+$0xFFFFFFD0 ss:$0x1] =	vst.idx.msk $0xffff, v3  }
0x103: {  	v3 =	vld [tilespmem:s6+$0x10];
	_ =	sdelay $0x4  }
0x104: {  	[tilespmem:v2+s9+$0xFFFFFFE0 ss:$0x1] =	vst.idx.msk $0xffff, v3  }
0x105: {  	v3 =	vld [tilespmem:s6+$0x20];
	_ =	sdelay $0x4  }
0x106: {  	s20 =	sadd.s32 $0x1, s20;
	[tilespmem:v2+s9+$0xFFFFFFF0 ss:$0x1] =	vst.idx.msk $0xffff, v3  }
0x107: {  	p2 =	slt.u32 s20, s5;
	v3 =	vld [tilespmem:s6+$0x30]  }
.Ltmp16:
0x108: {  	_ = 	snop;
	(pc) =	sbr.rel @p2 .LBB2_20-.Ltmp16, $2  }
0x109: {  	_ =	sdelay $0x2  }
0x10a: {  	s6 =	sadd.s32 $0x80, s6;
	[tilespmem:v2+s9+$0x0 ss:$0x1] =	vst.idx.msk $0xffff, v3;
	s9 =	sadd.s32 $0x400, s9  }
.LBB2_21:
0x10b: {  	s3 =	ssub.s32 s3, s15;
	s6 =	sshll.u32 s5, $0x7  }
0x10c: {  	s9 =	sadd.s32 s6, s3  }
0x10d: {  	v2 =	vld [tilespmem:s9+$0x0];
	_ =	sdelay $0x2  }
0x10e: {  	v3 =	vor.u32 s6, v0  }
0x10f: {  	s4 =	sshrl.u32 s4, $0x2;
	s20 =	sshll.u32 s5, $0xA;
	vm0 =	vlt.u32 v3, s22  }
0x110: {  	s4 =	sadd.s32 s20, s4;
	s24 =	sor.u32 $0x10, s6;
	v2 =	vnsel vm0, $0xFF800000, v2  }
0x111: {  	s14 =	sadd.s32 s24, s3;
	[tilespmem:s4+$0x8000] =	vst v2  }
0x112: {  	v2 =	vld [tilespmem:s14+$0x0];
	_ =	sdelay $0x2  }
0x113: {  	v3 =	vor.u32 s24, v0  }
0x114: {  	vm9 =	vlt.u32 v3, s22  }
0x115: {  	s25 =	sor.u32 $0x20, s6;
	v2 =	vnsel vm9, $0xFF800000, v2  }
0x116: {  	s29 =	sadd.s32 s25, s3;
	[tilespmem:s4+$0x8010] =	vst v2  }
0x117: {  	v2 =	vld [tilespmem:s29+$0x0];
	_ =	sdelay $0x2  }
0x118: {  	v3 =	vor.u32 s25, v0  }
0x119: {  	vm10 =	vlt.u32 v3, s22  }
0x11a: {  	s20 =	sor.u32 $0x30, s6;
	v2 =	vnsel vm10, $0xFF800000, v2  }
0x11b: {  	s24 =	sadd.s32 s20, s3;
	[tilespmem:s4+$0x8020] =	vst v2  }
0x11c: {  	v2 =	vld [tilespmem:s24+$0x0];
	_ =	sdelay $0x2  }
0x11d: {  	v3 =	vor.u32 s20, v0  }
0x11e: {  	vm11 =	vlt.u32 v3, s22  }
0x11f: {  	s25 =	sor.u32 $0x40, s6;
	v2 =	vnsel vm11, $0xFF800000, v2  }
0x120: {  	s29 =	sadd.s32 s25, s3;
	[tilespmem:s4+$0x8030] =	vst v2  }
0x121: {  	v2 =	vld [tilespmem:s29+$0x0];
	_ =	sdelay $0x2  }
0x122: {  	v3 =	vor.u32 s25, v0  }
0x123: {  	vm12 =	vlt.u32 v3, s22  }
0x124: {  	s20 =	sor.u32 $0x50, s6;
	v2 =	vnsel vm12, $0xFF800000, v2  }
0x125: {  	s24 =	sadd.s32 s20, s3;
	[tilespmem:s4+$0x8040] =	vst v2  }
0x126: {  	v2 =	vld [tilespmem:s24+$0x0];
	_ =	sdelay $0x2  }
0x127: {  	v3 =	vor.u32 s20, v0  }
0x128: {  	vm13 =	vlt.u32 v3, s22  }
0x129: {  	s25 =	sor.u32 $0x60, s6;
	v2 =	vnsel vm13, $0xFF800000, v2  }
0x12a: {  	s29 =	sadd.s32 s25, s3;
	[tilespmem:s4+$0x8050] =	vst v2  }
0x12b: {  	v2 =	vld [tilespmem:s29+$0x0];
	_ =	sdelay $0x2  }
0x12c: {  	v3 =	vor.u32 s25, v0  }
0x12d: {  	vm14 =	vlt.u32 v3, s22  }
0x12e: {  	s6 =	sor.u32 $0x70, s6;
	v2 =	vnsel vm14, $0xFF800000, v2  }
0x12f: {  	s3 =	sadd.s32 s6, s3;
	[tilespmem:s4+$0x8060] =	vst v2  }
0x130: {  	v2 =	vld [tilespmem:s3+$0x0];
	_ =	sdelay $0x1  }
.Ltmp17:
0x131: {  	_ = 	snop;
	(pc) =	sbr.rel @p1 .LBB2_26-.Ltmp17, $4  }
0x132: {  	v3 =	vor.u32 s6, v0  }
0x133: {  	vm15 =	vlt.u32 v3, s22  }
0x134: {  	v2 =	vnsel vm15, $0xFF800000, v2  }
0x135: {  	[tilespmem:s4+$0x8070] =	vst v2  }
0x136: {  	s4 =	sor.u32 $0xFFFFFFF1, s5  }
0x137: {  	s20 =	sadd.s32 $0x1, s5;
	s6 =	ssub.s32 s5, s4  }
0x138: {  	p2 =	sge.u32 s20, s6  }
.Ltmp18:
0x139: {  	_ = 	snop;
	(pc) =	sbr.rel @p2 .LBB2_23-.Ltmp18, $3  }
0x13a: {  	_ =	sdelay $0x1  }
0x13b: {  	s5 =	sshrl.u32 s26, $0x7  }
0x13c: {  	s3 =	sshll.u32 s5, $0xC  }
0x13d: {  	s14 =	sshrl.u32 s3, $0x2  }
0x13e: {  	s9 =	sadd.s32 s14, s12  }
0x13f: {  	[tilespmem:s9+$0x870] =	vst v1  }
0x140: {  	[tilespmem:s9+$0x400] =	vst v1  }
0x141: {  	[tilespmem:s9+$0x410] =	vst v1  }
0x142: {  	[tilespmem:s9+$0x420] =	vst v1  }
0x143: {  	[tilespmem:s9+$0x430] =	vst v1  }
0x144: {  	[tilespmem:s9+$0x440] =	vst v1  }
0x145: {  	[tilespmem:s9+$0x450] =	vst v1  }
0x146: {  	s20 =	sadd.s32 $0x2, s20;
	[tilespmem:s9+$0x460] =	vst v1  }
0x147: {  	p2 =	slt.u32 s20, s6;
	[tilespmem:s9+$0x470] =	vst v1  }
.Ltmp19:
0x148: {  	[tilespmem:s9+$0x800] =	vst v1;
	(pc) =	sbr.rel @!p2 .LBB2_34-.Ltmp19, $4  }
0x149: {  	[tilespmem:s9+$0x810] =	vst v1  }
0x14a: {  	[tilespmem:s9+$0x820] =	vst v1  }
0x14b: {  	[tilespmem:s9+$0x830] =	vst v1  }
0x14c: {  	s22 =	smov.u32 s12;
	[tilespmem:s9+$0x840] =	vst v1  }
.LBB2_33:
0x14d: {  	s20 =	sadd.s32 $0x2, s20;
	[tilespmem:s9+$0x850] =	vst v1;
	s22 =	sadd.s32 $0x800, s22  }
0x14e: {  	p2 =	slt.u32 s20, s6;
	[tilespmem:s9+$0x860] =	vst v1;
	s9 =	sadd.s32 s14, s22  }
0x14f: {  	[tilespmem:s9+$0x870] =	vst v1  }
0x150: {  	[tilespmem:s9+$0x400] =	vst v1  }
0x151: {  	[tilespmem:s9+$0x410] =	vst v1  }
0x152: {  	[tilespmem:s9+$0x420] =	vst v1  }
0x153: {  	[tilespmem:s9+$0x430] =	vst v1  }
0x154: {  	[tilespmem:s9+$0x440] =	vst v1  }
0x155: {  	[tilespmem:s9+$0x450] =	vst v1  }
0x156: {  	[tilespmem:s9+$0x460] =	vst v1  }
0x157: {  	[tilespmem:s9+$0x470] =	vst v1  }
.Ltmp20:
0x158: {  	[tilespmem:s9+$0x800] =	vst v1;
	(pc) =	sbr.rel @p2 .LBB2_33-.Ltmp20, $4  }
0x159: {  	[tilespmem:s9+$0x810] =	vst v1  }
0x15a: {  	[tilespmem:s9+$0x820] =	vst v1  }
0x15b: {  	[tilespmem:s9+$0x830] =	vst v1  }
0x15c: {  	[tilespmem:s9+$0x840] =	vst v1  }
.LBB2_34:
0x15d: {  	[tilespmem:s9+$0x850] =	vst v1  }
0x15e: {  	[tilespmem:s9+$0x860] =	vst v1  }
.LBB2_23:
0x15f: {  	p2 =	sgt.u32 s6, $0xF  }
.Ltmp21:
0x160: {  	_ = 	snop;
	(pc) =	sbr.rel @p2 .LBB2_26-.Ltmp21, $1  }
0x161: {  	_ =	sdelay $0x3  }
0x162: {  	s6 =	sshll.u32 s4, $0xC  }
0x163: {  	s29 =	sxor.u32 $0xFFFFFFFF, s4;
	s6 =	ssub.s32 $0x0, s6  }
0x164: {  	s4 =	sadd.s32 s5, s29;
	s22 =	sshra.s32 s6, $0x2  }
0x165: {  	s5 =	sadd.s32 s22, s23;
	s6 =	sadd.s32 s22, s16;
	s9 =	sadd.s32 s22, s18  }
0x166: {  	s14 =	sadd.s32 s22, s21;
	s20 =	sadd.s32 s22, s2;
	s22 =	sadd.s32 s22, s17  }
.LBB2_25:
0x167: {  	s24 =	sshrl.u32 s3, $0x2  }
0x168: {  	s29 =	sadd.s32 s24, s14  }
0x169: {  	s25 =	sadd.s32 s24, s5;
	[tilespmem:s29+$0xFFFFFFC0] =	vst v1  }
0x16a: {  	s4 =	sadd.s32 $0x1, s4;
	[tilespmem:s25+$0x0] =	vst v1;
	s25 =	sadd.s32 s24, s22  }
0x16b: {  	p2 =	slt.u32 s4, $0xF;
	[tilespmem:s25+$0x0] =	vst v1;
	s25 =	sadd.s32 s24, s20  }
.Ltmp22:
0x16c: {  	[tilespmem:s25+$0x0] =	vst v1;
	(pc) =	sbr.rel @p2 .LBB2_25-.Ltmp22, $4  }
0x16d: {  	s25 =	sadd.s32 s24, s9;
	[tilespmem:s29+$0x0] =	vst v1  }
0x16e: {  	s24 =	sadd.s32 s24, s6;
	[tilespmem:s25+$0x0] =	vst v1  }
0x16f: {  	s5 =	sadd.s32 $0x400, s5;
	s14 =	sadd.s32 $0x400, s14;
	s22 =	sadd.s32 $0x400, s22;
	[tilespmem:s24+$0x0] =	vst v1  }
0x170: {  	s20 =	sadd.s32 $0x400, s20;
	s6 =	sadd.s32 $0x400, s6;
	s9 =	sadd.s32 $0x400, s9;
	[tilespmem:s29+$0x30] =	vst v1  }
.Ltmp23:
0x171: {  	_ = 	snop;
	(pc) =	sbr.rel .LBB2_26-.Ltmp23, $1  }
0x172: {  	_ =	sdelay $0x3  }
.LBB2_11:
.Ltmp24:
0x173: {  	(pc) =	sbr.rel .LBB2_18-.Ltmp24, $2  }
0x174: {  	_ =	sdelay $0x2  }
0x175: {  	s14 =	smov.u32 s31  }
.LBB2_15:
.Ltmp25:
0x176: {  	(pc) =	sbr.rel .LBB2_18-.Ltmp25, $2  }
0x177: {  	_ =	sdelay $0x2  }
0x178: {  	s9 =	smov.u32 s31;
	s29 =	smov.u32 s4  }
.LBB2_27:
0x179: {  	p2 =	seq.s32 s30, $0x3  }
.Ltmp26:
0x17a: {  	_ = 	snop;
	(pc) =	sbr.rel @!p2 .LBB2_28-.Ltmp26, $4  }
0x17b: {  	_ = 	snop  }
0x17c: {  	s2 =	sshll.u32 s7, $0x8;
	s21 =	rddreg [dreg:$0x2]  }
0x17d: {  	s22 =	simm.s32 $0x0;
	s3 =	simm.s32 $0x8000;
	s2 =	sadd.s32 s21, s2  }
0x17e: {  	[hbm4b:s2+s22] =	stream.linear.scatter [tilespmem:s3], [sflag:$0x3], $0x4000, $0x38;
	[tilespmem:$0x10000] =	vst v63  }
.Ltmp27:
0x17f: {  	s2 =	simm.s32 $0x2;
	(pc) =	sbr.rel .LBB2_42-.Ltmp27, $4  }
0x180: {  	_ =	swait.ge [sflag:s2], $0x3FF0  }
0x181: {  	s23 =	rddreg [dreg:$0xf]  }
0x182: {  	[sflag:s2] =	ssyncset.done $0x0;
	s24 =	rddreg [dreg:$0x10]  }
0x183: {  	s4 =	rddreg [dreg:$0x13];
	[sflag:s2] =	ssyncadd.s32 $0xFFFFC010  }
.LBB2_28:
0x184: {  	s2 =	rddreg [dreg:$0x14]  }
0x185: {  	s2 =	sadd.s32 $0x2, s2  }
0x186: {  	s3 =	sshrl.u32 s2, $0x1  }
0x187: {  	p2 =	seq.s32 s3, $0x1  }
.Ltmp28:
0x188: {  	_ = 	snop;
	(pc) =	sbr.rel @p2 .LBB2_35-.Ltmp28, $2  }
0x189: {  	_ =	sdelay $0x2  }
0x18a: {  	s24 =	rddreg [dreg:$0x10]  }
0x18b: {  	p2 =	seq.s32 s3, $0x2  }
.Ltmp29:
0x18c: {  	_ = 	snop;
	(pc) =	sbr.rel @p2 .LBB2_36-.Ltmp29, $1  }
0x18d: {  	_ =	sdelay $0x3  }
0x18e: {  	p2 =	sne.s32 s3, $0x3  }
.Ltmp30:
0x18f: {  	_ = 	snop;
	(pc) =	sbr.rel @p2 .LBB2_38-.Ltmp30, $3  }
0x190: {  	_ =	sdelay $0x1  }
0x191: {  	s23 =	rddreg [dreg:$0xf]  }
0x192: {  	s4 =	rddreg [dreg:$0x13]  }
0x193: {  	s2 =	sshll.u32 s2, $0x8;
	s3 =	rddreg [dreg:$0x4]  }
0x194: {  	s2 =	sor.u32 s3, s2  }
0x195: {  	s3 =	sor.u32 $0x1, s2  }
0x196: {  	s2 =	smul.u32 s2, s3;
	_ =	sdelay $0x1  }
0x197: {  	s2 =	sshrl.u32 s2, $0x1  }
.Ltmp31:
0x198: {  	s2 =	sand.u32 $0x3FFFFFF8, s2;
	(pc) =	sbr.rel .LBB2_37-.Ltmp31, $4  }
0x199: {  	s2 =	smin.u32 s2, $0x1FC410  }
0x19a: {  	s31 =	rddreg [dreg:$0x0];
	s2 =	sshrl.u32 s2, $0x3  }
0x19b: {  	s2 =	sadd.s32 s31, s2  }
0x19c: {  	s3 =	sadd.s32 $0x80, s2  }
.LBB2_36:
0x19d: {  	s3 =	sshll.u32 s2, $0x8;
	s4 =	rddreg [dreg:$0x4]  }
0x19e: {  	s3 =	sor.u32 s4, s3  }
0x19f: {  	s4 =	sor.u32 $0x1, s3  }
0x1a0: {  	s3 =	smul.u32 s3, s4;
	_ =	sdelay $0x1  }
0x1a1: {  	s3 =	sshrl.u32 s3, $0x1  }
0x1a2: {  	p2 =	sne.s32 s2, $0x6;
	s3 =	sand.u32 $0x3FFFFFF8, s3  }
.Ltmp32:
0x1a3: {  	s3 =	smin.u32 s3, $0x1FC410;
	(pc) =	sbr.rel @p2 .LBB2_38-.Ltmp32, $4  }
0x1a4: {  	s31 =	rddreg [dreg:$0x0];
	s3 =	sshrl.u32 s3, $0x3  }
0x1a5: {  	s23 =	rddreg [dreg:$0xf];
	s3 =	sadd.s32 s31, s3  }
0x1a6: {  	s4 =	rddreg [dreg:$0x13];
	s3 =	sadd.s32 $0x80, s3  }
0x1a7: {  	[tilespmem:s22], [sflag:$0x1] =	stream.linear.gather [hbm4b:s3+s22], $0x3070, $0x38;
	[tilespmem:$0x10000] =	vst v63  }
.LBB2_37:
.Ltmp33:
0x1a8: {  	(pc) =	sbr.rel .LBB2_38-.Ltmp33, $2  }
0x1a9: {  	_ =	sdelay $0x2  }
0x1aa: {  	[tilespmem:s22], [sflag:$0x1] =	stream.linear.gather [hbm4b:s3+s22], $0x3FF0, $0x38;
	[tilespmem:$0x10000] =	vst v63  }
.LBB2_35:
0x1ab: {  	s2 =	sshll.u32 s2, $0x8;
	s3 =	rddreg [dreg:$0x4]  }
0x1ac: {  	s2 =	sor.u32 s3, s2  }
0x1ad: {  	s3 =	sor.u32 $0x1, s2  }
0x1ae: {  	s2 =	smul.u32 s2, s3;
	_ =	sdelay $0x1  }
0x1af: {  	s2 =	sshrl.u32 s2, $0x1  }
0x1b0: {  	s2 =	sand.u32 $0x3FFFFFF8, s2  }
0x1b1: {  	s2 =	smin.u32 s2, $0x1FC410  }
0x1b2: {  	s31 =	rddreg [dreg:$0x0];
	s2 =	sshrl.u32 s2, $0x3  }
0x1b3: {  	s23 =	rddreg [dreg:$0xf];
	s2 =	sadd.s32 s31, s2  }
0x1b4: {  	s4 =	rddreg [dreg:$0x13];
	s2 =	sadd.s32 $0x80, s2  }
0x1b5: {  	[tilespmem:s22], [sflag:$0x1] =	stream.linear.gather [hbm4b:s2+s22], $0x2070, $0x38;
	[tilespmem:$0x10000] =	vst v63  }
.LBB2_38:
0x1b6: {  	p2 =	seq.s32 s30, $0x0  }
.Ltmp34:
0x1b7: {  	_ = 	snop;
	(pc) =	sbr.rel @p2 .LBB2_40-.Ltmp34, $1  }
0x1b8: {  	_ =	sdelay $0x3  }
0x1b9: {  	p2 =	seq.s32 s30, $0x2  }
0x1ba: {  	s2 =	simm.s32 @p2 $0x2  }
0x1bb: {  	p3 =	sne.s32 @!p2 s30, $0x1;
	_ =	swait.ge @p2 [sflag:s2], $0x3070  }
0x1bc: {  	p3 =	por p3, p2;
	[sflag:s2] =	ssyncset.done @p2 $0x0  }
0x1bd: {  	[sflag:s2] =	ssyncadd.s32 @p2 $0xFFFFCF90;
	s2 =	simm.s32 @!p3 $0x2  }
0x1be: {  	_ =	swait.ge @!p3 [sflag:s2], $0x2070  }
0x1bf: {  	[sflag:s2] =	ssyncset.done @!p3 $0x0  }
0x1c0: {  	[sflag:s2] =	ssyncadd.s32 @!p3 $0xFFFFDF90  }
.LBB2_42:
0x1c1: {  	s2 =	simm.s32 $0x4  }
0x1c2: {  	_ =	swait.ge [sflag:s2], $0x4000  }
0x1c3: {  	[sflag:s2] =	ssyncset.done $0x0  }
0x1c4: {  	[sflag:s2] =	ssyncadd.s32 $0xFFFFC000  }
.LBB2_43:
.Ltmp35:
0x1c5: {  	(pc) =	sbr.rel .LBB2_44-.Ltmp35, $4  }
0x1c6: {  	_ = 	snop  }
0x1c7: {  	s3 =	sshra.s32 s4, $0x2;
	s7 =	simm.s32 $0x0;
	s8 =	simm.s32 $0xCC70  }
0x1c8: {  	s9 =	simm.s32 $0xC070;
	s10 =	simm.s32 $0x8000;
	s11 =	simm.s32 $0xC040  }
0x1c9: {  	s12 =	smov.u32 s24;
	s2 =	sadd.s32 $0x41E0, s3;
	s4 =	sadd.s32 $0x4060, s3  }
.LBB2_61:
0x1ca: {  	s7 =	sadd.s32 $0x1, s7  }
0x1cb: {  	p2 =	sne.s32 s7, $0x8  }
.Ltmp36:
0x1cc: {  	_ = 	snop;
	(pc) =	sbr.rel @!p2 .LBB2_62-.Ltmp36, $3  }
0x1cd: {  	_ =	sdelay $0x1  }
0x1ce: {  	s8 =	sadd.s32 $0x80, s8;
	s12 =	sadd.s32 $0x1, s12  }
0x1cf: {  	s9 =	sadd.s32 $0x80, s9;
	s10 =	sadd.s32 $0x80, s10;
	s11 =	sadd.s32 $0x80, s11  }
.LBB2_44:
0x1d0: {  	s3 =	sor.u32 s1, s7  }
0x1d1: {  	s5 =	sadd.s32 $0x1, s3  }
0x1d2: {  	s15 =	sshrl.u32 s5, $0x7  }
0x1d3: {  	s13 =	smin.u32 s15, $0xF  }
0x1d4: {  	s6 =	smul.u32 s3, s5;
	s3 =	sand.u32 $0xC, s13  }
0x1d5: {  	p2 =	seq.s32 s3, $0x0  }
.Ltmp37:
0x1d6: {  	_ = 	snop;
	(pc) =	sbr.rel @p2 .LBB2_47-.Ltmp37, $2  }
0x1d7: {  	_ =	sdelay $0x2  }
0x1d8: {  	s14 =	sshra.s32 s6, $0x1  }
0x1d9: {  	s6 =	sshll.u32 s14, $0x2  }
0x1da: {  	s6 =	sshra.s32 s6, $0x2  }
0x1db: {  	s17 =	sadd.s32 s6, s2  }
0x1dc: {  	v2 =	vld [tilespmem:s17+$0xFFFFFF90]  }
0x1dd: {  	v3 =	vld [tilespmem:s17+$0xFFFFFE90]  }
0x1de: {  	v4 =	vld [tilespmem:s17+$0xFFFFFF10];
	_ =	sdelay $0x2  }
0x1df: {  	v5 =	vld [tilespmem:s17+$0xFFFFFE10];
	[tilespmem:s8+$0xFFFFFF90] =	vst v2  }
0x1e0: {  	[tilespmem:s8+$0xFFFFF790] =	vst v3;
	v2 =	vld [tilespmem:s17+$0xFFFFFFA0]  }
0x1e1: {  	[tilespmem:s8+$0xFFFFFB90] =	vst v4;
	v3 =	vld [tilespmem:s17+$0xFFFFFEA0]  }
0x1e2: {  	v4 =	vld [tilespmem:s17+$0xFFFFFF20];
	_ =	sdelay $0x1  }
0x1e3: {  	[tilespmem:s8+$0xFFFFF390] =	vst v5  }
0x1e4: {  	v5 =	vld [tilespmem:s17+$0xFFFFFE20];
	[tilespmem:s8+$0xFFFFFFA0] =	vst v2  }
0x1e5: {  	[tilespmem:s8+$0xFFFFF7A0] =	vst v3;
	v2 =	vld [tilespmem:s17+$0xFFFFFFB0]  }
0x1e6: {  	[tilespmem:s8+$0xFFFFFBA0] =	vst v4;
	v3 =	vld [tilespmem:s17+$0xFFFFFEB0]  }
0x1e7: {  	v4 =	vld [tilespmem:s17+$0xFFFFFF30];
	_ =	sdelay $0x1  }
0x1e8: {  	[tilespmem:s8+$0xFFFFF3A0] =	vst v5  }
0x1e9: {  	v5 =	vld [tilespmem:s17+$0xFFFFFE30];
	[tilespmem:s8+$0xFFFFFFB0] =	vst v2  }
0x1ea: {  	[tilespmem:s8+$0xFFFFF7B0] =	vst v3;
	v2 =	vld [tilespmem:s17+$0xFFFFFFC0]  }
0x1eb: {  	[tilespmem:s8+$0xFFFFFBB0] =	vst v4;
	v3 =	vld [tilespmem:s17+$0xFFFFFEC0]  }
0x1ec: {  	v4 =	vld [tilespmem:s17+$0xFFFFFF40];
	_ =	sdelay $0x1  }
0x1ed: {  	[tilespmem:s8+$0xFFFFF3B0] =	vst v5  }
0x1ee: {  	v5 =	vld [tilespmem:s17+$0xFFFFFE40];
	[tilespmem:s8+$0xFFFFFFC0] =	vst v2  }
0x1ef: {  	[tilespmem:s8+$0xFFFFF7C0] =	vst v3;
	v3 =	vld [tilespmem:s17+$0xFFFFFFD0]  }
0x1f0: {  	[tilespmem:s8+$0xFFFFFBC0] =	vst v4;
	v6 =	vld [tilespmem:s17+$0xFFFFFED0]  }
0x1f1: {  	p3 =	sgt.u32 s3, $0x4;
	v4 =	vld [tilespmem:s17+$0xFFFFFF50]  }
.Ltmp38:
0x1f2: {  	_ = 	snop;
	(pc) =	sbr.rel @!p3 .LBB2_46-.Ltmp38, $4  }
0x1f3: {  	[tilespmem:s8+$0xFFFFF3C0] =	vst v5  }
0x1f4: {  	v2 =	vld [tilespmem:s17+$0xFFFFFE50];
	[tilespmem:s8+$0xFFFFFFD0] =	vst v3  }
0x1f5: {  	[tilespmem:s8+$0xFFFFF7D0] =	vst v6;
	v6 =	vld [tilespmem:s17+$0xFFFFFFE0]  }
0x1f6: {  	p2 =	por $0x0, $0x0;
	s16 =	sadd.s32 $0x200, s17;
	[tilespmem:s8+$0xFFFFFBD0] =	vst v4;
	v5 =	vld [tilespmem:s17+$0xFFFFFEE0]  }
0x1f7: {  	v3 =	vld [tilespmem:s16+$0xFFFFFF90]  }
0x1f8: {  	v4 =	vld [tilespmem:s16+$0xFFFFFE90]  }
0x1f9: {  	[tilespmem:s8+$0xFFFFF3D0] =	vst v2;
	v2 =	vld [tilespmem:s16+$0xFFFFFF10]  }
0x1fa: {  	v7 =	vld [tilespmem:s16+$0xFFFFFE10];
	[tilespmem:s8+$0xFFFFFFE0] =	vst v6  }
0x1fb: {  	s6 =	sadd.s32 $0x1000, s8;
	[tilespmem:s8+$0xFFFFF7E0] =	vst v5;
	v5 =	vld [tilespmem:s17+$0xFFFFFFF0]  }
0x1fc: {  	[tilespmem:s6+$0xFFFFFF90] =	vst v3;
	v3 =	vld [tilespmem:s17+$0xFFFFFE60]  }
0x1fd: {  	[tilespmem:s6+$0xFFFFF790] =	vst v4;
	v4 =	vld [tilespmem:s16+$0xFFFFFFA0]  }
0x1fe: {  	v6 =	vld [tilespmem:s16+$0xFFFFFEA0];
	[tilespmem:s6+$0xFFFFFB90] =	vst v2  }
0x1ff: {  	[tilespmem:s6+$0xFFFFF390] =	vst v7;
	v2 =	vld [tilespmem:s16+$0xFFFFFF20]  }
0x200: {  	v7 =	vld [tilespmem:s16+$0xFFFFFE20];
	[tilespmem:s8+$0xFFFFFFF0] =	vst v5  }
0x201: {  	[tilespmem:s8+$0xFFFFF3E0] =	vst v3;
	v3 =	vld [tilespmem:s17+$0x0]  }
0x202: {  	[tilespmem:s6+$0xFFFFFFA0] =	vst v4;
	v4 =	vld [tilespmem:s17+$0xFFFFFF60]  }
0x203: {  	[tilespmem:s6+$0xFFFFF7A0] =	vst v6;
	v5 =	vld [tilespmem:s16+$0xFFFFFFB0]  }
0x204: {  	v6 =	vld [tilespmem:s16+$0xFFFFFEB0];
	[tilespmem:s6+$0xFFFFFBA0] =	vst v2  }
0x205: {  	[tilespmem:s6+$0xFFFFF3A0] =	vst v7;
	v2 =	vld [tilespmem:s16+$0xFFFFFF30]  }
0x206: {  	v7 =	vld [tilespmem:s16+$0xFFFFFE30];
	[tilespmem:s8+$0x0] =	vst v3  }
0x207: {  	v3 =	vld [tilespmem:s17+$0xFFFFFE70];
	[tilespmem:s8+$0xFFFFFBE0] =	vst v4  }
0x208: {  	v4 =	vld [tilespmem:s17+$0xFFFFFEF0];
	[tilespmem:s6+$0xFFFFFFB0] =	vst v5  }
0x209: {  	[tilespmem:s6+$0xFFFFF7B0] =	vst v6;
	v5 =	vld [tilespmem:s16+$0xFFFFFFC0]  }
0x20a: {  	v6 =	vld [tilespmem:s16+$0xFFFFFEC0];
	[tilespmem:s6+$0xFFFFFBB0] =	vst v2  }
0x20b: {  	[tilespmem:s6+$0xFFFFF3B0] =	vst v7;
	v2 =	vld [tilespmem:s16+$0xFFFFFF40]  }
0x20c: {  	v7 =	vld [tilespmem:s16+$0xFFFFFE40];
	[tilespmem:s8+$0xFFFFF3F0] =	vst v3  }
0x20d: {  	v3 =	vld [tilespmem:s17+$0xFFFFFF70];
	[tilespmem:s8+$0xFFFFF7F0] =	vst v4  }
0x20e: {  	v4 =	vld [tilespmem:s17+$0xFFFFFE80];
	[tilespmem:s6+$0xFFFFFFC0] =	vst v5  }
0x20f: {  	[tilespmem:s6+$0xFFFFF7C0] =	vst v6;
	v5 =	vld [tilespmem:s16+$0xFFFFFFD0]  }
0x210: {  	v6 =	vld [tilespmem:s16+$0xFFFFFED0];
	[tilespmem:s6+$0xFFFFFBC0] =	vst v2  }
0x211: {  	p3 =	sgt.u32 s3, $0x8;
	[tilespmem:s6+$0xFFFFF3C0] =	vst v7;
	v7 =	vld [tilespmem:s16+$0xFFFFFF50]  }
.Ltmp39:
0x212: {  	v2 =	vld [tilespmem:s16+$0xFFFFFE50];
	[tilespmem:s8+$0xFFFFFBF0] =	vst v3;
	(pc) =	sbr.rel @!p3 .LBB2_50-.Ltmp39, $4  }
0x213: {  	v3 =	vld [tilespmem:s17+$0xFFFFFF00];
	[tilespmem:s8+$0xFFFFF400] =	vst v4  }
0x214: {  	v4 =	vld [tilespmem:s17+$0xFFFFFF80];
	[tilespmem:s6+$0xFFFFFFD0] =	vst v5  }
0x215: {  	s20 =	sadd.s32 $0x200, s16;
	[tilespmem:s6+$0xFFFFF7D0] =	vst v6;
	v6 =	vld [tilespmem:s16+$0xFFFFFFE0]  }
0x216: {  	p2 =	por $0x1, $0x1;
	s18 =	smov.u32 s8;
	s17 =	simm.s32 $0x8;
	v5 =	vld [tilespmem:s16+$0xFFFFFEE0];
	[tilespmem:s6+$0xFFFFFBD0] =	vst v7  }
.LBB2_51:
0x217: {  	v7 =	vld [tilespmem:s20+$0xFFFFFF90];
	s17 =	sadd.s32 $0x4, s17;
	[tilespmem:s6+$0xFFFFF3D0] =	vst v2  }
0x218: {  	v2 =	vld [tilespmem:s20+$0xFFFFFE90];
	p3 =	slt.u32 s17, s3;
	[tilespmem:s18+$0xFFFFF800] =	vst v3  }
0x219: {  	v3 =	vld [tilespmem:s20+$0xFFFFFF10];
	[tilespmem:s18+$0xFFFFFC00] =	vst v4;
	s18 =	smov.u32 s6  }
0x21a: {  	v4 =	vld [tilespmem:s20+$0xFFFFFE10];
	[tilespmem:s6+$0xFFFFFFE0] =	vst v6  }
0x21b: {  	s6 =	sadd.s32 $0x1000, s6;
	[tilespmem:s18+$0xFFFFF7E0] =	vst v5;
	v5 =	vld [tilespmem:s16+$0xFFFFFFF0]  }
0x21c: {  	[tilespmem:s6+$0xFFFFFF90] =	vst v7;
	v6 =	vld [tilespmem:s16+$0xFFFFFE60]  }
0x21d: {  	[tilespmem:s6+$0xFFFFF790] =	vst v2;
	v2 =	vld [tilespmem:s20+$0xFFFFFFA0]  }
0x21e: {  	v7 =	vld [tilespmem:s20+$0xFFFFFEA0];
	[tilespmem:s6+$0xFFFFFB90] =	vst v3  }
0x21f: {  	[tilespmem:s6+$0xFFFFF390] =	vst v4;
	v3 =	vld [tilespmem:s20+$0xFFFFFF20]  }
0x220: {  	v4 =	vld [tilespmem:s20+$0xFFFFFE20];
	[tilespmem:s18+$0xFFFFFFF0] =	vst v5  }
0x221: {  	[tilespmem:s18+$0xFFFFF3E0] =	vst v6;
	v5 =	vld [tilespmem:s16+$0x0]  }
0x222: {  	[tilespmem:s6+$0xFFFFFFA0] =	vst v2;
	v2 =	vld [tilespmem:s16+$0xFFFFFF60]  }
0x223: {  	[tilespmem:s6+$0xFFFFF7A0] =	vst v7;
	v6 =	vld [tilespmem:s20+$0xFFFFFFB0]  }
0x224: {  	v7 =	vld [tilespmem:s20+$0xFFFFFEB0];
	[tilespmem:s6+$0xFFFFFBA0] =	vst v3  }
0x225: {  	[tilespmem:s6+$0xFFFFF3A0] =	vst v4;
	v3 =	vld [tilespmem:s20+$0xFFFFFF30]  }
0x226: {  	v4 =	vld [tilespmem:s20+$0xFFFFFE30];
	[tilespmem:s18+$0x0] =	vst v5  }
0x227: {  	v5 =	vld [tilespmem:s16+$0xFFFFFE70];
	[tilespmem:s18+$0xFFFFFBE0] =	vst v2  }
0x228: {  	[tilespmem:s6+$0xFFFFFFB0] =	vst v6;
	v2 =	vld [tilespmem:s16+$0xFFFFFEF0]  }
0x229: {  	[tilespmem:s6+$0xFFFFF7B0] =	vst v7;
	v6 =	vld [tilespmem:s20+$0xFFFFFFC0]  }
0x22a: {  	v7 =	vld [tilespmem:s20+$0xFFFFFEC0];
	[tilespmem:s6+$0xFFFFFBB0] =	vst v3  }
0x22b: {  	[tilespmem:s6+$0xFFFFF3B0] =	vst v4;
	v3 =	vld [tilespmem:s20+$0xFFFFFF40]  }
0x22c: {  	v4 =	vld [tilespmem:s20+$0xFFFFFE40];
	[tilespmem:s18+$0xFFFFF3F0] =	vst v5  }
0x22d: {  	[tilespmem:s18+$0xFFFFF7F0] =	vst v2;
	v5 =	vld [tilespmem:s16+$0xFFFFFF70]  }
0x22e: {  	[tilespmem:s6+$0xFFFFFFC0] =	vst v6;
	v6 =	vld [tilespmem:s16+$0xFFFFFE80]  }
0x22f: {  	[tilespmem:s6+$0xFFFFF7C0] =	vst v7;
	v7 =	vld [tilespmem:s20+$0xFFFFFFD0]  }
0x230: {  	v8 =	vld [tilespmem:s20+$0xFFFFFED0];
	[tilespmem:s6+$0xFFFFFBC0] =	vst v3  }
0x231: {  	[tilespmem:s6+$0xFFFFF3C0] =	vst v4;
	v9 =	vld [tilespmem:s20+$0xFFFFFF50]  }
.Ltmp40:
0x232: {  	v2 =	vld [tilespmem:s20+$0xFFFFFE50];
	[tilespmem:s18+$0xFFFFFBF0] =	vst v5;
	(pc) =	sbr.rel @p3 .LBB2_51-.Ltmp40, $4  }
0x233: {  	[tilespmem:s18+$0xFFFFF400] =	vst v6;
	v3 =	vld [tilespmem:s16+$0xFFFFFF00]  }
0x234: {  	[tilespmem:s6+$0xFFFFFFD0] =	vst v7;
	v4 =	vld [tilespmem:s16+$0xFFFFFF80];
	s16 =	smov.u32 s20  }
0x235: {  	[tilespmem:s6+$0xFFFFF7D0] =	vst v8;
	v6 =	vld [tilespmem:s20+$0xFFFFFFE0]  }
0x236: {  	s20 =	sadd.s32 $0x200, s20;
	v5 =	vld [tilespmem:s16+$0xFFFFFEE0];
	[tilespmem:s6+$0xFFFFFBD0] =	vst v9  }
0x237: {  	s17 =	smov.u32 s16  }
.LBB2_53:
0x238: {  	[tilespmem:s6+$0xFFFFF3D0] =	vst v2;
	v7 =	vld [tilespmem:s17+$0xFFFFFF60]  }
0x239: {  	v2 =	vld [tilespmem:s17+$0xFFFFFE60];
	_ =	sdelay $0x1  }
0x23a: {  	[tilespmem:s6+$0xFFFFFFE0] =	vst v6  }
0x23b: {  	v6 =	vld [tilespmem:s17+$0xFFFFFFF0];
	[tilespmem:s6+$0xFFFFF7E0] =	vst v5  }
0x23c: {  	v5 =	vld [tilespmem:s17+$0xFFFFFEF0];
	[tilespmem:s6+$0xFFFFFBE0] =	vst v7  }
0x23d: {  	[tilespmem:s6+$0xFFFFF3E0] =	vst v2;
	v7 =	vld [tilespmem:s17+$0xFFFFFF70]  }
0x23e: {  	v2 =	vld [tilespmem:s17+$0xFFFFFE70];
	_ =	sdelay $0x1  }
0x23f: {  	[tilespmem:s6+$0xFFFFFFF0] =	vst v6  }
0x240: {  	[tilespmem:s6+$0xFFFFF7F0] =	vst v5  }
0x241: {  	v63 =	vld [tilespmem:s17+$0xFFFFFF00];
	[tilespmem:s6+$0xFFFFFBF0] =	vst v7  }
0x242: {  	[tilespmem:s6+$0xFFFFF3F0] =	vst v2;
	v2 =	vld [tilespmem:s17+$0x0]  }
0x243: {  	[tilespmem:s18+$0xFFFFF800] =	vst @p2 v3;
	v3 =	vld [tilespmem:s17+$0xFFFFFF80]  }
0x244: {  	v62 =	vld [tilespmem:s17+$0xFFFFFE80]  }
0x245: {  	[tilespmem:s18+$0xFFFFFC00] =	vst @p2 v4  }
0x246: {  	[tilespmem:s6+$0xFFFFF800] =	vst v63  }
0x247: {  	[tilespmem:s6+$0x0] =	vst v2  }
0x248: {  	[tilespmem:s6+$0xFFFFFC00] =	vst v3  }
0x249: {  	[tilespmem:s6+$0xFFFFF400] =	vst v62  }
.LBB2_47:
0x24a: {  	p2 =	sne.s32 s15, s3  }
.Ltmp41:
0x24b: {  	_ = 	snop;
	(pc) =	sbr.rel @p2 .LBB2_54-.Ltmp41, $3  }
0x24c: {  	_ =	sdelay $0x1  }
0x24d: {  	s6 =	sshrl.u32 s12, $0x7  }
0x24e: {  	s6 =	smin.u32 s6, $0xF  }
.Ltmp42:
0x24f: {  	(pc) =	sbr.rel .LBB2_56-.Ltmp42, $2  }
0x250: {  	_ =	sdelay $0x2  }
0x251: {  	s15 =	sshll.u32 s7, $0x9  }
.LBB2_54:
0x252: {  	s15 =	sshrl.u32 s6, $0x2  }
0x253: {  	s17 =	sshll.u32 s14, $0x2;
	s16 =	sshll.u32 s15, $0xB  }
0x254: {  	s15 =	sshll.u32 s15, $0xE;
	s16 =	sadd.s32 s17, s16  }
0x255: {  	s31 =	sshrl.u32 s15, $0x2;
	s16 =	sshra.s32 s16, $0x2  }
0x256: {  	s15 =	sshll.u32 s7, $0x9;
	s17 =	smov.u32 s9;
	v2 =	vmov s31;
	s16 =	sadd.s32 s16, s4  }
.LBB2_55:
0x257: {  	v3 =	vld [tilespmem:s16+$0xFFFFFF90];
	_ =	sdelay $0x4  }
0x258: {  	[tilespmem:v2+s17+$0xFFFFFF90 ss:$0x1] =	vst.idx.msk $0xffff, v3  }
0x259: {  	v3 =	vld [tilespmem:s16+$0xFFFFFFA0];
	_ =	sdelay $0x4  }
0x25a: {  	[tilespmem:v2+s17+$0xFFFFFFA0 ss:$0x1] =	vst.idx.msk $0xffff, v3  }
0x25b: {  	v3 =	vld [tilespmem:s16+$0xFFFFFFB0];
	_ =	sdelay $0x4  }
0x25c: {  	[tilespmem:v2+s17+$0xFFFFFFB0 ss:$0x1] =	vst.idx.msk $0xffff, v3  }
0x25d: {  	v3 =	vld [tilespmem:s16+$0xFFFFFFC0];
	_ =	sdelay $0x4  }
0x25e: {  	[tilespmem:v2+s17+$0xFFFFFFC0 ss:$0x1] =	vst.idx.msk $0xffff, v3  }
0x25f: {  	v3 =	vld [tilespmem:s16+$0xFFFFFFD0];
	_ =	sdelay $0x4  }
0x260: {  	[tilespmem:v2+s17+$0xFFFFFFD0 ss:$0x1] =	vst.idx.msk $0xffff, v3  }
0x261: {  	v3 =	vld [tilespmem:s16+$0xFFFFFFE0];
	_ =	sdelay $0x4  }
0x262: {  	[tilespmem:v2+s17+$0xFFFFFFE0 ss:$0x1] =	vst.idx.msk $0xffff, v3  }
0x263: {  	v3 =	vld [tilespmem:s16+$0xFFFFFFF0];
	_ =	sdelay $0x4  }
0x264: {  	s3 =	sadd.s32 $0x1, s3;
	[tilespmem:v2+s17+$0xFFFFFFF0 ss:$0x1] =	vst.idx.msk $0xffff, v3  }
0x265: {  	p2 =	slt.u32 s3, s13;
	v3 =	vld [tilespmem:s16+$0x0]  }
.Ltmp43:
0x266: {  	_ = 	snop;
	(pc) =	sbr.rel @p2 .LBB2_55-.Ltmp43, $2  }
0x267: {  	_ =	sdelay $0x2  }
0x268: {  	s16 =	sadd.s32 $0x80, s16;
	[tilespmem:v2+s17+$0x0 ss:$0x1] =	vst.idx.msk $0xffff, v3;
	s17 =	sadd.s32 $0x400, s17  }
.LBB2_56:
0x269: {  	s3 =	ssub.s32 s14, s0  }
0x26a: {  	s14 =	sshll.u32 s13, $0x7;
	s3 =	sadd.s32 $0x3FF0, s3  }
0x26b: {  	s16 =	sadd.s32 s14, s3  }
0x26c: {  	v2 =	vld [tilespmem:s16+$0x0];
	_ =	sdelay $0x2  }
0x26d: {  	v3 =	vor.u32 s14, v0  }
0x26e: {  	s15 =	sshrl.u32 s15, $0x2;
	s18 =	sshll.u32 s13, $0xA;
	vm0 =	vlt.u32 v3, s5  }
0x26f: {  	s15 =	sadd.s32 s18, s15;
	s20 =	sor.u32 $0x10, s14;
	v2 =	vnsel vm0, $0xFF800000, v2  }
0x270: {  	s17 =	sadd.s32 s20, s3;
	[tilespmem:s15+$0xC000] =	vst v2  }
0x271: {  	v2 =	vld [tilespmem:s17+$0x0];
	_ =	sdelay $0x2  }
0x272: {  	v3 =	vor.u32 s20, v0  }
0x273: {  	vm9 =	vlt.u32 v3, s5  }
0x274: {  	s25 =	sor.u32 $0x20, s14;
	v2 =	vnsel vm9, $0xFF800000, v2  }
0x275: {  	s26 =	sadd.s32 s25, s3;
	[tilespmem:s15+$0xC010] =	vst v2  }
0x276: {  	v2 =	vld [tilespmem:s26+$0x0];
	_ =	sdelay $0x2  }
0x277: {  	v3 =	vor.u32 s25, v0  }
0x278: {  	vm10 =	vlt.u32 v3, s5  }
0x279: {  	s29 =	sor.u32 $0x30, s14;
	v2 =	vnsel vm10, $0xFF800000, v2  }
0x27a: {  	s31 =	sadd.s32 s29, s3;
	[tilespmem:s15+$0xC020] =	vst v2  }
0x27b: {  	v2 =	vld [tilespmem:s31+$0x0];
	_ =	sdelay $0x2  }
0x27c: {  	v3 =	vor.u32 s29, v0  }
0x27d: {  	vm11 =	vlt.u32 v3, s5  }
0x27e: {  	s18 =	sor.u32 $0x40, s14;
	v2 =	vnsel vm11, $0xFF800000, v2  }
0x27f: {  	s20 =	sadd.s32 s18, s3;
	[tilespmem:s15+$0xC030] =	vst v2  }
0x280: {  	v2 =	vld [tilespmem:s20+$0x0];
	_ =	sdelay $0x2  }
0x281: {  	v3 =	vor.u32 s18, v0  }
0x282: {  	vm12 =	vlt.u32 v3, s5  }
0x283: {  	s25 =	sor.u32 $0x50, s14;
	v2 =	vnsel vm12, $0xFF800000, v2  }
0x284: {  	s26 =	sadd.s32 s25, s3;
	[tilespmem:s15+$0xC040] =	vst v2  }
0x285: {  	v2 =	vld [tilespmem:s26+$0x0];
	_ =	sdelay $0x2  }
0x286: {  	v3 =	vor.u32 s25, v0  }
0x287: {  	vm13 =	vlt.u32 v3, s5  }
0x288: {  	s29 =	sor.u32 $0x60, s14;
	v2 =	vnsel vm13, $0xFF800000, v2  }
0x289: {  	s31 =	sadd.s32 s29, s3;
	[tilespmem:s15+$0xC050] =	vst v2  }
0x28a: {  	v2 =	vld [tilespmem:s31+$0x0];
	_ =	sdelay $0x2  }
0x28b: {  	v3 =	vor.u32 s29, v0  }
0x28c: {  	vm14 =	vlt.u32 v3, s5  }
0x28d: {  	s14 =	sor.u32 $0x70, s14;
	v2 =	vnsel vm14, $0xFF800000, v2  }
0x28e: {  	s3 =	sadd.s32 s14, s3;
	[tilespmem:s15+$0xC060] =	vst v2  }
0x28f: {  	v2 =	vld [tilespmem:s3+$0x0];
	_ =	sdelay $0x1  }
.Ltmp44:
0x290: {  	_ = 	snop;
	(pc) =	sbr.rel @p1 .LBB2_61-.Ltmp44, $4  }
0x291: {  	v3 =	vor.u32 s14, v0  }
0x292: {  	vm15 =	vlt.u32 v3, s5  }
0x293: {  	v2 =	vnsel vm15, $0xFF800000, v2  }
0x294: {  	[tilespmem:s15+$0xC070] =	vst v2  }
0x295: {  	s3 =	sor.u32 $0xFFFFFFF1, s13  }
0x296: {  	s16 =	sadd.s32 $0x1, s13;
	s13 =	ssub.s32 s13, s3  }
0x297: {  	p2 =	sge.u32 s16, s13  }
.Ltmp45:
0x298: {  	_ = 	snop;
	(pc) =	sbr.rel @p2 .LBB2_58-.Ltmp45, $2  }
0x299: {  	_ =	sdelay $0x2  }
0x29a: {  	s5 =	sshll.u32 s6, $0xC  }
0x29b: {  	s15 =	sshrl.u32 s5, $0x2  }
0x29c: {  	s14 =	sadd.s32 s15, s10  }
0x29d: {  	[tilespmem:s14+$0x4870] =	vst v1  }
0x29e: {  	[tilespmem:s14+$0x4400] =	vst v1  }
0x29f: {  	[tilespmem:s14+$0x4410] =	vst v1  }
0x2a0: {  	[tilespmem:s14+$0x4420] =	vst v1  }
0x2a1: {  	[tilespmem:s14+$0x4430] =	vst v1  }
0x2a2: {  	[tilespmem:s14+$0x4440] =	vst v1  }
0x2a3: {  	[tilespmem:s14+$0x4450] =	vst v1  }
0x2a4: {  	s16 =	sadd.s32 $0x2, s16;
	[tilespmem:s14+$0x4460] =	vst v1  }
0x2a5: {  	p2 =	slt.u32 s16, s13;
	[tilespmem:s14+$0x4470] =	vst v1  }
.Ltmp46:
0x2a6: {  	[tilespmem:s14+$0x4800] =	vst v1;
	(pc) =	sbr.rel @!p2 .LBB2_67-.Ltmp46, $4  }
0x2a7: {  	[tilespmem:s14+$0x4810] =	vst v1  }
0x2a8: {  	[tilespmem:s14+$0x4820] =	vst v1  }
0x2a9: {  	[tilespmem:s14+$0x4830] =	vst v1  }
0x2aa: {  	s17 =	smov.u32 s10;
	[tilespmem:s14+$0x4840] =	vst v1  }
.LBB2_66:
0x2ab: {  	s16 =	sadd.s32 $0x2, s16;
	[tilespmem:s14+$0x4850] =	vst v1;
	s17 =	sadd.s32 $0x800, s17  }
0x2ac: {  	p2 =	slt.u32 s16, s13;
	[tilespmem:s14+$0x4860] =	vst v1;
	s14 =	sadd.s32 s15, s17  }
0x2ad: {  	[tilespmem:s14+$0x4870] =	vst v1  }
0x2ae: {  	[tilespmem:s14+$0x4400] =	vst v1  }
0x2af: {  	[tilespmem:s14+$0x4410] =	vst v1  }
0x2b0: {  	[tilespmem:s14+$0x4420] =	vst v1  }
0x2b1: {  	[tilespmem:s14+$0x4430] =	vst v1  }
0x2b2: {  	[tilespmem:s14+$0x4440] =	vst v1  }
0x2b3: {  	[tilespmem:s14+$0x4450] =	vst v1  }
0x2b4: {  	[tilespmem:s14+$0x4460] =	vst v1  }
0x2b5: {  	[tilespmem:s14+$0x4470] =	vst v1  }
.Ltmp47:
0x2b6: {  	[tilespmem:s14+$0x4800] =	vst v1;
	(pc) =	sbr.rel @p2 .LBB2_66-.Ltmp47, $4  }
0x2b7: {  	[tilespmem:s14+$0x4810] =	vst v1  }
0x2b8: {  	[tilespmem:s14+$0x4820] =	vst v1  }
0x2b9: {  	[tilespmem:s14+$0x4830] =	vst v1  }
0x2ba: {  	[tilespmem:s14+$0x4840] =	vst v1  }
.LBB2_67:
0x2bb: {  	[tilespmem:s14+$0x4850] =	vst v1  }
0x2bc: {  	[tilespmem:s14+$0x4860] =	vst v1  }
.LBB2_58:
0x2bd: {  	p2 =	sgt.u32 s13, $0xF  }
.Ltmp48:
0x2be: {  	_ = 	snop;
	(pc) =	sbr.rel @p2 .LBB2_61-.Ltmp48, $1  }
0x2bf: {  	_ =	sdelay $0x3  }
0x2c0: {  	s13 =	sshll.u32 s3, $0xC  }
0x2c1: {  	s5 =	ssub.s32 s5, s13  }
0x2c2: {  	s31 =	sxor.u32 $0xFFFFFFFF, s3;
	s5 =	sshra.s32 s5, $0x2  }
0x2c3: {  	s3 =	sadd.s32 s6, s31;
	s5 =	sadd.s32 s5, s11  }
.LBB2_60:
0x2c4: {  	[tilespmem:s5+$0xFFFFFFC0] =	vst v1  }
0x2c5: {  	[tilespmem:s5+$0xFFFFFFD0] =	vst v1;
	s3 =	sadd.s32 $0x1, s3  }
0x2c6: {  	[tilespmem:s5+$0xFFFFFFE0] =	vst v1;
	p2 =	slt.u32 s3, $0xF  }
.Ltmp49:
0x2c7: {  	[tilespmem:s5+$0xFFFFFFF0] =	vst v1;
	(pc) =	sbr.rel @p2 .LBB2_60-.Ltmp49, $4  }
0x2c8: {  	[tilespmem:s5+$0x0] =	vst v1  }
0x2c9: {  	[tilespmem:s5+$0x10] =	vst v1  }
0x2ca: {  	[tilespmem:s5+$0x20] =	vst v1  }
0x2cb: {  	[tilespmem:s5+$0x30] =	vst v1;
	s5 =	sadd.s32 $0x400, s5  }
.Ltmp50:
0x2cc: {  	_ = 	snop;
	(pc) =	sbr.rel .LBB2_61-.Ltmp50, $1  }
0x2cd: {  	_ =	sdelay $0x3  }
.LBB2_46:
.Ltmp51:
0x2ce: {  	(pc) =	sbr.rel .LBB2_53-.Ltmp51, $2  }
0x2cf: {  	_ =	sdelay $0x2  }
0x2d0: {  	s6 =	smov.u32 s8  }
.LBB2_50:
.Ltmp52:
0x2d1: {  	(pc) =	sbr.rel .LBB2_53-.Ltmp52, $2  }
0x2d2: {  	_ =	sdelay $0x2  }
0x2d3: {  	s18 =	smov.u32 s8;
	s17 =	smov.u32 s16  }
.LBB2_40:
.Ltmp53:
0x2d4: {  	(pc) =	sbr.rel .LBB2_43-.Ltmp53, $4  }
0x2d5: {  	s2 =	simm.s32 $0x2  }
0x2d6: {  	_ =	swait.ge [sflag:s2], $0x1070  }
0x2d7: {  	[sflag:s2] =	ssyncset.done $0x0  }
0x2d8: {  	[sflag:s2] =	ssyncadd.s32 $0xFFFFEF90  }
.LBB2_64:
0x2d9: {  	_ =	sfence.sel $0x180000  }
0x2da: {  	[bflag:$0x0] =	sbarrier.arrive $0xFFFF  }
0x2db: {  	_ =	strace $0x90000047  }
0x2dc: {  	s0 =	stileid.u32;
	[bflag:$0x2] =	sbarrier.arrive $0xFFFF  }
0x2dd: {  	p0 =	sne.s32 s0, $0x0;
	s0 =	rddreg [dreg:$0x3]  }
0x2de: {  	s0 =	sadd.s32 @!p0 $0x100000, s0  }
0x2df: {  	[sflag:s0] =	ssyncadd.tile.s32 @!p0 $0x1;
	_ =	shalt  }
.Lfunc_end2:
_tile_overlayer_lowered:
.L_overlay_start_2:
0x2e0: {  	(tag) =	ssettag $0x2  }
0x2e1: {  	s0 =	rddreg [dreg:$0x0];
	s2 =	stileid.u32  }
0x2e2: {  	s1 =	rddreg [dreg:$0x1];
	p0 =	sne.s32 s2, $0x0  }
0x2e3: {  	s3 =	rddreg [dreg:$0x2];
	[bflag:$0x3] =	sbarrier.arrive $0xFFFF;
	s2 =	simm.s32 @!p0 $0x1C06  }
0x2e4: {  	[timem:s3], [sflag:s2] =	dma.local @!p0 [hbm:s0], s1  }
0x2e5: {  	s0 =	simm.s32 @!p0 $0x6  }
0x2e6: {  	_ =	swait.ge @!p0 [sflag:s0], s1  }
0x2e7: {  	s1 =	ssub.s32 @!p0 $0x0, s1;
	[sflag:s0] =	ssyncset.done @!p0 $0x0  }
0x2e8: {  	[sflag:s0] =	ssyncadd.s32 @!p0 s1  }
0x2e9: {  	[bflag:$0x3] =	sbarrier.arrive $0xFFFF  }
0x2ea: {  	_ =	shalt  }

</sc_bundles>
